<compile_context>
chip_gen: v7x
topology: tpu7x:2x2x1
jax: 0.10.2.dev20260603
libtpu: 0.0.44.dev20260713+nightly
codegen_flags: <defaults>
</compile_context>

<pallas_src>
import jax
import jax.numpy as jnp
from jax import lax
from jax.experimental import pallas as pl
from jax.experimental.pallas import tpu as pltpu
from jax.experimental.pallas import tpu_sc as plsc

_MAXLEN = 8192
_EMBED = 128
_BATCH = 4
_NC = 2
_NS = 16
_ROWS = _MAXLEN // (_NC * _NS)
_CHUNK = 128
_HALVES = _ROWS // _CHUNK
_NCHUNKS = _BATCH * _HALVES
_RING = 4
_LANES = 16


def _sc_body(x_hbm, pos_hbm, out_hbm, pos_v, ring0, ring1, ring2, ring3,
             *sems):
    wid = lax.axis_index("s") * _NC + lax.axis_index("c")
    t0 = wid * _ROWS

    ring = (ring0, ring1, ring2, ring3)
    lsems = sems[0:_RING]
    ssems = sems[_RING:2 * _RING]

    loads, stores = {}, {}
    loads[0] = pltpu.async_copy(
        x_hbm.at[0, pl.ds(t0, _CHUNK)], ring[0], lsems[0])
    pltpu.sync_copy(pos_hbm.at[pl.ds(t0, _ROWS)], pos_v)

    for step in range(_NCHUNKS):
        if step + 1 < _NCHUNKS:
            c = step + 1
            if c >= _RING:
                stores[c - _RING].wait()
            b, h = divmod(c, _HALVES)
            loads[c] = pltpu.async_copy(
                x_hbm.at[b, pl.ds(t0 + h * _CHUNK, _CHUNK)],
                ring[c % _RING], lsems[c % _RING])
        c = step
        loads[c].wait()
        buf = ring[c % _RING]
        b, h = divmod(c, _HALVES)
        poff = h * _CHUNK

        @plsc.parallel_loop(0, _CHUNK, step=1, unroll=4)
        def _row(r):
            for k in range(_EMBED // _LANES):
                sl = pl.ds(k * _LANES, _LANES)
                buf[r, sl] = buf[r, sl] + pos_v[poff + r, sl]

        stores[c] = pltpu.async_copy(
            buf, out_hbm.at[b, pl.ds(t0 + h * _CHUNK, _CHUNK)],
            ssems[c % _RING])
    for c in range(_NCHUNKS - _RING, _NCHUNKS):
        stores[c].wait()


def kernel(x, pos_table):
    mesh = plsc.VectorSubcoreMesh(core_axis_name="c", subcore_axis_name="s",
                                  num_cores=_NC, num_subcores=_NS)
    run = pl.kernel(
        _sc_body,
        out_type=jax.ShapeDtypeStruct((_BATCH, _MAXLEN, _EMBED), jnp.float32),
        mesh=mesh,
        scratch_types=(
            [pltpu.VMEM((_ROWS, _EMBED), jnp.float32)]
            + [pltpu.VMEM((_CHUNK, _EMBED), jnp.float32)] * _RING
            + [pltpu.SemaphoreType.DMA] * (2 * _RING)
        ),
    )
    return run(x, pos_table)

# --- scband reference (transcript-rebuilt; emitter-appended) ---
"""Pipeline reference for scband-position-embedding-84559316123755 (READ-ONLY COPY).

The authoritative reference and input builder live on the scoring server;
editing this copy changes nothing except your own understanding.
"""

import jax, jax.numpy as jnp
import numpy as np

MAXLEN = 8192
EMBED_DIM = 128
BATCH = 4

def setup_inputs(seed: int = 0) -> dict:
    key = jax.random.key(seed)
    k1, k2 = jax.random.split(key)
    x = jax.random.normal(k1, (BATCH, MAXLEN, EMBED_DIM), dtype=jnp.float32)
    pos_table = jax.random.normal(k2, (MAXLEN, EMBED_DIM), dtype=jnp.float32) * 0.02
    return {"x": x, "pos_table": pos_table}

def reference(x, pos_table):
    # positions = tf.range(0, maxlen); pos_emb lookup then broadcast-add
    positions = jnp.arange(MAXLEN, dtype=jnp.int32)
    pos = jnp.take(pos_table, positions, axis=0)  # [maxlen, embed_dim]
    return x + pos[None, :, :]

if __name__ == "__main__":
    import jax
    _d = setup_inputs()
    print(jax.jit(kernel)(*tuple(_d.values())))

</pallas_src>

<mosaic_0001>
#map = affine_map<(d0, d1) -> (0, 0, 0)>
#map1 = affine_map<(d0, d1) -> (0, 0)>
module attributes {stable_mosaic.version = 14 : i64} {
  func.func @_sc_body(%arg0: i32, %arg1: i32, %arg2: memref<4x8192x128xf32, #tpu.memory_space<hbm>>, %arg3: memref<8192x128xf32, #tpu.memory_space<hbm>>, %arg4: memref<4x8192x128xf32, #tpu.memory_space<hbm>>, %arg5: memref<256x128xf32, #tpu.memory_space<vmem>>, %arg6: memref<128x128xf32, #tpu.memory_space<vmem>>, %arg7: memref<128x128xf32, #tpu.memory_space<vmem>>, %arg8: memref<128x128xf32, #tpu.memory_space<vmem>>, %arg9: memref<128x128xf32, #tpu.memory_space<vmem>>, %arg10: memref<!tpu.dma_semaphore, #tpu.memory_space<semaphore_mem>>, %arg11: memref<!tpu.dma_semaphore, #tpu.memory_space<semaphore_mem>>, %arg12: memref<!tpu.dma_semaphore, #tpu.memory_space<semaphore_mem>>, %arg13: memref<!tpu.dma_semaphore, #tpu.memory_space<semaphore_mem>>, %arg14: memref<!tpu.dma_semaphore, #tpu.memory_space<semaphore_mem>>, %arg15: memref<!tpu.dma_semaphore, #tpu.memory_space<semaphore_mem>>, %arg16: memref<!tpu.dma_semaphore, #tpu.memory_space<semaphore_mem>>, %arg17: memref<!tpu.dma_semaphore, #tpu.memory_space<semaphore_mem>>) attributes {dimension_semantics = [#tpu.dimension_semantics<core_parallel>, #tpu.dimension_semantics<subcore_parallel>], iteration_bounds = array<i64: 2, 16>, scalar_prefetch = 0 : i64, scratch_operands = 13 : i64, tpu.core_type = #tpu.core_type<sc_vector_subcore>, window_params = [{transform_indices = #map}, {transform_indices = #map1}, {transform_indices = #map}]} {
    %mul3A = arith.constant 2 : i32
    %mul3A_0 = arith.muli %arg1, %mul3A : i32
    %add3A = arith.addi %mul3A_0, %arg0 : i32
    %mul3A_1 = arith.constant 256 : i32
    %mul3A_2 = arith.muli %add3A, %mul3A_1 : i32
    %dma_start3A = arith.constant 0 : i32
    %dma_start3A_3 = arith.constant 0 : i32
    %dma_start3A_4 = tpu.memref_slice %arg2[%dma_start3A, %mul3A_2, %dma_start3A_3] : memref<4x8192x128xf32, #tpu.memory_space<hbm>> -> memref<1x128x128xf32, #tpu.memory_space<hbm>>
    %dma_start3A_5 = tpu.memref_squeeze %dma_start3A_4 : memref<1x128x128xf32, #tpu.memory_space<hbm>> -> memref<128x128xf32, #tpu.memory_space<hbm>>
    %dma_start3A_6 = arith.constant 0 : i32
    %dma_start3A_7 = tpu.memref_slice %arg2[%dma_start3A, %mul3A_2, %dma_start3A_6] : memref<4x8192x128xf32, #tpu.memory_space<hbm>> -> memref<1x128x128xf32, #tpu.memory_space<hbm>>
    %dma_start3A_8 = tpu.memref_squeeze %dma_start3A_7 : memref<1x128x128xf32, #tpu.memory_space<hbm>> -> memref<128x128xf32, #tpu.memory_space<hbm>>
    tpu.enqueue_dma source(%dma_start3A_8 : memref<128x128xf32, #tpu.memory_space<hbm>>) target(%arg6 : memref<128x128xf32, #tpu.memory_space<vmem>>) target_semaphore(%arg10 : memref<!tpu.dma_semaphore, #tpu.memory_space<semaphore_mem>>)
    "tpu.region"() ({
      %run_scoped3A = tpu.sem_alloc : memref<!tpu.dma_semaphore, #tpu.memory_space<semaphore_mem>>
      %dma_start3A_278 = arith.constant 0 : i32
      %dma_start3A_279 = tpu.memref_slice %arg3[%mul3A_2, %dma_start3A_278] : memref<8192x128xf32, #tpu.memory_space<hbm>> -> memref<256x128xf32, #tpu.memory_space<hbm>>
      %dma_start3A_280 = arith.constant 0 : i32
      %dma_start3A_281 = tpu.memref_slice %arg3[%mul3A_2, %dma_start3A_280] : memref<8192x128xf32, #tpu.memory_space<hbm>> -> memref<256x128xf32, #tpu.memory_space<hbm>>
      tpu.enqueue_dma source(%dma_start3A_281 : memref<256x128xf32, #tpu.memory_space<hbm>>) target(%arg5 : memref<256x128xf32, #tpu.memory_space<vmem>>) target_semaphore(%run_scoped3A : memref<!tpu.dma_semaphore, #tpu.memory_space<semaphore_mem>>)
      %dma_wait3A_282 = arith.constant 0 : i32
      %dma_wait3A_283 = tpu.memref_slice %arg3[%mul3A_2, %dma_wait3A_282] : memref<8192x128xf32, #tpu.memory_space<hbm>> -> memref<256x128xf32, #tpu.memory_space<hbm>>
      %dma_wait3A_284 = arith.constant 0 : i32
      %dma_wait3A_285 = tpu.memref_slice %arg3[%mul3A_2, %dma_wait3A_284] : memref<8192x128xf32, #tpu.memory_space<hbm>> -> memref<256x128xf32, #tpu.memory_space<hbm>>
      tpu.wait_dma2 semaphore(%run_scoped3A : memref<!tpu.dma_semaphore, #tpu.memory_space<semaphore_mem>>) src(%dma_wait3A_285 : memref<256x128xf32, #tpu.memory_space<hbm>>) dst(%arg5 : memref<256x128xf32, #tpu.memory_space<vmem>>)
      tpu.yield
    }) : () -> ()
    %add3A_9 = arith.constant 128 : i32
    %add3A_10 = arith.addi %mul3A_2, %add3A_9 : i32
    %dma_start3A_11 = arith.constant 0 : i32
    %dma_start3A_12 = arith.constant 0 : i32
    %dma_start3A_13 = tpu.memref_slice %arg2[%dma_start3A_11, %add3A_10, %dma_start3A_12] : memref<4x8192x128xf32, #tpu.memory_space<hbm>> -> memref<1x128x128xf32, #tpu.memory_space<hbm>>
    %dma_start3A_14 = tpu.memref_squeeze %dma_start3A_13 : memref<1x128x128xf32, #tpu.memory_space<hbm>> -> memref<128x128xf32, #tpu.memory_space<hbm>>
    %dma_start3A_15 = arith.constant 0 : i32
    %dma_start3A_16 = tpu.memref_slice %arg2[%dma_start3A_11, %add3A_10, %dma_start3A_15] : memref<4x8192x128xf32, #tpu.memory_space<hbm>> -> memref<1x128x128xf32, #tpu.memory_space<hbm>>
    %dma_start3A_17 = tpu.memref_squeeze %dma_start3A_16 : memref<1x128x128xf32, #tpu.memory_space<hbm>> -> memref<128x128xf32, #tpu.memory_space<hbm>>
    tpu.enqueue_dma source(%dma_start3A_17 : memref<128x128xf32, #tpu.memory_space<hbm>>) target(%arg7 : memref<128x128xf32, #tpu.memory_space<vmem>>) target_semaphore(%arg11 : memref<!tpu.dma_semaphore, #tpu.memory_space<semaphore_mem>>)
    %dma_wait3A = arith.constant 0 : i32
    %dma_wait3A_18 = arith.constant 0 : i32
    %dma_wait3A_19 = tpu.memref_slice %arg2[%dma_wait3A, %mul3A_2, %dma_wait3A_18] : memref<4x8192x128xf32, #tpu.memory_space<hbm>> -> memref<1x128x128xf32, #tpu.memory_space<hbm>>
    %dma_wait3A_20 = tpu.memref_squeeze %dma_wait3A_19 : memref<1x128x128xf32, #tpu.memory_space<hbm>> -> memref<128x128xf32, #tpu.memory_space<hbm>>
    %dma_wait3A_21 = arith.constant 0 : i32
    %dma_wait3A_22 = tpu.memref_slice %arg2[%dma_wait3A, %mul3A_2, %dma_wait3A_21] : memref<4x8192x128xf32, #tpu.memory_space<hbm>> -> memref<1x128x128xf32, #tpu.memory_space<hbm>>
    %dma_wait3A_23 = tpu.memref_squeeze %dma_wait3A_22 : memref<1x128x128xf32, #tpu.memory_space<hbm>> -> memref<128x128xf32, #tpu.memory_space<hbm>>
    tpu.wait_dma2 semaphore(%arg10 : memref<!tpu.dma_semaphore, #tpu.memory_space<semaphore_mem>>) src(%dma_wait3A_23 : memref<128x128xf32, #tpu.memory_space<hbm>>) dst(%arg6 : memref<128x128xf32, #tpu.memory_space<vmem>>)
    %parallel_loop3A = arith.constant 0 : i32
    %parallel_loop3A_24 = arith.constant 128 : i32
    %parallel_loop3A_25 = arith.constant 1 : i32
    scf.for %parallel_loop3A_278 = %parallel_loop3A to %parallel_loop3A_24 step %parallel_loop3A_25  : i32 {
      %parallel_loop3A_279 = arith.index_cast %parallel_loop3A_278 : i32 to index
      %parallel_loop3A_280 = arith.constant 0 : index
      %parallel_loop3A_281 = tpu.vector_load %arg6[%parallel_loop3A_279, %parallel_loop3A_280] {strides = array<i32>} : memref<128x128xf32, #tpu.memory_space<vmem>>, vector<1x16xf32>,
      %parallel_loop3A_282 = vector.shape_cast %parallel_loop3A_281 : vector<1x16xf32> to vector<16xf32>
      %parallel_loop3A_283 = arith.constant 0 : i32
      %parallel_loop3A_284 = arith.addi %parallel_loop3A_283, %parallel_loop3A_278 : i32
      %parallel_loop3A_285 = arith.index_cast %parallel_loop3A_284 : i32 to index
      %parallel_loop3A_286 = arith.constant 0 : index
      %parallel_loop3A_287 = tpu.vector_load %arg5[%parallel_loop3A_285, %parallel_loop3A_286] {strides = array<i32>} : memref<256x128xf32, #tpu.memory_space<vmem>>, vector<1x16xf32>,
      %parallel_loop3A_288 = vector.shape_cast %parallel_loop3A_287 : vector<1x16xf32> to vector<16xf32>
      %parallel_loop3A_289 = arith.addf %parallel_loop3A_282, %parallel_loop3A_288 : vector<16xf32>
      %parallel_loop3A_290 = arith.index_cast %parallel_loop3A_278 : i32 to index
      %parallel_loop3A_291 = arith.constant 0 : index
      %parallel_loop3A_292 = tpu.vector_load %arg6[%parallel_loop3A_290, %parallel_loop3A_291] {strides = array<i32>} : memref<128x128xf32, #tpu.memory_space<vmem>>, vector<1x16xf32>,
      %parallel_loop3A_293 = vector.shape_cast %parallel_loop3A_292 : vector<1x16xf32> to vector<16xf32>
      %parallel_loop3A_294 = vector.shape_cast %parallel_loop3A_289 : vector<16xf32> to vector<1x16xf32>
      tpu.vector_store %arg6[%parallel_loop3A_290, %parallel_loop3A_291], %parallel_loop3A_294 {strides = array<i32>} : memref<128x128xf32, #tpu.memory_space<vmem>>, vector<1x16xf32>,
      %parallel_loop3A_295 = arith.index_cast %parallel_loop3A_278 : i32 to index
      %parallel_loop3A_296 = arith.constant 16 : index
      %parallel_loop3A_297 = tpu.vector_load %arg6[%parallel_loop3A_295, %parallel_loop3A_296] {strides = array<i32>} : memref<128x128xf32, #tpu.memory_space<vmem>>, vector<1x16xf32>,
      %parallel_loop3A_298 = vector.shape_cast %parallel_loop3A_297 : vector<1x16xf32> to vector<16xf32>
      %parallel_loop3A_299 = arith.constant 0 : i32
      %parallel_loop3A_300 = arith.addi %parallel_loop3A_299, %parallel_loop3A_278 : i32
      %parallel_loop3A_301 = arith.index_cast %parallel_loop3A_300 : i32 to index
      %parallel_loop3A_302 = arith.constant 16 : index
      %parallel_loop3A_303 = tpu.vector_load %arg5[%parallel_loop3A_301, %parallel_loop3A_302] {strides = array<i32>} : memref<256x128xf32, #tpu.memory_space<vmem>>, vector<1x16xf32>,
      %parallel_loop3A_304 = vector.shape_cast %parallel_loop3A_303 : vector<1x16xf32> to vector<16xf32>
      %parallel_loop3A_305 = arith.addf %parallel_loop3A_298, %parallel_loop3A_304 : vector<16xf32>
      %parallel_loop3A_306 = arith.index_cast %parallel_loop3A_278 : i32 to index
      %parallel_loop3A_307 = arith.constant 16 : index
      %parallel_loop3A_308 = tpu.vector_load %arg6[%parallel_loop3A_306, %parallel_loop3A_307] {strides = array<i32>} : memref<128x128xf32, #tpu.memory_space<vmem>>, vector<1x16xf32>,
      %parallel_loop3A_309 = vector.shape_cast %parallel_loop3A_308 : vector<1x16xf32> to vector<16xf32>
      %parallel_loop3A_310 = vector.shape_cast %parallel_loop3A_305 : vector<16xf32> to vector<1x16xf32>
      tpu.vector_store %arg6[%parallel_loop3A_306, %parallel_loop3A_307], %parallel_loop3A_310 {strides = array<i32>} : memref<128x128xf32, #tpu.memory_space<vmem>>, vector<1x16xf32>,
      %parallel_loop3A_311 = arith.index_cast %parallel_loop3A_278 : i32 to index
      %parallel_loop3A_312 = arith.constant 32 : index
      %parallel_loop3A_313 = tpu.vector_load %arg6[%parallel_loop3A_311, %parallel_loop3A_312] {strides = array<i32>} : memref<128x128xf32, #tpu.memory_space<vmem>>, vector<1x16xf32>,
      %parallel_loop3A_314 = vector.shape_cast %parallel_loop3A_313 : vector<1x16xf32> to vector<16xf32>
      %parallel_loop3A_315 = arith.constant 0 : i32
      %parallel_loop3A_316 = arith.addi %parallel_loop3A_315, %parallel_loop3A_278 : i32
      %parallel_loop3A_317 = arith.index_cast %parallel_loop3A_316 : i32 to index
      %parallel_loop3A_318 = arith.constant 32 : index
      %parallel_loop3A_319 = tpu.vector_load %arg5[%parallel_loop3A_317, %parallel_loop3A_318] {strides = array<i32>} : memref<256x128xf32, #tpu.memory_space<vmem>>, vector<1x16xf32>,
      %parallel_loop3A_320 = vector.shape_cast %parallel_loop3A_319 : vector<1x16xf32> to vector<16xf32>
      %parallel_loop3A_321 = arith.addf %parallel_loop3A_314, %parallel_loop3A_320 : vector<16xf32>
      %parallel_loop3A_322 = arith.index_cast %parallel_loop3A_278 : i32 to index
      %parallel_loop3A_323 = arith.constant 32 : index
      %parallel_loop3A_324 = tpu.vector_load %arg6[%parallel_loop3A_322, %parallel_loop3A_323] {strides = array<i32>} : memref<128x128xf32, #tpu.memory_space<vmem>>, vector<1x16xf32>,
      %parallel_loop3A_325 = vector.shape_cast %parallel_loop3A_324 : vector<1x16xf32> to vector<16xf32>
      %parallel_loop3A_326 = vector.shape_cast %parallel_loop3A_321 : vector<16xf32> to vector<1x16xf32>
      tpu.vector_store %arg6[%parallel_loop3A_322, %parallel_loop3A_323], %parallel_loop3A_326 {strides = array<i32>} : memref<128x128xf32, #tpu.memory_space<vmem>>, vector<1x16xf32>,
      %parallel_loop3A_327 = arith.index_cast %parallel_loop3A_278 : i32 to index
      %parallel_loop3A_328 = arith.constant 48 : index
      %parallel_loop3A_329 = tpu.vector_load %arg6[%parallel_loop3A_327, %parallel_loop3A_328] {strides = array<i32>} : memref<128x128xf32, #tpu.memory_space<vmem>>, vector<1x16xf32>,
      %parallel_loop3A_330 = vector.shape_cast %parallel_loop3A_329 : vector<1x16xf32> to vector<16xf32>
      %parallel_loop3A_331 = arith.constant 0 : i32
      %parallel_loop3A_332 = arith.addi %parallel_loop3A_331, %parallel_loop3A_278 : i32
      %parallel_loop3A_333 = arith.index_cast %parallel_loop3A_332 : i32 to index
      %parallel_loop3A_334 = arith.constant 48 : index
      %parallel_loop3A_335 = tpu.vector_load %arg5[%parallel_loop3A_333, %parallel_loop3A_334] {strides = array<i32>} : memref<256x128xf32, #tpu.memory_space<vmem>>, vector<1x16xf32>,
      %parallel_loop3A_336 = vector.shape_cast %parallel_loop3A_335 : vector<1x16xf32> to vector<16xf32>
      %parallel_loop3A_337 = arith.addf %parallel_loop3A_330, %parallel_loop3A_336 : vector<16xf32>
      %parallel_loop3A_338 = arith.index_cast %parallel_loop3A_278 : i32 to index
      %parallel_loop3A_339 = arith.constant 48 : index
      %parallel_loop3A_340 = tpu.vector_load %arg6[%parallel_loop3A_338, %parallel_loop3A_339] {strides = array<i32>} : memref<128x128xf32, #tpu.memory_space<vmem>>, vector<1x16xf32>,
      %parallel_loop3A_341 = vector.shape_cast %parallel_loop3A_340 : vector<1x16xf32> to vector<16xf32>
      %parallel_loop3A_342 = vector.shape_cast %parallel_loop3A_337 : vector<16xf32> to vector<1x16xf32>
      tpu.vector_store %arg6[%parallel_loop3A_338, %parallel_loop3A_339], %parallel_loop3A_342 {strides = array<i32>} : memref<128x128xf32, #tpu.memory_space<vmem>>, vector<1x16xf32>,
      %parallel_loop3A_343 = arith.index_cast %parallel_loop3A_278 : i32 to index
      %parallel_loop3A_344 = arith.constant 64 : index
      %parallel_loop3A_345 = tpu.vector_load %arg6[%parallel_loop3A_343, %parallel_loop3A_344] {strides = array<i32>} : memref<128x128xf32, #tpu.memory_space<vmem>>, vector<1x16xf32>,
      %parallel_loop3A_346 = vector.shape_cast %parallel_loop3A_345 : vector<1x16xf32> to vector<16xf32>
      %parallel_loop3A_347 = arith.constant 0 : i32
      %parallel_loop3A_348 = arith.addi %parallel_loop3A_347, %parallel_loop3A_278 : i32
      %parallel_loop3A_349 = arith.index_cast %parallel_loop3A_348 : i32 to index
      %parallel_loop3A_350 = arith.constant 64 : index
      %parallel_loop3A_351 = tpu.vector_load %arg5[%parallel_loop3A_349, %parallel_loop3A_350] {strides = array<i32>} : memref<256x128xf32, #tpu.memory_space<vmem>>, vector<1x16xf32>,
      %parallel_loop3A_352 = vector.shape_cast %parallel_loop3A_351 : vector<1x16xf32> to vector<16xf32>
      %parallel_loop3A_353 = arith.addf %parallel_loop3A_346, %parallel_loop3A_352 : vector<16xf32>
      %parallel_loop3A_354 = arith.index_cast %parallel_loop3A_278 : i32 to index
      %parallel_loop3A_355 = arith.constant 64 : index
      %parallel_loop3A_356 = tpu.vector_load %arg6[%parallel_loop3A_354, %parallel_loop3A_355] {strides = array<i32>} : memref<128x128xf32, #tpu.memory_space<vmem>>, vector<1x16xf32>,
      %parallel_loop3A_357 = vector.shape_cast %parallel_loop3A_356 : vector<1x16xf32> to vector<16xf32>
      %parallel_loop3A_358 = vector.shape_cast %parallel_loop3A_353 : vector<16xf32> to vector<1x16xf32>
      tpu.vector_store %arg6[%parallel_loop3A_354, %parallel_loop3A_355], %parallel_loop3A_358 {strides = array<i32>} : memref<128x128xf32, #tpu.memory_space<vmem>>, vector<1x16xf32>,
      %parallel_loop3A_359 = arith.index_cast %parallel_loop3A_278 : i32 to index
      %parallel_loop3A_360 = arith.constant 80 : index
      %parallel_loop3A_361 = tpu.vector_load %arg6[%parallel_loop3A_359, %parallel_loop3A_360] {strides = array<i32>} : memref<128x128xf32, #tpu.memory_space<vmem>>, vector<1x16xf32>,
      %parallel_loop3A_362 = vector.shape_cast %parallel_loop3A_361 : vector<1x16xf32> to vector<16xf32>
      %parallel_loop3A_363 = arith.constant 0 : i32
      %parallel_loop3A_364 = arith.addi %parallel_loop3A_363, %parallel_loop3A_278 : i32
      %parallel_loop3A_365 = arith.index_cast %parallel_loop3A_364 : i32 to index
      %parallel_loop3A_366 = arith.constant 80 : index
      %parallel_loop3A_367 = tpu.vector_load %arg5[%parallel_loop3A_365, %parallel_loop3A_366] {strides = array<i32>} : memref<256x128xf32, #tpu.memory_space<vmem>>, vector<1x16xf32>,
      %parallel_loop3A_368 = vector.shape_cast %parallel_loop3A_367 : vector<1x16xf32> to vector<16xf32>
      %parallel_loop3A_369 = arith.addf %parallel_loop3A_362, %parallel_loop3A_368 : vector<16xf32>
      %parallel_loop3A_370 = arith.index_cast %parallel_loop3A_278 : i32 to index
      %parallel_loop3A_371 = arith.constant 80 : index
      %parallel_loop3A_372 = tpu.vector_load %arg6[%parallel_loop3A_370, %parallel_loop3A_371] {strides = array<i32>} : memref<128x128xf32, #tpu.memory_space<vmem>>, vector<1x16xf32>,
      %parallel_loop3A_373 = vector.shape_cast %parallel_loop3A_372 : vector<1x16xf32> to vector<16xf32>
      %parallel_loop3A_374 = vector.shape_cast %parallel_loop3A_369 : vector<16xf32> to vector<1x16xf32>
      tpu.vector_store %arg6[%parallel_loop3A_370, %parallel_loop3A_371], %parallel_loop3A_374 {strides = array<i32>} : memref<128x128xf32, #tpu.memory_space<vmem>>, vector<1x16xf32>,
      %parallel_loop3A_375 = arith.index_cast %parallel_loop3A_278 : i32 to index
      %parallel_loop3A_376 = arith.constant 96 : index
      %parallel_loop3A_377 = tpu.vector_load %arg6[%parallel_loop3A_375, %parallel_loop3A_376] {strides = array<i32>} : memref<128x128xf32, #tpu.memory_space<vmem>>, vector<1x16xf32>,
      %parallel_loop3A_378 = vector.shape_cast %parallel_loop3A_377 : vector<1x16xf32> to vector<16xf32>
      %parallel_loop3A_379 = arith.constant 0 : i32
      %parallel_loop3A_380 = arith.addi %parallel_loop3A_379, %parallel_loop3A_278 : i32
      %parallel_loop3A_381 = arith.index_cast %parallel_loop3A_380 : i32 to index
      %parallel_loop3A_382 = arith.constant 96 : index
      %parallel_loop3A_383 = tpu.vector_load %arg5[%parallel_loop3A_381, %parallel_loop3A_382] {strides = array<i32>} : memref<256x128xf32, #tpu.memory_space<vmem>>, vector<1x16xf32>,
      %parallel_loop3A_384 = vector.shape_cast %parallel_loop3A_383 : vector<1x16xf32> to vector<16xf32>
      %parallel_loop3A_385 = arith.addf %parallel_loop3A_378, %parallel_loop3A_384 : vector<16xf32>
      %parallel_loop3A_386 = arith.index_cast %parallel_loop3A_278 : i32 to index
      %parallel_loop3A_387 = arith.constant 96 : index
      %parallel_loop3A_388 = tpu.vector_load %arg6[%parallel_loop3A_386, %parallel_loop3A_387] {strides = array<i32>} : memref<128x128xf32, #tpu.memory_space<vmem>>, vector<1x16xf32>,
      %parallel_loop3A_389 = vector.shape_cast %parallel_loop3A_388 : vector<1x16xf32> to vector<16xf32>
      %parallel_loop3A_390 = vector.shape_cast %parallel_loop3A_385 : vector<16xf32> to vector<1x16xf32>
      tpu.vector_store %arg6[%parallel_loop3A_386, %parallel_loop3A_387], %parallel_loop3A_390 {strides = array<i32>} : memref<128x128xf32, #tpu.memory_space<vmem>>, vector<1x16xf32>,
      %parallel_loop3A_391 = arith.index_cast %parallel_loop3A_278 : i32 to index
      %parallel_loop3A_392 = arith.constant 112 : index
      %parallel_loop3A_393 = tpu.vector_load %arg6[%parallel_loop3A_391, %parallel_loop3A_392] {strides = array<i32>} : memref<128x128xf32, #tpu.memory_space<vmem>>, vector<1x16xf32>,
      %parallel_loop3A_394 = vector.shape_cast %parallel_loop3A_393 : vector<1x16xf32> to vector<16xf32>
      %parallel_loop3A_395 = arith.constant 0 : i32
      %parallel_loop3A_396 = arith.addi %parallel_loop3A_395, %parallel_loop3A_278 : i32
      %parallel_loop3A_397 = arith.index_cast %parallel_loop3A_396 : i32 to index
      %parallel_loop3A_398 = arith.constant 112 : index
      %parallel_loop3A_399 = tpu.vector_load %arg5[%parallel_loop3A_397, %parallel_loop3A_398] {strides = array<i32>} : memref<256x128xf32, #tpu.memory_space<vmem>>, vector<1x16xf32>,
      %parallel_loop3A_400 = vector.shape_cast %parallel_loop3A_399 : vector<1x16xf32> to vector<16xf32>
      %parallel_loop3A_401 = arith.addf %parallel_loop3A_394, %parallel_loop3A_400 : vector<16xf32>
      %parallel_loop3A_402 = arith.index_cast %parallel_loop3A_278 : i32 to index
      %parallel_loop3A_403 = arith.constant 112 : index
      %parallel_loop3A_404 = tpu.vector_load %arg6[%parallel_loop3A_402, %parallel_loop3A_403] {strides = array<i32>} : memref<128x128xf32, #tpu.memory_space<vmem>>, vector<1x16xf32>,
      %parallel_loop3A_405 = vector.shape_cast %parallel_loop3A_404 : vector<1x16xf32> to vector<16xf32>
      %parallel_loop3A_406 = vector.shape_cast %parallel_loop3A_401 : vector<16xf32> to vector<1x16xf32>
      tpu.vector_store %arg6[%parallel_loop3A_402, %parallel_loop3A_403], %parallel_loop3A_406 {strides = array<i32>} : memref<128x128xf32, #tpu.memory_space<vmem>>, vector<1x16xf32>,
    } {sc.loop_unroll_factor = 4 : i64, sc.parallel_access}
    %add3A_26 = arith.constant 0 : i32
    %add3A_27 = arith.addi %mul3A_2, %add3A_26 : i32
    %dma_start3A_28 = arith.constant 0 : i32
    %dma_start3A_29 = arith.constant 0 : i32
    %dma_start3A_30 = tpu.memref_slice %arg4[%dma_start3A_28, %add3A_27, %dma_start3A_29] : memref<4x8192x128xf32, #tpu.memory_space<hbm>> -> memref<1x128x128xf32, #tpu.memory_space<hbm>>
    %dma_start3A_31 = tpu.memref_squeeze %dma_start3A_30 : memref<1x128x128xf32, #tpu.memory_space<hbm>> -> memref<128x128xf32, #tpu.memory_space<hbm>>
    %dma_start3A_32 = arith.constant 0 : i32
    %dma_start3A_33 = tpu.memref_slice %arg4[%dma_start3A_28, %add3A_27, %dma_start3A_32] : memref<4x8192x128xf32, #tpu.memory_space<hbm>> -> memref<1x128x128xf32, #tpu.memory_space<hbm>>
    %dma_start3A_34 = tpu.memref_squeeze %dma_start3A_33 : memref<1x128x128xf32, #tpu.memory_space<hbm>> -> memref<128x128xf32, #tpu.memory_space<hbm>>
    tpu.enqueue_dma source(%arg6 : memref<128x128xf32, #tpu.memory_space<vmem>>) target(%dma_start3A_34 : memref<128x128xf32, #tpu.memory_space<hbm>>) target_semaphore(%arg14 : memref<!tpu.dma_semaphore, #tpu.memory_space<semaphore_mem>>)
    %add3A_35 = arith.constant 0 : i32
    %add3A_36 = arith.addi %mul3A_2, %add3A_35 : i32
    %dma_start3A_37 = arith.constant 1 : i32
    %dma_start3A_38 = arith.constant 0 : i32
    %dma_start3A_39 = tpu.memref_slice %arg2[%dma_start3A_37, %add3A_36, %dma_start3A_38] : memref<4x8192x128xf32, #tpu.memory_space<hbm>> -> memref<1x128x128xf32, #tpu.memory_space<hbm>>
    %dma_start3A_40 = tpu.memref_squeeze %dma_start3A_39 : memref<1x128x128xf32, #tpu.memory_space<hbm>> -> memref<128x128xf32, #tpu.memory_space<hbm>>
    %dma_start3A_41 = arith.constant 0 : i32
    %dma_start3A_42 = tpu.memref_slice %arg2[%dma_start3A_37, %add3A_36, %dma_start3A_41] : memref<4x8192x128xf32, #tpu.memory_space<hbm>> -> memref<1x128x128xf32, #tpu.memory_space<hbm>>
    %dma_start3A_43 = tpu.memref_squeeze %dma_start3A_42 : memref<1x128x128xf32, #tpu.memory_space<hbm>> -> memref<128x128xf32, #tpu.memory_space<hbm>>
    tpu.enqueue_dma source(%dma_start3A_43 : memref<128x128xf32, #tpu.memory_space<hbm>>) target(%arg8 : memref<128x128xf32, #tpu.memory_space<vmem>>) target_semaphore(%arg12 : memref<!tpu.dma_semaphore, #tpu.memory_space<semaphore_mem>>)
    %dma_wait3A_44 = arith.constant 0 : i32
    %dma_wait3A_45 = arith.constant 0 : i32
    %dma_wait3A_46 = tpu.memref_slice %arg2[%dma_wait3A_44, %add3A_10, %dma_wait3A_45] : memref<4x8192x128xf32, #tpu.memory_space<hbm>> -> memref<1x128x128xf32, #tpu.memory_space<hbm>>
    %dma_wait3A_47 = tpu.memref_squeeze %dma_wait3A_46 : memref<1x128x128xf32, #tpu.memory_space<hbm>> -> memref<128x128xf32, #tpu.memory_space<hbm>>
    %dma_wait3A_48 = arith.constant 0 : i32
    %dma_wait3A_49 = tpu.memref_slice %arg2[%dma_wait3A_44, %add3A_10, %dma_wait3A_48] : memref<4x8192x128xf32, #tpu.memory_space<hbm>> -> memref<1x128x128xf32, #tpu.memory_space<hbm>>
    %dma_wait3A_50 = tpu.memref_squeeze %dma_wait3A_49 : memref<1x128x128xf32, #tpu.memory_space<hbm>> -> memref<128x128xf32, #tpu.memory_space<hbm>>
    tpu.wait_dma2 semaphore(%arg11 : memref<!tpu.dma_semaphore, #tpu.memory_space<semaphore_mem>>) src(%dma_wait3A_50 : memref<128x128xf32, #tpu.memory_space<hbm>>) dst(%arg7 : memref<128x128xf32, #tpu.memory_space<vmem>>)
    %parallel_loop3A_51 = arith.constant 0 : i32
    %parallel_loop3A_52 = arith.constant 128 : i32
    %parallel_loop3A_53 = arith.constant 1 : i32
    scf.for %parallel_loop3A_278 = %parallel_loop3A_51 to %parallel_loop3A_52 step %parallel_loop3A_53  : i32 {
      %parallel_loop3A_279 = arith.index_cast %parallel_loop3A_278 : i32 to index
      %parallel_loop3A_280 = arith.constant 0 : index
      %parallel_loop3A_281 = tpu.vector_load %arg7[%parallel_loop3A_279, %parallel_loop3A_280] {strides = array<i32>} : memref<128x128xf32, #tpu.memory_space<vmem>>, vector<1x16xf32>,
      %parallel_loop3A_282 = vector.shape_cast %parallel_loop3A_281 : vector<1x16xf32> to vector<16xf32>
      %parallel_loop3A_283 = arith.constant 128 : i32
      %parallel_loop3A_284 = arith.addi %parallel_loop3A_283, %parallel_loop3A_278 : i32
      %parallel_loop3A_285 = arith.index_cast %parallel_loop3A_284 : i32 to index
      %parallel_loop3A_286 = arith.constant 0 : index
      %parallel_loop3A_287 = tpu.vector_load %arg5[%parallel_loop3A_285, %parallel_loop3A_286] {strides = array<i32>} : memref<256x128xf32, #tpu.memory_space<vmem>>, vector<1x16xf32>,
      %parallel_loop3A_288 = vector.shape_cast %parallel_loop3A_287 : vector<1x16xf32> to vector<16xf32>
      %parallel_loop3A_289 = arith.addf %parallel_loop3A_282, %parallel_loop3A_288 : vector<16xf32>
      %parallel_loop3A_290 = arith.index_cast %parallel_loop3A_278 : i32 to index
      %parallel_loop3A_291 = arith.constant 0 : index
      %parallel_loop3A_292 = tpu.vector_load %arg7[%parallel_loop3A_290, %parallel_loop3A_291] {strides = array<i32>} : memref<128x128xf32, #tpu.memory_space<vmem>>, vector<1x16xf32>,
      %parallel_loop3A_293 = vector.shape_cast %parallel_loop3A_292 : vector<1x16xf32> to vector<16xf32>
      %parallel_loop3A_294 = vector.shape_cast %parallel_loop3A_289 : vector<16xf32> to vector<1x16xf32>
      tpu.vector_store %arg7[%parallel_loop3A_290, %parallel_loop3A_291], %parallel_loop3A_294 {strides = array<i32>} : memref<128x128xf32, #tpu.memory_space<vmem>>, vector<1x16xf32>,
      %parallel_loop3A_295 = arith.index_cast %parallel_loop3A_278 : i32 to index
      %parallel_loop3A_296 = arith.constant 16 : index
      %parallel_loop3A_297 = tpu.vector_load %arg7[%parallel_loop3A_295, %parallel_loop3A_296] {strides = array<i32>} : memref<128x128xf32, #tpu.memory_space<vmem>>, vector<1x16xf32>,
      %parallel_loop3A_298 = vector.shape_cast %parallel_loop3A_297 : vector<1x16xf32> to vector<16xf32>
      %parallel_loop3A_299 = arith.constant 128 : i32
      %parallel_loop3A_300 = arith.addi %parallel_loop3A_299, %parallel_loop3A_278 : i32
      %parallel_loop3A_301 = arith.index_cast %parallel_loop3A_300 : i32 to index
      %parallel_loop3A_302 = arith.constant 16 : index
      %parallel_loop3A_303 = tpu.vector_load %arg5[%parallel_loop3A_301, %parallel_loop3A_302] {strides = array<i32>} : memref<256x128xf32, #tpu.memory_space<vmem>>, vector<1x16xf32>,
      %parallel_loop3A_304 = vector.shape_cast %parallel_loop3A_303 : vector<1x16xf32> to vector<16xf32>
      %parallel_loop3A_305 = arith.addf %parallel_loop3A_298, %parallel_loop3A_304 : vector<16xf32>
      %parallel_loop3A_306 = arith.index_cast %parallel_loop3A_278 : i32 to index
      %parallel_loop3A_307 = arith.constant 16 : index
      %parallel_loop3A_308 = tpu.vector_load %arg7[%parallel_loop3A_306, %parallel_loop3A_307] {strides = array<i32>} : memref<128x128xf32, #tpu.memory_space<vmem>>, vector<1x16xf32>,
      %parallel_loop3A_309 = vector.shape_cast %parallel_loop3A_308 : vector<1x16xf32> to vector<16xf32>
      %parallel_loop3A_310 = vector.shape_cast %parallel_loop3A_305 : vector<16xf32> to vector<1x16xf32>
      tpu.vector_store %arg7[%parallel_loop3A_306, %parallel_loop3A_307], %parallel_loop3A_310 {strides = array<i32>} : memref<128x128xf32, #tpu.memory_space<vmem>>, vector<1x16xf32>,
      %parallel_loop3A_311 = arith.index_cast %parallel_loop3A_278 : i32 to index
      %parallel_loop3A_312 = arith.constant 32 : index
      %parallel_loop3A_313 = tpu.vector_load %arg7[%parallel_loop3A_311, %parallel_loop3A_312] {strides = array<i32>} : memref<128x128xf32, #tpu.memory_space<vmem>>, vector<1x16xf32>,
      %parallel_loop3A_314 = vector.shape_cast %parallel_loop3A_313 : vector<1x16xf32> to vector<16xf32>
      %parallel_loop3A_315 = arith.constant 128 : i32
      %parallel_loop3A_316 = arith.addi %parallel_loop3A_315, %parallel_loop3A_278 : i32
      %parallel_loop3A_317 = arith.index_cast %parallel_loop3A_316 : i32 to index
      %parallel_loop3A_318 = arith.constant 32 : index
      %parallel_loop3A_319 = tpu.vector_load %arg5[%parallel_loop3A_317, %parallel_loop3A_318] {strides = array<i32>} : memref<256x128xf32, #tpu.memory_space<vmem>>, vector<1x16xf32>,
      %parallel_loop3A_320 = vector.shape_cast %parallel_loop3A_319 : vector<1x16xf32> to vector<16xf32>
      %parallel_loop3A_321 = arith.addf %parallel_loop3A_314, %parallel_loop3A_320 : vector<16xf32>
      %parallel_loop3A_322 = arith.index_cast %parallel_loop3A_278 : i32 to index
      %parallel_loop3A_323 = arith.constant 32 : index
      %parallel_loop3A_324 = tpu.vector_load %arg7[%parallel_loop3A_322, %parallel_loop3A_323] {strides = array<i32>} : memref<128x128xf32, #tpu.memory_space<vmem>>, vector<1x16xf32>,
      %parallel_loop3A_325 = vector.shape_cast %parallel_loop3A_324 : vector<1x16xf32> to vector<16xf32>
      %parallel_loop3A_326 = vector.shape_cast %parallel_loop3A_321 : vector<16xf32> to vector<1x16xf32>
      tpu.vector_store %arg7[%parallel_loop3A_322, %parallel_loop3A_323], %parallel_loop3A_326 {strides = array<i32>} : memref<128x128xf32, #tpu.memory_space<vmem>>, vector<1x16xf32>,
      %parallel_loop3A_327 = arith.index_cast %parallel_loop3A_278 : i32 to index
      %parallel_loop3A_328 = arith.constant 48 : index
      %parallel_loop3A_329 = tpu.vector_load %arg7[%parallel_loop3A_327, %parallel_loop3A_328] {strides = array<i32>} : memref<128x128xf32, #tpu.memory_space<vmem>>, vector<1x16xf32>,
      %parallel_loop3A_330 = vector.shape_cast %parallel_loop3A_329 : vector<1x16xf32> to vector<16xf32>
      %parallel_loop3A_331 = arith.constant 128 : i32
      %parallel_loop3A_332 = arith.addi %parallel_loop3A_331, %parallel_loop3A_278 : i32
      %parallel_loop3A_333 = arith.index_cast %parallel_loop3A_332 : i32 to index
      %parallel_loop3A_334 = arith.constant 48 : index
      %parallel_loop3A_335 = tpu.vector_load %arg5[%parallel_loop3A_333, %parallel_loop3A_334] {strides = array<i32>} : memref<256x128xf32, #tpu.memory_space<vmem>>, vector<1x16xf32>,
      %parallel_loop3A_336 = vector.shape_cast %parallel_loop3A_335 : vector<1x16xf32> to vector<16xf32>
      %parallel_loop3A_337 = arith.addf %parallel_loop3A_330, %parallel_loop3A_336 : vector<16xf32>
      %parallel_loop3A_338 = arith.index_cast %parallel_loop3A_278 : i32 to index
      %parallel_loop3A_339 = arith.constant 48 : index
      %parallel_loop3A_340 = tpu.vector_load %arg7[%parallel_loop3A_338, %parallel_loop3A_339] {strides = array<i32>} : memref<128x128xf32, #tpu.memory_space<vmem>>, vector<1x16xf32>,
      %parallel_loop3A_341 = vector.shape_cast %parallel_loop3A_340 : vector<1x16xf32> to vector<16xf32>
      %parallel_loop3A_342 = vector.shape_cast %parallel_loop3A_337 : vector<16xf32> to vector<1x16xf32>
      tpu.vector_store %arg7[%parallel_loop3A_338, %parallel_loop3A_339], %parallel_loop3A_342 {strides = array<i32>} : memref<128x128xf32, #tpu.memory_space<vmem>>, vector<1x16xf32>,
      %parallel_loop3A_343 = arith.index_cast %parallel_loop3A_278 : i32 to index
      %parallel_loop3A_344 = arith.constant 64 : index
      %parallel_loop3A_345 = tpu.vector_load %arg7[%parallel_loop3A_343, %parallel_loop3A_344] {strides = array<i32>} : memref<128x128xf32, #tpu.memory_space<vmem>>, vector<1x16xf32>,
      %parallel_loop3A_346 = vector.shape_cast %parallel_loop3A_345 : vector<1x16xf32> to vector<16xf32>
      %parallel_loop3A_347 = arith.constant 128 : i32
      %parallel_loop3A_348 = arith.addi %parallel_loop3A_347, %parallel_loop3A_278 : i32
      %parallel_loop3A_349 = arith.index_cast %parallel_loop3A_348 : i32 to index
      %parallel_loop3A_350 = arith.constant 64 : index
      %parallel_loop3A_351 = tpu.vector_load %arg5[%parallel_loop3A_349, %parallel_loop3A_350] {strides = array<i32>} : memref<256x128xf32, #tpu.memory_space<vmem>>, vector<1x16xf32>,
      %parallel_loop3A_352 = vector.shape_cast %parallel_loop3A_351 : vector<1x16xf32> to vector<16xf32>
      %parallel_loop3A_353 = arith.addf %parallel_loop3A_346, %parallel_loop3A_352 : vector<16xf32>
      %parallel_loop3A_354 = arith.index_cast %parallel_loop3A_278 : i32 to index
      %parallel_loop3A_355 = arith.constant 64 : index
      %parallel_loop3A_356 = tpu.vector_load %arg7[%parallel_loop3A_354, %parallel_loop3A_355] {strides = array<i32>} : memref<128x128xf32, #tpu.memory_space<vmem>>, vector<1x16xf32>,
      %parallel_loop3A_357 = vector.shape_cast %parallel_loop3A_356 : vector<1x16xf32> to vector<16xf32>
      %parallel_loop3A_358 = vector.shape_cast %parallel_loop3A_353 : vector<16xf32> to vector<1x16xf32>
      tpu.vector_store %arg7[%parallel_loop3A_354, %parallel_loop3A_355], %parallel_loop3A_358 {strides = array<i32>} : memref<128x128xf32, #tpu.memory_space<vmem>>, vector<1x16xf32>,
      %parallel_loop3A_359 = arith.index_cast %parallel_loop3A_278 : i32 to index
      %parallel_loop3A_360 = arith.constant 80 : index
      %parallel_loop3A_361 = tpu.vector_load %arg7[%parallel_loop3A_359, %parallel_loop3A_360] {strides = array<i32>} : memref<128x128xf32, #tpu.memory_space<vmem>>, vector<1x16xf32>,
      %parallel_loop3A_362 = vector.shape_cast %parallel_loop3A_361 : vector<1x16xf32> to vector<16xf32>
      %parallel_loop3A_363 = arith.constant 128 : i32
      %parallel_loop3A_364 = arith.addi %parallel_loop3A_363, %parallel_loop3A_278 : i32
      %parallel_loop3A_365 = arith.index_cast %parallel_loop3A_364 : i32 to index
      %parallel_loop3A_366 = arith.constant 80 : index
      %parallel_loop3A_367 = tpu.vector_load %arg5[%parallel_loop3A_365, %parallel_loop3A_366] {strides = array<i32>} : memref<256x128xf32, #tpu.memory_space<vmem>>, vector<1x16xf32>,
      %parallel_loop3A_368 = vector.shape_cast %parallel_loop3A_367 : vector<1x16xf32> to vector<16xf32>
      %parallel_loop3A_369 = arith.addf %parallel_loop3A_362, %parallel_loop3A_368 : vector<16xf32>
      %parallel_loop3A_370 = arith.index_cast %parallel_loop3A_278 : i32 to index
      %parallel_loop3A_371 = arith.constant 80 : index
      %parallel_loop3A_372 = tpu.vector_load %arg7[%parallel_loop3A_370, %parallel_loop3A_371] {strides = array<i32>} : memref<128x128xf32, #tpu.memory_space<vmem>>, vector<1x16xf32>,
      %parallel_loop3A_373 = vector.shape_cast %parallel_loop3A_372 : vector<1x16xf32> to vector<16xf32>
      %parallel_loop3A_374 = vector.shape_cast %parallel_loop3A_369 : vector<16xf32> to vector<1x16xf32>
      tpu.vector_store %arg7[%parallel_loop3A_370, %parallel_loop3A_371], %parallel_loop3A_374 {strides = array<i32>} : memref<128x128xf32, #tpu.memory_space<vmem>>, vector<1x16xf32>,
      %parallel_loop3A_375 = arith.index_cast %parallel_loop3A_278 : i32 to index
      %parallel_loop3A_376 = arith.constant 96 : index
      %parallel_loop3A_377 = tpu.vector_load %arg7[%parallel_loop3A_375, %parallel_loop3A_376] {strides = array<i32>} : memref<128x128xf32, #tpu.memory_space<vmem>>, vector<1x16xf32>,
      %parallel_loop3A_378 = vector.shape_cast %parallel_loop3A_377 : vector<1x16xf32> to vector<16xf32>
      %parallel_loop3A_379 = arith.constant 128 : i32
      %parallel_loop3A_380 = arith.addi %parallel_loop3A_379, %parallel_loop3A_278 : i32
      %parallel_loop3A_381 = arith.index_cast %parallel_loop3A_380 : i32 to index
      %parallel_loop3A_382 = arith.constant 96 : index
      %parallel_loop3A_383 = tpu.vector_load %arg5[%parallel_loop3A_381, %parallel_loop3A_382] {strides = array<i32>} : memref<256x128xf32, #tpu.memory_space<vmem>>, vector<1x16xf32>,
      %parallel_loop3A_384 = vector.shape_cast %parallel_loop3A_383 : vector<1x16xf32> to vector<16xf32>
      %parallel_loop3A_385 = arith.addf %parallel_loop3A_378, %parallel_loop3A_384 : vector<16xf32>
      %parallel_loop3A_386 = arith.index_cast %parallel_loop3A_278 : i32 to index
      %parallel_loop3A_387 = arith.constant 96 : index
      %parallel_loop3A_388 = tpu.vector_load %arg7[%parallel_loop3A_386, %parallel_loop3A_387] {strides = array<i32>} : memref<128x128xf32, #tpu.memory_space<vmem>>, vector<1x16xf32>,
      %parallel_loop3A_389 = vector.shape_cast %parallel_loop3A_388 : vector<1x16xf32> to vector<16xf32>
      %parallel_loop3A_390 = vector.shape_cast %parallel_loop3A_385 : vector<16xf32> to vector<1x16xf32>
      tpu.vector_store %arg7[%parallel_loop3A_386, %parallel_loop3A_387], %parallel_loop3A_390 {strides = array<i32>} : memref<128x128xf32, #tpu.memory_space<vmem>>, vector<1x16xf32>,
      %parallel_loop3A_391 = arith.index_cast %parallel_loop3A_278 : i32 to index
      %parallel_loop3A_392 = arith.constant 112 : index
      %parallel_loop3A_393 = tpu.vector_load %arg7[%parallel_loop3A_391, %parallel_loop3A_392] {strides = array<i32>} : memref<128x128xf32, #tpu.memory_space<vmem>>, vector<1x16xf32>,
      %parallel_loop3A_394 = vector.shape_cast %parallel_loop3A_393 : vector<1x16xf32> to vector<16xf32>
      %parallel_loop3A_395 = arith.constant 128 : i32
      %parallel_loop3A_396 = arith.addi %parallel_loop3A_395, %parallel_loop3A_278 : i32
      %parallel_loop3A_397 = arith.index_cast %parallel_loop3A_396 : i32 to index
      %parallel_loop3A_398 = arith.constant 112 : index
      %parallel_loop3A_399 = tpu.vector_load %arg5[%parallel_loop3A_397, %parallel_loop3A_398] {strides = array<i32>} : memref<256x128xf32, #tpu.memory_space<vmem>>, vector<1x16xf32>,
      %parallel_loop3A_400 = vector.shape_cast %parallel_loop3A_399 : vector<1x16xf32> to vector<16xf32>
      %parallel_loop3A_401 = arith.addf %parallel_loop3A_394, %parallel_loop3A_400 : vector<16xf32>
      %parallel_loop3A_402 = arith.index_cast %parallel_loop3A_278 : i32 to index
      %parallel_loop3A_403 = arith.constant 112 : index
      %parallel_loop3A_404 = tpu.vector_load %arg7[%parallel_loop3A_402, %parallel_loop3A_403] {strides = array<i32>} : memref<128x128xf32, #tpu.memory_space<vmem>>, vector<1x16xf32>,
      %parallel_loop3A_405 = vector.shape_cast %parallel_loop3A_404 : vector<1x16xf32> to vector<16xf32>
      %parallel_loop3A_406 = vector.shape_cast %parallel_loop3A_401 : vector<16xf32> to vector<1x16xf32>
      tpu.vector_store %arg7[%parallel_loop3A_402, %parallel_loop3A_403], %parallel_loop3A_406 {strides = array<i32>} : memref<128x128xf32, #tpu.memory_space<vmem>>, vector<1x16xf32>,
    } {sc.loop_unroll_factor = 4 : i64, sc.parallel_access}
    %add3A_54 = arith.constant 128 : i32
    %add3A_55 = arith.addi %mul3A_2, %add3A_54 : i32
    %dma_start3A_56 = arith.constant 0 : i32
    %dma_start3A_57 = arith.constant 0 : i32
    %dma_start3A_58 = tpu.memref_slice %arg4[%dma_start3A_56, %add3A_55, %dma_start3A_57] : memref<4x8192x128xf32, #tpu.memory_space<hbm>> -> memref<1x128x128xf32, #tpu.memory_space<hbm>>
    %dma_start3A_59 = tpu.memref_squeeze %dma_start3A_58 : memref<1x128x128xf32, #tpu.memory_space<hbm>> -> memref<128x128xf32, #tpu.memory_space<hbm>>
    %dma_start3A_60 = arith.constant 0 : i32
    %dma_start3A_61 = tpu.memref_slice %arg4[%dma_start3A_56, %add3A_55, %dma_start3A_60] : memref<4x8192x128xf32, #tpu.memory_space<hbm>> -> memref<1x128x128xf32, #tpu.memory_space<hbm>>
    %dma_start3A_62 = tpu.memref_squeeze %dma_start3A_61 : memref<1x128x128xf32, #tpu.memory_space<hbm>> -> memref<128x128xf32, #tpu.memory_space<hbm>>
    tpu.enqueue_dma source(%arg7 : memref<128x128xf32, #tpu.memory_space<vmem>>) target(%dma_start3A_62 : memref<128x128xf32, #tpu.memory_space<hbm>>) target_semaphore(%arg15 : memref<!tpu.dma_semaphore, #tpu.memory_space<semaphore_mem>>)
    %add3A_63 = arith.constant 128 : i32
    %add3A_64 = arith.addi %mul3A_2, %add3A_63 : i32
    %dma_start3A_65 = arith.constant 1 : i32
    %dma_start3A_66 = arith.constant 0 : i32
    %dma_start3A_67 = tpu.memref_slice %arg2[%dma_start3A_65, %add3A_64, %dma_start3A_66] : memref<4x8192x128xf32, #tpu.memory_space<hbm>> -> memref<1x128x128xf32, #tpu.memory_space<hbm>>
    %dma_start3A_68 = tpu.memref_squeeze %dma_start3A_67 : memref<1x128x128xf32, #tpu.memory_space<hbm>> -> memref<128x128xf32, #tpu.memory_space<hbm>>
    %dma_start3A_69 = arith.constant 0 : i32
    %dma_start3A_70 = tpu.memref_slice %arg2[%dma_start3A_65, %add3A_64, %dma_start3A_69] : memref<4x8192x128xf32, #tpu.memory_space<hbm>> -> memref<1x128x128xf32, #tpu.memory_space<hbm>>
    %dma_start3A_71 = tpu.memref_squeeze %dma_start3A_70 : memref<1x128x128xf32, #tpu.memory_space<hbm>> -> memref<128x128xf32, #tpu.memory_space<hbm>>
    tpu.enqueue_dma source(%dma_start3A_71 : memref<128x128xf32, #tpu.memory_space<hbm>>) target(%arg9 : memref<128x128xf32, #tpu.memory_space<vmem>>) target_semaphore(%arg13 : memref<!tpu.dma_semaphore, #tpu.memory_space<semaphore_mem>>)
    %dma_wait3A_72 = arith.constant 1 : i32
    %dma_wait3A_73 = arith.constant 0 : i32
    %dma_wait3A_74 = tpu.memref_slice %arg2[%dma_wait3A_72, %add3A_36, %dma_wait3A_73] : memref<4x8192x128xf32, #tpu.memory_space<hbm>> -> memref<1x128x128xf32, #tpu.memory_space<hbm>>
    %dma_wait3A_75 = tpu.memref_squeeze %dma_wait3A_74 : memref<1x128x128xf32, #tpu.memory_space<hbm>> -> memref<128x128xf32, #tpu.memory_space<hbm>>
    %dma_wait3A_76 = arith.constant 0 : i32
    %dma_wait3A_77 = tpu.memref_slice %arg2[%dma_wait3A_72, %add3A_36, %dma_wait3A_76] : memref<4x8192x128xf32, #tpu.memory_space<hbm>> -> memref<1x128x128xf32, #tpu.memory_space<hbm>>
    %dma_wait3A_78 = tpu.memref_squeeze %dma_wait3A_77 : memref<1x128x128xf32, #tpu.memory_space<hbm>> -> memref<128x128xf32, #tpu.memory_space<hbm>>
    tpu.wait_dma2 semaphore(%arg12 : memref<!tpu.dma_semaphore, #tpu.memory_space<semaphore_mem>>) src(%dma_wait3A_78 : memref<128x128xf32, #tpu.memory_space<hbm>>) dst(%arg8 : memref<128x128xf32, #tpu.memory_space<vmem>>)
    %parallel_loop3A_79 = arith.constant 0 : i32
    %parallel_loop3A_80 = arith.constant 128 : i32
    %parallel_loop3A_81 = arith.constant 1 : i32
    scf.for %parallel_loop3A_278 = %parallel_loop3A_79 to %parallel_loop3A_80 step %parallel_loop3A_81  : i32 {
      %parallel_loop3A_279 = arith.index_cast %parallel_loop3A_278 : i32 to index
      %parallel_loop3A_280 = arith.constant 0 : index
      %parallel_loop3A_281 = tpu.vector_load %arg8[%parallel_loop3A_279, %parallel_loop3A_280] {strides = array<i32>} : memref<128x128xf32, #tpu.memory_space<vmem>>, vector<1x16xf32>,
      %parallel_loop3A_282 = vector.shape_cast %parallel_loop3A_281 : vector<1x16xf32> to vector<16xf32>
      %parallel_loop3A_283 = arith.constant 0 : i32
      %parallel_loop3A_284 = arith.addi %parallel_loop3A_283, %parallel_loop3A_278 : i32
      %parallel_loop3A_285 = arith.index_cast %parallel_loop3A_284 : i32 to index
      %parallel_loop3A_286 = arith.constant 0 : index
      %parallel_loop3A_287 = tpu.vector_load %arg5[%parallel_loop3A_285, %parallel_loop3A_286] {strides = array<i32>} : memref<256x128xf32, #tpu.memory_space<vmem>>, vector<1x16xf32>,
      %parallel_loop3A_288 = vector.shape_cast %parallel_loop3A_287 : vector<1x16xf32> to vector<16xf32>
      %parallel_loop3A_289 = arith.addf %parallel_loop3A_282, %parallel_loop3A_288 : vector<16xf32>
      %parallel_loop3A_290 = arith.index_cast %parallel_loop3A_278 : i32 to index
      %parallel_loop3A_291 = arith.constant 0 : index
      %parallel_loop3A_292 = tpu.vector_load %arg8[%parallel_loop3A_290, %parallel_loop3A_291] {strides = array<i32>} : memref<128x128xf32, #tpu.memory_space<vmem>>, vector<1x16xf32>,
      %parallel_loop3A_293 = vector.shape_cast %parallel_loop3A_292 : vector<1x16xf32> to vector<16xf32>
      %parallel_loop3A_294 = vector.shape_cast %parallel_loop3A_289 : vector<16xf32> to vector<1x16xf32>
      tpu.vector_store %arg8[%parallel_loop3A_290, %parallel_loop3A_291], %parallel_loop3A_294 {strides = array<i32>} : memref<128x128xf32, #tpu.memory_space<vmem>>, vector<1x16xf32>,
      %parallel_loop3A_295 = arith.index_cast %parallel_loop3A_278 : i32 to index
      %parallel_loop3A_296 = arith.constant 16 : index
      %parallel_loop3A_297 = tpu.vector_load %arg8[%parallel_loop3A_295, %parallel_loop3A_296] {strides = array<i32>} : memref<128x128xf32, #tpu.memory_space<vmem>>, vector<1x16xf32>,
      %parallel_loop3A_298 = vector.shape_cast %parallel_loop3A_297 : vector<1x16xf32> to vector<16xf32>
      %parallel_loop3A_299 = arith.constant 0 : i32
      %parallel_loop3A_300 = arith.addi %parallel_loop3A_299, %parallel_loop3A_278 : i32
      %parallel_loop3A_301 = arith.index_cast %parallel_loop3A_300 : i32 to index
      %parallel_loop3A_302 = arith.constant 16 : index
      %parallel_loop3A_303 = tpu.vector_load %arg5[%parallel_loop3A_301, %parallel_loop3A_302] {strides = array<i32>} : memref<256x128xf32, #tpu.memory_space<vmem>>, vector<1x16xf32>,
      %parallel_loop3A_304 = vector.shape_cast %parallel_loop3A_303 : vector<1x16xf32> to vector<16xf32>
      %parallel_loop3A_305 = arith.addf %parallel_loop3A_298, %parallel_loop3A_304 : vector<16xf32>
      %parallel_loop3A_306 = arith.index_cast %parallel_loop3A_278 : i32 to index
      %parallel_loop3A_307 = arith.constant 16 : index
      %parallel_loop3A_308 = tpu.vector_load %arg8[%parallel_loop3A_306, %parallel_loop3A_307] {strides = array<i32>} : memref<128x128xf32, #tpu.memory_space<vmem>>, vector<1x16xf32>,
      %parallel_loop3A_309 = vector.shape_cast %parallel_loop3A_308 : vector<1x16xf32> to vector<16xf32>
      %parallel_loop3A_310 = vector.shape_cast %parallel_loop3A_305 : vector<16xf32> to vector<1x16xf32>
      tpu.vector_store %arg8[%parallel_loop3A_306, %parallel_loop3A_307], %parallel_loop3A_310 {strides = array<i32>} : memref<128x128xf32, #tpu.memory_space<vmem>>, vector<1x16xf32>,
      %parallel_loop3A_311 = arith.index_cast %parallel_loop3A_278 : i32 to index
      %parallel_loop3A_312 = arith.constant 32 : index
      %parallel_loop3A_313 = tpu.vector_load %arg8[%parallel_loop3A_311, %parallel_loop3A_312] {strides = array<i32>} : memref<128x128xf32, #tpu.memory_space<vmem>>, vector<1x16xf32>,
      %parallel_loop3A_314 = vector.shape_cast %parallel_loop3A_313 : vector<1x16xf32> to vector<16xf32>
      %parallel_loop3A_315 = arith.constant 0 : i32
      %parallel_loop3A_316 = arith.addi %parallel_loop3A_315, %parallel_loop3A_278 : i32
      %parallel_loop3A_317 = arith.index_cast %parallel_loop3A_316 : i32 to index
      %parallel_loop3A_318 = arith.constant 32 : index
      %parallel_loop3A_319 = tpu.vector_load %arg5[%parallel_loop3A_317, %parallel_loop3A_318] {strides = array<i32>} : memref<256x128xf32, #tpu.memory_space<vmem>>, vector<1x16xf32>,
      %parallel_loop3A_320 = vector.shape_cast %parallel_loop3A_319 : vector<1x16xf32> to vector<16xf32>
      %parallel_loop3A_321 = arith.addf %parallel_loop3A_314, %parallel_loop3A_320 : vector<16xf32>
      %parallel_loop3A_322 = arith.index_cast %parallel_loop3A_278 : i32 to index
      %parallel_loop3A_323 = arith.constant 32 : index
      %parallel_loop3A_324 = tpu.vector_load %arg8[%parallel_loop3A_322, %parallel_loop3A_323] {strides = array<i32>} : memref<128x128xf32, #tpu.memory_space<vmem>>, vector<1x16xf32>,
      %parallel_loop3A_325 = vector.shape_cast %parallel_loop3A_324 : vector<1x16xf32> to vector<16xf32>
      %parallel_loop3A_326 = vector.shape_cast %parallel_loop3A_321 : vector<16xf32> to vector<1x16xf32>
      tpu.vector_store %arg8[%parallel_loop3A_322, %parallel_loop3A_323], %parallel_loop3A_326 {strides = array<i32>} : memref<128x128xf32, #tpu.memory_space<vmem>>, vector<1x16xf32>,
      %parallel_loop3A_327 = arith.index_cast %parallel_loop3A_278 : i32 to index
      %parallel_loop3A_328 = arith.constant 48 : index
      %parallel_loop3A_329 = tpu.vector_load %arg8[%parallel_loop3A_327, %parallel_loop3A_328] {strides = array<i32>} : memref<128x128xf32, #tpu.memory_space<vmem>>, vector<1x16xf32>,
      %parallel_loop3A_330 = vector.shape_cast %parallel_loop3A_329 : vector<1x16xf32> to vector<16xf32>
      %parallel_loop3A_331 = arith.constant 0 : i32
      %parallel_loop3A_332 = arith.addi %parallel_loop3A_331, %parallel_loop3A_278 : i32
      %parallel_loop3A_333 = arith.index_cast %parallel_loop3A_332 : i32 to index
      %parallel_loop3A_334 = arith.constant 48 : index
      %parallel_loop3A_335 = tpu.vector_load %arg5[%parallel_loop3A_333, %parallel_loop3A_334] {strides = array<i32>} : memref<256x128xf32, #tpu.memory_space<vmem>>, vector<1x16xf32>,
      %parallel_loop3A_336 = vector.shape_cast %parallel_loop3A_335 : vector<1x16xf32> to vector<16xf32>
      %parallel_loop3A_337 = arith.addf %parallel_loop3A_330, %parallel_loop3A_336 : vector<16xf32>
      %parallel_loop3A_338 = arith.index_cast %parallel_loop3A_278 : i32 to index
      %parallel_loop3A_339 = arith.constant 48 : index
      %parallel_loop3A_340 = tpu.vector_load %arg8[%parallel_loop3A_338, %parallel_loop3A_339] {strides = array<i32>} : memref<128x128xf32, #tpu.memory_space<vmem>>, vector<1x16xf32>,
      %parallel_loop3A_341 = vector.shape_cast %parallel_loop3A_340 : vector<1x16xf32> to vector<16xf32>
      %parallel_loop3A_342 = vector.shape_cast %parallel_loop3A_337 : vector<16xf32> to vector<1x16xf32>
      tpu.vector_store %arg8[%parallel_loop3A_338, %parallel_loop3A_339], %parallel_loop3A_342 {strides = array<i32>} : memref<128x128xf32, #tpu.memory_space<vmem>>, vector<1x16xf32>,
      %parallel_loop3A_343 = arith.index_cast %parallel_loop3A_278 : i32 to index
      %parallel_loop3A_344 = arith.constant 64 : index
      %parallel_loop3A_345 = tpu.vector_load %arg8[%parallel_loop3A_343, %parallel_loop3A_344] {strides = array<i32>} : memref<128x128xf32, #tpu.memory_space<vmem>>, vector<1x16xf32>,
      %parallel_loop3A_346 = vector.shape_cast %parallel_loop3A_345 : vector<1x16xf32> to vector<16xf32>
      %parallel_loop3A_347 = arith.constant 0 : i32
      %parallel_loop3A_348 = arith.addi %parallel_loop3A_347, %parallel_loop3A_278 : i32
      %parallel_loop3A_349 = arith.index_cast %parallel_loop3A_348 : i32 to index
      %parallel_loop3A_350 = arith.constant 64 : index
      %parallel_loop3A_351 = tpu.vector_load %arg5[%parallel_loop3A_349, %parallel_loop3A_350] {strides = array<i32>} : memref<256x128xf32, #tpu.memory_space<vmem>>, vector<1x16xf32>,
      %parallel_loop3A_352 = vector.shape_cast %parallel_loop3A_351 : vector<1x16xf32> to vector<16xf32>
      %parallel_loop3A_353 = arith.addf %parallel_loop3A_346, %parallel_loop3A_352 : vector<16xf32>
      %parallel_loop3A_354 = arith.index_cast %parallel_loop3A_278 : i32 to index
      %parallel_loop3A_355 = arith.constant 64 : index
      %parallel_loop3A_356 = tpu.vector_load %arg8[%parallel_loop3A_354, %parallel_loop3A_355] {strides = array<i32>} : memref<128x128xf32, #tpu.memory_space<vmem>>, vector<1x16xf32>,
      %parallel_loop3A_357 = vector.shape_cast %parallel_loop3A_356 : vector<1x16xf32> to vector<16xf32>
      %parallel_loop3A_358 = vector.shape_cast %parallel_loop3A_353 : vector<16xf32> to vector<1x16xf32>
      tpu.vector_store %arg8[%parallel_loop3A_354, %parallel_loop3A_355], %parallel_loop3A_358 {strides = array<i32>} : memref<128x128xf32, #tpu.memory_space<vmem>>, vector<1x16xf32>,
      %parallel_loop3A_359 = arith.index_cast %parallel_loop3A_278 : i32 to index
      %parallel_loop3A_360 = arith.constant 80 : index
      %parallel_loop3A_361 = tpu.vector_load %arg8[%parallel_loop3A_359, %parallel_loop3A_360] {strides = array<i32>} : memref<128x128xf32, #tpu.memory_space<vmem>>, vector<1x16xf32>,
      %parallel_loop3A_362 = vector.shape_cast %parallel_loop3A_361 : vector<1x16xf32> to vector<16xf32>
      %parallel_loop3A_363 = arith.constant 0 : i32
      %parallel_loop3A_364 = arith.addi %parallel_loop3A_363, %parallel_loop3A_278 : i32
      %parallel_loop3A_365 = arith.index_cast %parallel_loop3A_364 : i32 to index
      %parallel_loop3A_366 = arith.constant 80 : index
      %parallel_loop3A_367 = tpu.vector_load %arg5[%parallel_loop3A_365, %parallel_loop3A_366] {strides = array<i32>} : memref<256x128xf32, #tpu.memory_space<vmem>>, vector<1x16xf32>,
      %parallel_loop3A_368 = vector.shape_cast %parallel_loop3A_367 : vector<1x16xf32> to vector<16xf32>
      %parallel_loop3A_369 = arith.addf %parallel_loop3A_362, %parallel_loop3A_368 : vector<16xf32>
      %parallel_loop3A_370 = arith.index_cast %parallel_loop3A_278 : i32 to index
      %parallel_loop3A_371 = arith.constant 80 : index
      %parallel_loop3A_372 = tpu.vector_load %arg8[%parallel_loop3A_370, %parallel_loop3A_371] {strides = array<i32>} : memref<128x128xf32, #tpu.memory_space<vmem>>, vector<1x16xf32>,
      %parallel_loop3A_373 = vector.shape_cast %parallel_loop3A_372 : vector<1x16xf32> to vector<16xf32>
      %parallel_loop3A_374 = vector.shape_cast %parallel_loop3A_369 : vector<16xf32> to vector<1x16xf32>
      tpu.vector_store %arg8[%parallel_loop3A_370, %parallel_loop3A_371], %parallel_loop3A_374 {strides = array<i32>} : memref<128x128xf32, #tpu.memory_space<vmem>>, vector<1x16xf32>,
      %parallel_loop3A_375 = arith.index_cast %parallel_loop3A_278 : i32 to index
      %parallel_loop3A_376 = arith.constant 96 : index
      %parallel_loop3A_377 = tpu.vector_load %arg8[%parallel_loop3A_375, %parallel_loop3A_376] {strides = array<i32>} : memref<128x128xf32, #tpu.memory_space<vmem>>, vector<1x16xf32>,
      %parallel_loop3A_378 = vector.shape_cast %parallel_loop3A_377 : vector<1x16xf32> to vector<16xf32>
      %parallel_loop3A_379 = arith.constant 0 : i32
      %parallel_loop3A_380 = arith.addi %parallel_loop3A_379, %parallel_loop3A_278 : i32
      %parallel_loop3A_381 = arith.index_cast %parallel_loop3A_380 : i32 to index
      %parallel_loop3A_382 = arith.constant 96 : index
      %parallel_loop3A_383 = tpu.vector_load %arg5[%parallel_loop3A_381, %parallel_loop3A_382] {strides = array<i32>} : memref<256x128xf32, #tpu.memory_space<vmem>>, vector<1x16xf32>,
      %parallel_loop3A_384 = vector.shape_cast %parallel_loop3A_383 : vector<1x16xf32> to vector<16xf32>
      %parallel_loop3A_385 = arith.addf %parallel_loop3A_378, %parallel_loop3A_384 : vector<16xf32>
      %parallel_loop3A_386 = arith.index_cast %parallel_loop3A_278 : i32 to index
      %parallel_loop3A_387 = arith.constant 96 : index
      %parallel_loop3A_388 = tpu.vector_load %arg8[%parallel_loop3A_386, %parallel_loop3A_387] {strides = array<i32>} : memref<128x128xf32, #tpu.memory_space<vmem>>, vector<1x16xf32>,
      %parallel_loop3A_389 = vector.shape_cast %parallel_loop3A_388 : vector<1x16xf32> to vector<16xf32>
      %parallel_loop3A_390 = vector.shape_cast %parallel_loop3A_385 : vector<16xf32> to vector<1x16xf32>
      tpu.vector_store %arg8[%parallel_loop3A_386, %parallel_loop3A_387], %parallel_loop3A_390 {strides = array<i32>} : memref<128x128xf32, #tpu.memory_space<vmem>>, vector<1x16xf32>,
      %parallel_loop3A_391 = arith.index_cast %parallel_loop3A_278 : i32 to index
      %parallel_loop3A_392 = arith.constant 112 : index
      %parallel_loop3A_393 = tpu.vector_load %arg8[%parallel_loop3A_391, %parallel_loop3A_392] {strides = array<i32>} : memref<128x128xf32, #tpu.memory_space<vmem>>, vector<1x16xf32>,
      %parallel_loop3A_394 = vector.shape_cast %parallel_loop3A_393 : vector<1x16xf32> to vector<16xf32>
      %parallel_loop3A_395 = arith.constant 0 : i32
      %parallel_loop3A_396 = arith.addi %parallel_loop3A_395, %parallel_loop3A_278 : i32
      %parallel_loop3A_397 = arith.index_cast %parallel_loop3A_396 : i32 to index
      %parallel_loop3A_398 = arith.constant 112 : index
      %parallel_loop3A_399 = tpu.vector_load %arg5[%parallel_loop3A_397, %parallel_loop3A_398] {strides = array<i32>} : memref<256x128xf32, #tpu.memory_space<vmem>>, vector<1x16xf32>,
      %parallel_loop3A_400 = vector.shape_cast %parallel_loop3A_399 : vector<1x16xf32> to vector<16xf32>
      %parallel_loop3A_401 = arith.addf %parallel_loop3A_394, %parallel_loop3A_400 : vector<16xf32>
      %parallel_loop3A_402 = arith.index_cast %parallel_loop3A_278 : i32 to index
      %parallel_loop3A_403 = arith.constant 112 : index
      %parallel_loop3A_404 = tpu.vector_load %arg8[%parallel_loop3A_402, %parallel_loop3A_403] {strides = array<i32>} : memref<128x128xf32, #tpu.memory_space<vmem>>, vector<1x16xf32>,
      %parallel_loop3A_405 = vector.shape_cast %parallel_loop3A_404 : vector<1x16xf32> to vector<16xf32>
      %parallel_loop3A_406 = vector.shape_cast %parallel_loop3A_401 : vector<16xf32> to vector<1x16xf32>
      tpu.vector_store %arg8[%parallel_loop3A_402, %parallel_loop3A_403], %parallel_loop3A_406 {strides = array<i32>} : memref<128x128xf32, #tpu.memory_space<vmem>>, vector<1x16xf32>,
    } {sc.loop_unroll_factor = 4 : i64, sc.parallel_access}
    %add3A_82 = arith.constant 0 : i32
    %add3A_83 = arith.addi %mul3A_2, %add3A_82 : i32
    %dma_start3A_84 = arith.constant 1 : i32
    %dma_start3A_85 = arith.constant 0 : i32
    %dma_start3A_86 = tpu.memref_slice %arg4[%dma_start3A_84, %add3A_83, %dma_start3A_85] : memref<4x8192x128xf32, #tpu.memory_space<hbm>> -> memref<1x128x128xf32, #tpu.memory_space<hbm>>
    %dma_start3A_87 = tpu.memref_squeeze %dma_start3A_86 : memref<1x128x128xf32, #tpu.memory_space<hbm>> -> memref<128x128xf32, #tpu.memory_space<hbm>>
    %dma_start3A_88 = arith.constant 0 : i32
    %dma_start3A_89 = tpu.memref_slice %arg4[%dma_start3A_84, %add3A_83, %dma_start3A_88] : memref<4x8192x128xf32, #tpu.memory_space<hbm>> -> memref<1x128x128xf32, #tpu.memory_space<hbm>>
    %dma_start3A_90 = tpu.memref_squeeze %dma_start3A_89 : memref<1x128x128xf32, #tpu.memory_space<hbm>> -> memref<128x128xf32, #tpu.memory_space<hbm>>
    tpu.enqueue_dma source(%arg8 : memref<128x128xf32, #tpu.memory_space<vmem>>) target(%dma_start3A_90 : memref<128x128xf32, #tpu.memory_space<hbm>>) target_semaphore(%arg16 : memref<!tpu.dma_semaphore, #tpu.memory_space<semaphore_mem>>)
    %dma_wait3A_91 = arith.constant 0 : i32
    %dma_wait3A_92 = arith.constant 0 : i32
    %dma_wait3A_93 = tpu.memref_slice %arg4[%dma_wait3A_91, %add3A_27, %dma_wait3A_92] : memref<4x8192x128xf32, #tpu.memory_space<hbm>> -> memref<1x128x128xf32, #tpu.memory_space<hbm>>
    %dma_wait3A_94 = tpu.memref_squeeze %dma_wait3A_93 : memref<1x128x128xf32, #tpu.memory_space<hbm>> -> memref<128x128xf32, #tpu.memory_space<hbm>>
    %dma_wait3A_95 = arith.constant 0 : i32
    %dma_wait3A_96 = tpu.memref_slice %arg4[%dma_wait3A_91, %add3A_27, %dma_wait3A_95] : memref<4x8192x128xf32, #tpu.memory_space<hbm>> -> memref<1x128x128xf32, #tpu.memory_space<hbm>>
    %dma_wait3A_97 = tpu.memref_squeeze %dma_wait3A_96 : memref<1x128x128xf32, #tpu.memory_space<hbm>> -> memref<128x128xf32, #tpu.memory_space<hbm>>
    tpu.wait_dma2 semaphore(%arg14 : memref<!tpu.dma_semaphore, #tpu.memory_space<semaphore_mem>>) src(%arg6 : memref<128x128xf32, #tpu.memory_space<vmem>>) dst(%dma_wait3A_97 : memref<128x128xf32, #tpu.memory_space<hbm>>)
    %add3A_98 = arith.constant 0 : i32
    %add3A_99 = arith.addi %mul3A_2, %add3A_98 : i32
    %dma_start3A_100 = arith.constant 2 : i32
    %dma_start3A_101 = arith.constant 0 : i32
    %dma_start3A_102 = tpu.memref_slice %arg2[%dma_start3A_100, %add3A_99, %dma_start3A_101] : memref<4x8192x128xf32, #tpu.memory_space<hbm>> -> memref<1x128x128xf32, #tpu.memory_space<hbm>>
    %dma_start3A_103 = tpu.memref_squeeze %dma_start3A_102 : memref<1x128x128xf32, #tpu.memory_space<hbm>> -> memref<128x128xf32, #tpu.memory_space<hbm>>
    %dma_start3A_104 = arith.constant 0 : i32
    %dma_start3A_105 = tpu.memref_slice %arg2[%dma_start3A_100, %add3A_99, %dma_start3A_104] : memref<4x8192x128xf32, #tpu.memory_space<hbm>> -> memref<1x128x128xf32, #tpu.memory_space<hbm>>
    %dma_start3A_106 = tpu.memref_squeeze %dma_start3A_105 : memref<1x128x128xf32, #tpu.memory_space<hbm>> -> memref<128x128xf32, #tpu.memory_space<hbm>>
    tpu.enqueue_dma source(%dma_start3A_106 : memref<128x128xf32, #tpu.memory_space<hbm>>) target(%arg6 : memref<128x128xf32, #tpu.memory_space<vmem>>) target_semaphore(%arg10 : memref<!tpu.dma_semaphore, #tpu.memory_space<semaphore_mem>>)
    %dma_wait3A_107 = arith.constant 1 : i32
    %dma_wait3A_108 = arith.constant 0 : i32
    %dma_wait3A_109 = tpu.memref_slice %arg2[%dma_wait3A_107, %add3A_64, %dma_wait3A_108] : memref<4x8192x128xf32, #tpu.memory_space<hbm>> -> memref<1x128x128xf32, #tpu.memory_space<hbm>>
    %dma_wait3A_110 = tpu.memref_squeeze %dma_wait3A_109 : memref<1x128x128xf32, #tpu.memory_space<hbm>> -> memref<128x128xf32, #tpu.memory_space<hbm>>
    %dma_wait3A_111 = arith.constant 0 : i32
    %dma_wait3A_112 = tpu.memref_slice %arg2[%dma_wait3A_107, %add3A_64, %dma_wait3A_111] : memref<4x8192x128xf32, #tpu.memory_space<hbm>> -> memref<1x128x128xf32, #tpu.memory_space<hbm>>
    %dma_wait3A_113 = tpu.memref_squeeze %dma_wait3A_112 : memref<1x128x128xf32, #tpu.memory_space<hbm>> -> memref<128x128xf32, #tpu.memory_space<hbm>>
    tpu.wait_dma2 semaphore(%arg13 : memref<!tpu.dma_semaphore, #tpu.memory_space<semaphore_mem>>) src(%dma_wait3A_113 : memref<128x128xf32, #tpu.memory_space<hbm>>) dst(%arg9 : memref<128x128xf32, #tpu.memory_space<vmem>>)
    %parallel_loop3A_114 = arith.constant 0 : i32
    %parallel_loop3A_115 = arith.constant 128 : i32
    %parallel_loop3A_116 = arith.constant 1 : i32
    scf.for %parallel_loop3A_278 = %parallel_loop3A_114 to %parallel_loop3A_115 step %parallel_loop3A_116  : i32 {
      %parallel_loop3A_279 = arith.index_cast %parallel_loop3A_278 : i32 to index
      %parallel_loop3A_280 = arith.constant 0 : index
      %parallel_loop3A_281 = tpu.vector_load %arg9[%parallel_loop3A_279, %parallel_loop3A_280] {strides = array<i32>} : memref<128x128xf32, #tpu.memory_space<vmem>>, vector<1x16xf32>,
      %parallel_loop3A_282 = vector.shape_cast %parallel_loop3A_281 : vector<1x16xf32> to vector<16xf32>
      %parallel_loop3A_283 = arith.constant 128 : i32
      %parallel_loop3A_284 = arith.addi %parallel_loop3A_283, %parallel_loop3A_278 : i32
      %parallel_loop3A_285 = arith.index_cast %parallel_loop3A_284 : i32 to index
      %parallel_loop3A_286 = arith.constant 0 : index
      %parallel_loop3A_287 = tpu.vector_load %arg5[%parallel_loop3A_285, %parallel_loop3A_286] {strides = array<i32>} : memref<256x128xf32, #tpu.memory_space<vmem>>, vector<1x16xf32>,
      %parallel_loop3A_288 = vector.shape_cast %parallel_loop3A_287 : vector<1x16xf32> to vector<16xf32>
      %parallel_loop3A_289 = arith.addf %parallel_loop3A_282, %parallel_loop3A_288 : vector<16xf32>
      %parallel_loop3A_290 = arith.index_cast %parallel_loop3A_278 : i32 to index
      %parallel_loop3A_291 = arith.constant 0 : index
      %parallel_loop3A_292 = tpu.vector_load %arg9[%parallel_loop3A_290, %parallel_loop3A_291] {strides = array<i32>} : memref<128x128xf32, #tpu.memory_space<vmem>>, vector<1x16xf32>,
      %parallel_loop3A_293 = vector.shape_cast %parallel_loop3A_292 : vector<1x16xf32> to vector<16xf32>
      %parallel_loop3A_294 = vector.shape_cast %parallel_loop3A_289 : vector<16xf32> to vector<1x16xf32>
      tpu.vector_store %arg9[%parallel_loop3A_290, %parallel_loop3A_291], %parallel_loop3A_294 {strides = array<i32>} : memref<128x128xf32, #tpu.memory_space<vmem>>, vector<1x16xf32>,
      %parallel_loop3A_295 = arith.index_cast %parallel_loop3A_278 : i32 to index
      %parallel_loop3A_296 = arith.constant 16 : index
      %parallel_loop3A_297 = tpu.vector_load %arg9[%parallel_loop3A_295, %parallel_loop3A_296] {strides = array<i32>} : memref<128x128xf32, #tpu.memory_space<vmem>>, vector<1x16xf32>,
      %parallel_loop3A_298 = vector.shape_cast %parallel_loop3A_297 : vector<1x16xf32> to vector<16xf32>
      %parallel_loop3A_299 = arith.constant 128 : i32
      %parallel_loop3A_300 = arith.addi %parallel_loop3A_299, %parallel_loop3A_278 : i32
      %parallel_loop3A_301 = arith.index_cast %parallel_loop3A_300 : i32 to index
      %parallel_loop3A_302 = arith.constant 16 : index
      %parallel_loop3A_303 = tpu.vector_load %arg5[%parallel_loop3A_301, %parallel_loop3A_302] {strides = array<i32>} : memref<256x128xf32, #tpu.memory_space<vmem>>, vector<1x16xf32>,
      %parallel_loop3A_304 = vector.shape_cast %parallel_loop3A_303 : vector<1x16xf32> to vector<16xf32>
      %parallel_loop3A_305 = arith.addf %parallel_loop3A_298, %parallel_loop3A_304 : vector<16xf32>
      %parallel_loop3A_306 = arith.index_cast %parallel_loop3A_278 : i32 to index
      %parallel_loop3A_307 = arith.constant 16 : index
      %parallel_loop3A_308 = tpu.vector_load %arg9[%parallel_loop3A_306, %parallel_loop3A_307] {strides = array<i32>} : memref<128x128xf32, #tpu.memory_space<vmem>>, vector<1x16xf32>,
      %parallel_loop3A_309 = vector.shape_cast %parallel_loop3A_308 : vector<1x16xf32> to vector<16xf32>
      %parallel_loop3A_310 = vector.shape_cast %parallel_loop3A_305 : vector<16xf32> to vector<1x16xf32>
      tpu.vector_store %arg9[%parallel_loop3A_306, %parallel_loop3A_307], %parallel_loop3A_310 {strides = array<i32>} : memref<128x128xf32, #tpu.memory_space<vmem>>, vector<1x16xf32>,
      %parallel_loop3A_311 = arith.index_cast %parallel_loop3A_278 : i32 to index
      %parallel_loop3A_312 = arith.constant 32 : index
      %parallel_loop3A_313 = tpu.vector_load %arg9[%parallel_loop3A_311, %parallel_loop3A_312] {strides = array<i32>} : memref<128x128xf32, #tpu.memory_space<vmem>>, vector<1x16xf32>,
      %parallel_loop3A_314 = vector.shape_cast %parallel_loop3A_313 : vector<1x16xf32> to vector<16xf32>
      %parallel_loop3A_315 = arith.constant 128 : i32
      %parallel_loop3A_316 = arith.addi %parallel_loop3A_315, %parallel_loop3A_278 : i32
      %parallel_loop3A_317 = arith.index_cast %parallel_loop3A_316 : i32 to index
      %parallel_loop3A_318 = arith.constant 32 : index
      %parallel_loop3A_319 = tpu.vector_load %arg5[%parallel_loop3A_317, %parallel_loop3A_318] {strides = array<i32>} : memref<256x128xf32, #tpu.memory_space<vmem>>, vector<1x16xf32>,
      %parallel_loop3A_320 = vector.shape_cast %parallel_loop3A_319 : vector<1x16xf32> to vector<16xf32>
      %parallel_loop3A_321 = arith.addf %parallel_loop3A_314, %parallel_loop3A_320 : vector<16xf32>
      %parallel_loop3A_322 = arith.index_cast %parallel_loop3A_278 : i32 to index
      %parallel_loop3A_323 = arith.constant 32 : index
      %parallel_loop3A_324 = tpu.vector_load %arg9[%parallel_loop3A_322, %parallel_loop3A_323] {strides = array<i32>} : memref<128x128xf32, #tpu.memory_space<vmem>>, vector<1x16xf32>,
      %parallel_loop3A_325 = vector.shape_cast %parallel_loop3A_324 : vector<1x16xf32> to vector<16xf32>
      %parallel_loop3A_326 = vector.shape_cast %parallel_loop3A_321 : vector<16xf32> to vector<1x16xf32>
      tpu.vector_store %arg9[%parallel_loop3A_322, %parallel_loop3A_323], %parallel_loop3A_326 {strides = array<i32>} : memref<128x128xf32, #tpu.memory_space<vmem>>, vector<1x16xf32>,
      %parallel_loop3A_327 = arith.index_cast %parallel_loop3A_278 : i32 to index
      %parallel_loop3A_328 = arith.constant 48 : index
      %parallel_loop3A_329 = tpu.vector_load %arg9[%parallel_loop3A_327, %parallel_loop3A_328] {strides = array<i32>} : memref<128x128xf32, #tpu.memory_space<vmem>>, vector<1x16xf32>,
      %parallel_loop3A_330 = vector.shape_cast %parallel_loop3A_329 : vector<1x16xf32> to vector<16xf32>
      %parallel_loop3A_331 = arith.constant 128 : i32
      %parallel_loop3A_332 = arith.addi %parallel_loop3A_331, %parallel_loop3A_278 : i32
      %parallel_loop3A_333 = arith.index_cast %parallel_loop3A_332 : i32 to index
      %parallel_loop3A_334 = arith.constant 48 : index
      %parallel_loop3A_335 = tpu.vector_load %arg5[%parallel_loop3A_333, %parallel_loop3A_334] {strides = array<i32>} : memref<256x128xf32, #tpu.memory_space<vmem>>, vector<1x16xf32>,
      %parallel_loop3A_336 = vector.shape_cast %parallel_loop3A_335 : vector<1x16xf32> to vector<16xf32>
      %parallel_loop3A_337 = arith.addf %parallel_loop3A_330, %parallel_loop3A_336 : vector<16xf32>
      %parallel_loop3A_338 = arith.index_cast %parallel_loop3A_278 : i32 to index
      %parallel_loop3A_339 = arith.constant 48 : index
      %parallel_loop3A_340 = tpu.vector_load %arg9[%parallel_loop3A_338, %parallel_loop3A_339] {strides = array<i32>} : memref<128x128xf32, #tpu.memory_space<vmem>>, vector<1x16xf32>,
      %parallel_loop3A_341 = vector.shape_cast %parallel_loop3A_340 : vector<1x16xf32> to vector<16xf32>
      %parallel_loop3A_342 = vector.shape_cast %parallel_loop3A_337 : vector<16xf32> to vector<1x16xf32>
      tpu.vector_store %arg9[%parallel_loop3A_338, %parallel_loop3A_339], %parallel_loop3A_342 {strides = array<i32>} : memref<128x128xf32, #tpu.memory_space<vmem>>, vector<1x16xf32>,
      %parallel_loop3A_343 = arith.index_cast %parallel_loop3A_278 : i32 to index
      %parallel_loop3A_344 = arith.constant 64 : index
      %parallel_loop3A_345 = tpu.vector_load %arg9[%parallel_loop3A_343, %parallel_loop3A_344] {strides = array<i32>} : memref<128x128xf32, #tpu.memory_space<vmem>>, vector<1x16xf32>,
      %parallel_loop3A_346 = vector.shape_cast %parallel_loop3A_345 : vector<1x16xf32> to vector<16xf32>
      %parallel_loop3A_347 = arith.constant 128 : i32
      %parallel_loop3A_348 = arith.addi %parallel_loop3A_347, %parallel_loop3A_278 : i32
      %parallel_loop3A_349 = arith.index_cast %parallel_loop3A_348 : i32 to index
      %parallel_loop3A_350 = arith.constant 64 : index
      %parallel_loop3A_351 = tpu.vector_load %arg5[%parallel_loop3A_349, %parallel_loop3A_350] {strides = array<i32>} : memref<256x128xf32, #tpu.memory_space<vmem>>, vector<1x16xf32>,
      %parallel_loop3A_352 = vector.shape_cast %parallel_loop3A_351 : vector<1x16xf32> to vector<16xf32>
      %parallel_loop3A_353 = arith.addf %parallel_loop3A_346, %parallel_loop3A_352 : vector<16xf32>
      %parallel_loop3A_354 = arith.index_cast %parallel_loop3A_278 : i32 to index
      %parallel_loop3A_355 = arith.constant 64 : index
      %parallel_loop3A_356 = tpu.vector_load %arg9[%parallel_loop3A_354, %parallel_loop3A_355] {strides = array<i32>} : memref<128x128xf32, #tpu.memory_space<vmem>>, vector<1x16xf32>,
      %parallel_loop3A_357 = vector.shape_cast %parallel_loop3A_356 : vector<1x16xf32> to vector<16xf32>
      %parallel_loop3A_358 = vector.shape_cast %parallel_loop3A_353 : vector<16xf32> to vector<1x16xf32>
      tpu.vector_store %arg9[%parallel_loop3A_354, %parallel_loop3A_355], %parallel_loop3A_358 {strides = array<i32>} : memref<128x128xf32, #tpu.memory_space<vmem>>, vector<1x16xf32>,
      %parallel_loop3A_359 = arith.index_cast %parallel_loop3A_278 : i32 to index
      %parallel_loop3A_360 = arith.constant 80 : index
      %parallel_loop3A_361 = tpu.vector_load %arg9[%parallel_loop3A_359, %parallel_loop3A_360] {strides = array<i32>} : memref<128x128xf32, #tpu.memory_space<vmem>>, vector<1x16xf32>,
      %parallel_loop3A_362 = vector.shape_cast %parallel_loop3A_361 : vector<1x16xf32> to vector<16xf32>
      %parallel_loop3A_363 = arith.constant 128 : i32
      %parallel_loop3A_364 = arith.addi %parallel_loop3A_363, %parallel_loop3A_278 : i32
      %parallel_loop3A_365 = arith.index_cast %parallel_loop3A_364 : i32 to index
      %parallel_loop3A_366 = arith.constant 80 : index
      %parallel_loop3A_367 = tpu.vector_load %arg5[%parallel_loop3A_365, %parallel_loop3A_366] {strides = array<i32>} : memref<256x128xf32, #tpu.memory_space<vmem>>, vector<1x16xf32>,
      %parallel_loop3A_368 = vector.shape_cast %parallel_loop3A_367 : vector<1x16xf32> to vector<16xf32>
      %parallel_loop3A_369 = arith.addf %parallel_loop3A_362, %parallel_loop3A_368 : vector<16xf32>
      %parallel_loop3A_370 = arith.index_cast %parallel_loop3A_278 : i32 to index
      %parallel_loop3A_371 = arith.constant 80 : index
      %parallel_loop3A_372 = tpu.vector_load %arg9[%parallel_loop3A_370, %parallel_loop3A_371] {strides = array<i32>} : memref<128x128xf32, #tpu.memory_space<vmem>>, vector<1x16xf32>,
      %parallel_loop3A_373 = vector.shape_cast %parallel_loop3A_372 : vector<1x16xf32> to vector<16xf32>
      %parallel_loop3A_374 = vector.shape_cast %parallel_loop3A_369 : vector<16xf32> to vector<1x16xf32>
      tpu.vector_store %arg9[%parallel_loop3A_370, %parallel_loop3A_371], %parallel_loop3A_374 {strides = array<i32>} : memref<128x128xf32, #tpu.memory_space<vmem>>, vector<1x16xf32>,
      %parallel_loop3A_375 = arith.index_cast %parallel_loop3A_278 : i32 to index
      %parallel_loop3A_376 = arith.constant 96 : index
      %parallel_loop3A_377 = tpu.vector_load %arg9[%parallel_loop3A_375, %parallel_loop3A_376] {strides = array<i32>} : memref<128x128xf32, #tpu.memory_space<vmem>>, vector<1x16xf32>,
      %parallel_loop3A_378 = vector.shape_cast %parallel_loop3A_377 : vector<1x16xf32> to vector<16xf32>
      %parallel_loop3A_379 = arith.constant 128 : i32
      %parallel_loop3A_380 = arith.addi %parallel_loop3A_379, %parallel_loop3A_278 : i32
      %parallel_loop3A_381 = arith.index_cast %parallel_loop3A_380 : i32 to index
      %parallel_loop3A_382 = arith.constant 96 : index
      %parallel_loop3A_383 = tpu.vector_load %arg5[%parallel_loop3A_381, %parallel_loop3A_382] {strides = array<i32>} : memref<256x128xf32, #tpu.memory_space<vmem>>, vector<1x16xf32>,
      %parallel_loop3A_384 = vector.shape_cast %parallel_loop3A_383 : vector<1x16xf32> to vector<16xf32>
      %parallel_loop3A_385 = arith.addf %parallel_loop3A_378, %parallel_loop3A_384 : vector<16xf32>
      %parallel_loop3A_386 = arith.index_cast %parallel_loop3A_278 : i32 to index
      %parallel_loop3A_387 = arith.constant 96 : index
      %parallel_loop3A_388 = tpu.vector_load %arg9[%parallel_loop3A_386, %parallel_loop3A_387] {strides = array<i32>} : memref<128x128xf32, #tpu.memory_space<vmem>>, vector<1x16xf32>,
      %parallel_loop3A_389 = vector.shape_cast %parallel_loop3A_388 : vector<1x16xf32> to vector<16xf32>
      %parallel_loop3A_390 = vector.shape_cast %parallel_loop3A_385 : vector<16xf32> to vector<1x16xf32>
      tpu.vector_store %arg9[%parallel_loop3A_386, %parallel_loop3A_387], %parallel_loop3A_390 {strides = array<i32>} : memref<128x128xf32, #tpu.memory_space<vmem>>, vector<1x16xf32>,
      %parallel_loop3A_391 = arith.index_cast %parallel_loop3A_278 : i32 to index
      %parallel_loop3A_392 = arith.constant 112 : index
      %parallel_loop3A_393 = tpu.vector_load %arg9[%parallel_loop3A_391, %parallel_loop3A_392] {strides = array<i32>} : memref<128x128xf32, #tpu.memory_space<vmem>>, vector<1x16xf32>,
      %parallel_loop3A_394 = vector.shape_cast %parallel_loop3A_393 : vector<1x16xf32> to vector<16xf32>
      %parallel_loop3A_395 = arith.constant 128 : i32
      %parallel_loop3A_396 = arith.addi %parallel_loop3A_395, %parallel_loop3A_278 : i32
      %parallel_loop3A_397 = arith.index_cast %parallel_loop3A_396 : i32 to index
      %parallel_loop3A_398 = arith.constant 112 : index
      %parallel_loop3A_399 = tpu.vector_load %arg5[%parallel_loop3A_397, %parallel_loop3A_398] {strides = array<i32>} : memref<256x128xf32, #tpu.memory_space<vmem>>, vector<1x16xf32>,
      %parallel_loop3A_400 = vector.shape_cast %parallel_loop3A_399 : vector<1x16xf32> to vector<16xf32>
      %parallel_loop3A_401 = arith.addf %parallel_loop3A_394, %parallel_loop3A_400 : vector<16xf32>
      %parallel_loop3A_402 = arith.index_cast %parallel_loop3A_278 : i32 to index
      %parallel_loop3A_403 = arith.constant 112 : index
      %parallel_loop3A_404 = tpu.vector_load %arg9[%parallel_loop3A_402, %parallel_loop3A_403] {strides = array<i32>} : memref<128x128xf32, #tpu.memory_space<vmem>>, vector<1x16xf32>,
      %parallel_loop3A_405 = vector.shape_cast %parallel_loop3A_404 : vector<1x16xf32> to vector<16xf32>
      %parallel_loop3A_406 = vector.shape_cast %parallel_loop3A_401 : vector<16xf32> to vector<1x16xf32>
      tpu.vector_store %arg9[%parallel_loop3A_402, %parallel_loop3A_403], %parallel_loop3A_406 {strides = array<i32>} : memref<128x128xf32, #tpu.memory_space<vmem>>, vector<1x16xf32>,
    } {sc.loop_unroll_factor = 4 : i64, sc.parallel_access}
    %add3A_117 = arith.constant 128 : i32
    %add3A_118 = arith.addi %mul3A_2, %add3A_117 : i32
    %dma_start3A_119 = arith.constant 1 : i32
    %dma_start3A_120 = arith.constant 0 : i32
    %dma_start3A_121 = tpu.memref_slice %arg4[%dma_start3A_119, %add3A_118, %dma_start3A_120] : memref<4x8192x128xf32, #tpu.memory_space<hbm>> -> memref<1x128x128xf32, #tpu.memory_space<hbm>>
    %dma_start3A_122 = tpu.memref_squeeze %dma_start3A_121 : memref<1x128x128xf32, #tpu.memory_space<hbm>> -> memref<128x128xf32, #tpu.memory_space<hbm>>
    %dma_start3A_123 = arith.constant 0 : i32
    %dma_start3A_124 = tpu.memref_slice %arg4[%dma_start3A_119, %add3A_118, %dma_start3A_123] : memref<4x8192x128xf32, #tpu.memory_space<hbm>> -> memref<1x128x128xf32, #tpu.memory_space<hbm>>
    %dma_start3A_125 = tpu.memref_squeeze %dma_start3A_124 : memref<1x128x128xf32, #tpu.memory_space<hbm>> -> memref<128x128xf32, #tpu.memory_space<hbm>>
    tpu.enqueue_dma source(%arg9 : memref<128x128xf32, #tpu.memory_space<vmem>>) target(%dma_start3A_125 : memref<128x128xf32, #tpu.memory_space<hbm>>) target_semaphore(%arg17 : memref<!tpu.dma_semaphore, #tpu.memory_space<semaphore_mem>>)
    %dma_wait3A_126 = arith.constant 0 : i32
    %dma_wait3A_127 = arith.constant 0 : i32
    %dma_wait3A_128 = tpu.memref_slice %arg4[%dma_wait3A_126, %add3A_55, %dma_wait3A_127] : memref<4x8192x128xf32, #tpu.memory_space<hbm>> -> memref<1x128x128xf32, #tpu.memory_space<hbm>>
    %dma_wait3A_129 = tpu.memref_squeeze %dma_wait3A_128 : memref<1x128x128xf32, #tpu.memory_space<hbm>> -> memref<128x128xf32, #tpu.memory_space<hbm>>
    %dma_wait3A_130 = arith.constant 0 : i32
    %dma_wait3A_131 = tpu.memref_slice %arg4[%dma_wait3A_126, %add3A_55, %dma_wait3A_130] : memref<4x8192x128xf32, #tpu.memory_space<hbm>> -> memref<1x128x128xf32, #tpu.memory_space<hbm>>
    %dma_wait3A_132 = tpu.memref_squeeze %dma_wait3A_131 : memref<1x128x128xf32, #tpu.memory_space<hbm>> -> memref<128x128xf32, #tpu.memory_space<hbm>>
    tpu.wait_dma2 semaphore(%arg15 : memref<!tpu.dma_semaphore, #tpu.memory_space<semaphore_mem>>) src(%arg7 : memref<128x128xf32, #tpu.memory_space<vmem>>) dst(%dma_wait3A_132 : memref<128x128xf32, #tpu.memory_space<hbm>>)
    %add3A_133 = arith.constant 128 : i32
    %add3A_134 = arith.addi %mul3A_2, %add3A_133 : i32
    %dma_start3A_135 = arith.constant 2 : i32
    %dma_start3A_136 = arith.constant 0 : i32
    %dma_start3A_137 = tpu.memref_slice %arg2[%dma_start3A_135, %add3A_134, %dma_start3A_136] : memref<4x8192x128xf32, #tpu.memory_space<hbm>> -> memref<1x128x128xf32, #tpu.memory_space<hbm>>
    %dma_start3A_138 = tpu.memref_squeeze %dma_start3A_137 : memref<1x128x128xf32, #tpu.memory_space<hbm>> -> memref<128x128xf32, #tpu.memory_space<hbm>>
    %dma_start3A_139 = arith.constant 0 : i32
    %dma_start3A_140 = tpu.memref_slice %arg2[%dma_start3A_135, %add3A_134, %dma_start3A_139] : memref<4x8192x128xf32, #tpu.memory_space<hbm>> -> memref<1x128x128xf32, #tpu.memory_space<hbm>>
    %dma_start3A_141 = tpu.memref_squeeze %dma_start3A_140 : memref<1x128x128xf32, #tpu.memory_space<hbm>> -> memref<128x128xf32, #tpu.memory_space<hbm>>
    tpu.enqueue_dma source(%dma_start3A_141 : memref<128x128xf32, #tpu.memory_space<hbm>>) target(%arg7 : memref<128x128xf32, #tpu.memory_space<vmem>>) target_semaphore(%arg11 : memref<!tpu.dma_semaphore, #tpu.memory_space<semaphore_mem>>)
    %dma_wait3A_142 = arith.constant 2 : i32
    %dma_wait3A_143 = arith.constant 0 : i32
    %dma_wait3A_144 = tpu.memref_slice %arg2[%dma_wait3A_142, %add3A_99, %dma_wait3A_143] : memref<4x8192x128xf32, #tpu.memory_space<hbm>> -> memref<1x128x128xf32, #tpu.memory_space<hbm>>
    %dma_wait3A_145 = tpu.memref_squeeze %dma_wait3A_144 : memref<1x128x128xf32, #tpu.memory_space<hbm>> -> memref<128x128xf32, #tpu.memory_space<hbm>>
    %dma_wait3A_146 = arith.constant 0 : i32
    %dma_wait3A_147 = tpu.memref_slice %arg2[%dma_wait3A_142, %add3A_99, %dma_wait3A_146] : memref<4x8192x128xf32, #tpu.memory_space<hbm>> -> memref<1x128x128xf32, #tpu.memory_space<hbm>>
    %dma_wait3A_148 = tpu.memref_squeeze %dma_wait3A_147 : memref<1x128x128xf32, #tpu.memory_space<hbm>> -> memref<128x128xf32, #tpu.memory_space<hbm>>
    tpu.wait_dma2 semaphore(%arg10 : memref<!tpu.dma_semaphore, #tpu.memory_space<semaphore_mem>>) src(%dma_wait3A_148 : memref<128x128xf32, #tpu.memory_space<hbm>>) dst(%arg6 : memref<128x128xf32, #tpu.memory_space<vmem>>)
    %parallel_loop3A_149 = arith.constant 0 : i32
    %parallel_loop3A_150 = arith.constant 128 : i32
    %parallel_loop3A_151 = arith.constant 1 : i32
    scf.for %parallel_loop3A_278 = %parallel_loop3A_149 to %parallel_loop3A_150 step %parallel_loop3A_151  : i32 {
      %parallel_loop3A_279 = arith.index_cast %parallel_loop3A_278 : i32 to index
      %parallel_loop3A_280 = arith.constant 0 : index
      %parallel_loop3A_281 = tpu.vector_load %arg6[%parallel_loop3A_279, %parallel_loop3A_280] {strides = array<i32>} : memref<128x128xf32, #tpu.memory_space<vmem>>, vector<1x16xf32>,
      %parallel_loop3A_282 = vector.shape_cast %parallel_loop3A_281 : vector<1x16xf32> to vector<16xf32>
      %parallel_loop3A_283 = arith.constant 0 : i32
      %parallel_loop3A_284 = arith.addi %parallel_loop3A_283, %parallel_loop3A_278 : i32
      %parallel_loop3A_285 = arith.index_cast %parallel_loop3A_284 : i32 to index
      %parallel_loop3A_286 = arith.constant 0 : index
      %parallel_loop3A_287 = tpu.vector_load %arg5[%parallel_loop3A_285, %parallel_loop3A_286] {strides = array<i32>} : memref<256x128xf32, #tpu.memory_space<vmem>>, vector<1x16xf32>,
      %parallel_loop3A_288 = vector.shape_cast %parallel_loop3A_287 : vector<1x16xf32> to vector<16xf32>
      %parallel_loop3A_289 = arith.addf %parallel_loop3A_282, %parallel_loop3A_288 : vector<16xf32>
      %parallel_loop3A_290 = arith.index_cast %parallel_loop3A_278 : i32 to index
      %parallel_loop3A_291 = arith.constant 0 : index
      %parallel_loop3A_292 = tpu.vector_load %arg6[%parallel_loop3A_290, %parallel_loop3A_291] {strides = array<i32>} : memref<128x128xf32, #tpu.memory_space<vmem>>, vector<1x16xf32>,
      %parallel_loop3A_293 = vector.shape_cast %parallel_loop3A_292 : vector<1x16xf32> to vector<16xf32>
      %parallel_loop3A_294 = vector.shape_cast %parallel_loop3A_289 : vector<16xf32> to vector<1x16xf32>
      tpu.vector_store %arg6[%parallel_loop3A_290, %parallel_loop3A_291], %parallel_loop3A_294 {strides = array<i32>} : memref<128x128xf32, #tpu.memory_space<vmem>>, vector<1x16xf32>,
      %parallel_loop3A_295 = arith.index_cast %parallel_loop3A_278 : i32 to index
      %parallel_loop3A_296 = arith.constant 16 : index
      %parallel_loop3A_297 = tpu.vector_load %arg6[%parallel_loop3A_295, %parallel_loop3A_296] {strides = array<i32>} : memref<128x128xf32, #tpu.memory_space<vmem>>, vector<1x16xf32>,
      %parallel_loop3A_298 = vector.shape_cast %parallel_loop3A_297 : vector<1x16xf32> to vector<16xf32>
      %parallel_loop3A_299 = arith.constant 0 : i32
      %parallel_loop3A_300 = arith.addi %parallel_loop3A_299, %parallel_loop3A_278 : i32
      %parallel_loop3A_301 = arith.index_cast %parallel_loop3A_300 : i32 to index
      %parallel_loop3A_302 = arith.constant 16 : index
      %parallel_loop3A_303 = tpu.vector_load %arg5[%parallel_loop3A_301, %parallel_loop3A_302] {strides = array<i32>} : memref<256x128xf32, #tpu.memory_space<vmem>>, vector<1x16xf32>,
      %parallel_loop3A_304 = vector.shape_cast %parallel_loop3A_303 : vector<1x16xf32> to vector<16xf32>
      %parallel_loop3A_305 = arith.addf %parallel_loop3A_298, %parallel_loop3A_304 : vector<16xf32>
      %parallel_loop3A_306 = arith.index_cast %parallel_loop3A_278 : i32 to index
      %parallel_loop3A_307 = arith.constant 16 : index
      %parallel_loop3A_308 = tpu.vector_load %arg6[%parallel_loop3A_306, %parallel_loop3A_307] {strides = array<i32>} : memref<128x128xf32, #tpu.memory_space<vmem>>, vector<1x16xf32>,
      %parallel_loop3A_309 = vector.shape_cast %parallel_loop3A_308 : vector<1x16xf32> to vector<16xf32>
      %parallel_loop3A_310 = vector.shape_cast %parallel_loop3A_305 : vector<16xf32> to vector<1x16xf32>
      tpu.vector_store %arg6[%parallel_loop3A_306, %parallel_loop3A_307], %parallel_loop3A_310 {strides = array<i32>} : memref<128x128xf32, #tpu.memory_space<vmem>>, vector<1x16xf32>,
      %parallel_loop3A_311 = arith.index_cast %parallel_loop3A_278 : i32 to index
      %parallel_loop3A_312 = arith.constant 32 : index
      %parallel_loop3A_313 = tpu.vector_load %arg6[%parallel_loop3A_311, %parallel_loop3A_312] {strides = array<i32>} : memref<128x128xf32, #tpu.memory_space<vmem>>, vector<1x16xf32>,
      %parallel_loop3A_314 = vector.shape_cast %parallel_loop3A_313 : vector<1x16xf32> to vector<16xf32>
      %parallel_loop3A_315 = arith.constant 0 : i32
      %parallel_loop3A_316 = arith.addi %parallel_loop3A_315, %parallel_loop3A_278 : i32
      %parallel_loop3A_317 = arith.index_cast %parallel_loop3A_316 : i32 to index
      %parallel_loop3A_318 = arith.constant 32 : index
      %parallel_loop3A_319 = tpu.vector_load %arg5[%parallel_loop3A_317, %parallel_loop3A_318] {strides = array<i32>} : memref<256x128xf32, #tpu.memory_space<vmem>>, vector<1x16xf32>,
      %parallel_loop3A_320 = vector.shape_cast %parallel_loop3A_319 : vector<1x16xf32> to vector<16xf32>
      %parallel_loop3A_321 = arith.addf %parallel_loop3A_314, %parallel_loop3A_320 : vector<16xf32>
      %parallel_loop3A_322 = arith.index_cast %parallel_loop3A_278 : i32 to index
      %parallel_loop3A_323 = arith.constant 32 : index
      %parallel_loop3A_324 = tpu.vector_load %arg6[%parallel_loop3A_322, %parallel_loop3A_323] {strides = array<i32>} : memref<128x128xf32, #tpu.memory_space<vmem>>, vector<1x16xf32>,
      %parallel_loop3A_325 = vector.shape_cast %parallel_loop3A_324 : vector<1x16xf32> to vector<16xf32>
      %parallel_loop3A_326 = vector.shape_cast %parallel_loop3A_321 : vector<16xf32> to vector<1x16xf32>
      tpu.vector_store %arg6[%parallel_loop3A_322, %parallel_loop3A_323], %parallel_loop3A_326 {strides = array<i32>} : memref<128x128xf32, #tpu.memory_space<vmem>>, vector<1x16xf32>,
      %parallel_loop3A_327 = arith.index_cast %parallel_loop3A_278 : i32 to index
      %parallel_loop3A_328 = arith.constant 48 : index
      %parallel_loop3A_329 = tpu.vector_load %arg6[%parallel_loop3A_327, %parallel_loop3A_328] {strides = array<i32>} : memref<128x128xf32, #tpu.memory_space<vmem>>, vector<1x16xf32>,
      %parallel_loop3A_330 = vector.shape_cast %parallel_loop3A_329 : vector<1x16xf32> to vector<16xf32>
      %parallel_loop3A_331 = arith.constant 0 : i32
      %parallel_loop3A_332 = arith.addi %parallel_loop3A_331, %parallel_loop3A_278 : i32
      %parallel_loop3A_333 = arith.index_cast %parallel_loop3A_332 : i32 to index
      %parallel_loop3A_334 = arith.constant 48 : index
      %parallel_loop3A_335 = tpu.vector_load %arg5[%parallel_loop3A_333, %parallel_loop3A_334] {strides = array<i32>} : memref<256x128xf32, #tpu.memory_space<vmem>>, vector<1x16xf32>,
      %parallel_loop3A_336 = vector.shape_cast %parallel_loop3A_335 : vector<1x16xf32> to vector<16xf32>
      %parallel_loop3A_337 = arith.addf %parallel_loop3A_330, %parallel_loop3A_336 : vector<16xf32>
      %parallel_loop3A_338 = arith.index_cast %parallel_loop3A_278 : i32 to index
      %parallel_loop3A_339 = arith.constant 48 : index
      %parallel_loop3A_340 = tpu.vector_load %arg6[%parallel_loop3A_338, %parallel_loop3A_339] {strides = array<i32>} : memref<128x128xf32, #tpu.memory_space<vmem>>, vector<1x16xf32>,
      %parallel_loop3A_341 = vector.shape_cast %parallel_loop3A_340 : vector<1x16xf32> to vector<16xf32>
      %parallel_loop3A_342 = vector.shape_cast %parallel_loop3A_337 : vector<16xf32> to vector<1x16xf32>
      tpu.vector_store %arg6[%parallel_loop3A_338, %parallel_loop3A_339], %parallel_loop3A_342 {strides = array<i32>} : memref<128x128xf32, #tpu.memory_space<vmem>>, vector<1x16xf32>,
      %parallel_loop3A_343 = arith.index_cast %parallel_loop3A_278 : i32 to index
      %parallel_loop3A_344 = arith.constant 64 : index
      %parallel_loop3A_345 = tpu.vector_load %arg6[%parallel_loop3A_343, %parallel_loop3A_344] {strides = array<i32>} : memref<128x128xf32, #tpu.memory_space<vmem>>, vector<1x16xf32>,
      %parallel_loop3A_346 = vector.shape_cast %parallel_loop3A_345 : vector<1x16xf32> to vector<16xf32>
      %parallel_loop3A_347 = arith.constant 0 : i32
      %parallel_loop3A_348 = arith.addi %parallel_loop3A_347, %parallel_loop3A_278 : i32
      %parallel_loop3A_349 = arith.index_cast %parallel_loop3A_348 : i32 to index
      %parallel_loop3A_350 = arith.constant 64 : index
      %parallel_loop3A_351 = tpu.vector_load %arg5[%parallel_loop3A_349, %parallel_loop3A_350] {strides = array<i32>} : memref<256x128xf32, #tpu.memory_space<vmem>>, vector<1x16xf32>,
      %parallel_loop3A_352 = vector.shape_cast %parallel_loop3A_351 : vector<1x16xf32> to vector<16xf32>
      %parallel_loop3A_353 = arith.addf %parallel_loop3A_346, %parallel_loop3A_352 : vector<16xf32>
      %parallel_loop3A_354 = arith.index_cast %parallel_loop3A_278 : i32 to index
      %parallel_loop3A_355 = arith.constant 64 : index
      %parallel_loop3A_356 = tpu.vector_load %arg6[%parallel_loop3A_354, %parallel_loop3A_355] {strides = array<i32>} : memref<128x128xf32, #tpu.memory_space<vmem>>, vector<1x16xf32>,
      %parallel_loop3A_357 = vector.shape_cast %parallel_loop3A_356 : vector<1x16xf32> to vector<16xf32>
      %parallel_loop3A_358 = vector.shape_cast %parallel_loop3A_353 : vector<16xf32> to vector<1x16xf32>
      tpu.vector_store %arg6[%parallel_loop3A_354, %parallel_loop3A_355], %parallel_loop3A_358 {strides = array<i32>} : memref<128x128xf32, #tpu.memory_space<vmem>>, vector<1x16xf32>,
      %parallel_loop3A_359 = arith.index_cast %parallel_loop3A_278 : i32 to index
      %parallel_loop3A_360 = arith.constant 80 : index
      %parallel_loop3A_361 = tpu.vector_load %arg6[%parallel_loop3A_359, %parallel_loop3A_360] {strides = array<i32>} : memref<128x128xf32, #tpu.memory_space<vmem>>, vector<1x16xf32>,
      %parallel_loop3A_362 = vector.shape_cast %parallel_loop3A_361 : vector<1x16xf32> to vector<16xf32>
      %parallel_loop3A_363 = arith.constant 0 : i32
      %parallel_loop3A_364 = arith.addi %parallel_loop3A_363, %parallel_loop3A_278 : i32
      %parallel_loop3A_365 = arith.index_cast %parallel_loop3A_364 : i32 to index
      %parallel_loop3A_366 = arith.constant 80 : index
      %parallel_loop3A_367 = tpu.vector_load %arg5[%parallel_loop3A_365, %parallel_loop3A_366] {strides = array<i32>} : memref<256x128xf32, #tpu.memory_space<vmem>>, vector<1x16xf32>,
      %parallel_loop3A_368 = vector.shape_cast %parallel_loop3A_367 : vector<1x16xf32> to vector<16xf32>
      %parallel_loop3A_369 = arith.addf %parallel_loop3A_362, %parallel_loop3A_368 : vector<16xf32>
      %parallel_loop3A_370 = arith.index_cast %parallel_loop3A_278 : i32 to index
      %parallel_loop3A_371 = arith.constant 80 : index
      %parallel_loop3A_372 = tpu.vector_load %arg6[%parallel_loop3A_370, %parallel_loop3A_371] {strides = array<i32>} : memref<128x128xf32, #tpu.memory_space<vmem>>, vector<1x16xf32>,
      %parallel_loop3A_373 = vector.shape_cast %parallel_loop3A_372 : vector<1x16xf32> to vector<16xf32>
      %parallel_loop3A_374 = vector.shape_cast %parallel_loop3A_369 : vector<16xf32> to vector<1x16xf32>
      tpu.vector_store %arg6[%parallel_loop3A_370, %parallel_loop3A_371], %parallel_loop3A_374 {strides = array<i32>} : memref<128x128xf32, #tpu.memory_space<vmem>>, vector<1x16xf32>,
      %parallel_loop3A_375 = arith.index_cast %parallel_loop3A_278 : i32 to index
      %parallel_loop3A_376 = arith.constant 96 : index
      %parallel_loop3A_377 = tpu.vector_load %arg6[%parallel_loop3A_375, %parallel_loop3A_376] {strides = array<i32>} : memref<128x128xf32, #tpu.memory_space<vmem>>, vector<1x16xf32>,
      %parallel_loop3A_378 = vector.shape_cast %parallel_loop3A_377 : vector<1x16xf32> to vector<16xf32>
      %parallel_loop3A_379 = arith.constant 0 : i32
      %parallel_loop3A_380 = arith.addi %parallel_loop3A_379, %parallel_loop3A_278 : i32
      %parallel_loop3A_381 = arith.index_cast %parallel_loop3A_380 : i32 to index
      %parallel_loop3A_382 = arith.constant 96 : index
      %parallel_loop3A_383 = tpu.vector_load %arg5[%parallel_loop3A_381, %parallel_loop3A_382] {strides = array<i32>} : memref<256x128xf32, #tpu.memory_space<vmem>>, vector<1x16xf32>,
      %parallel_loop3A_384 = vector.shape_cast %parallel_loop3A_383 : vector<1x16xf32> to vector<16xf32>
      %parallel_loop3A_385 = arith.addf %parallel_loop3A_378, %parallel_loop3A_384 : vector<16xf32>
      %parallel_loop3A_386 = arith.index_cast %parallel_loop3A_278 : i32 to index
      %parallel_loop3A_387 = arith.constant 96 : index
      %parallel_loop3A_388 = tpu.vector_load %arg6[%parallel_loop3A_386, %parallel_loop3A_387] {strides = array<i32>} : memref<128x128xf32, #tpu.memory_space<vmem>>, vector<1x16xf32>,
      %parallel_loop3A_389 = vector.shape_cast %parallel_loop3A_388 : vector<1x16xf32> to vector<16xf32>
      %parallel_loop3A_390 = vector.shape_cast %parallel_loop3A_385 : vector<16xf32> to vector<1x16xf32>
      tpu.vector_store %arg6[%parallel_loop3A_386, %parallel_loop3A_387], %parallel_loop3A_390 {strides = array<i32>} : memref<128x128xf32, #tpu.memory_space<vmem>>, vector<1x16xf32>,
      %parallel_loop3A_391 = arith.index_cast %parallel_loop3A_278 : i32 to index
      %parallel_loop3A_392 = arith.constant 112 : index
      %parallel_loop3A_393 = tpu.vector_load %arg6[%parallel_loop3A_391, %parallel_loop3A_392] {strides = array<i32>} : memref<128x128xf32, #tpu.memory_space<vmem>>, vector<1x16xf32>,
      %parallel_loop3A_394 = vector.shape_cast %parallel_loop3A_393 : vector<1x16xf32> to vector<16xf32>
      %parallel_loop3A_395 = arith.constant 0 : i32
      %parallel_loop3A_396 = arith.addi %parallel_loop3A_395, %parallel_loop3A_278 : i32
      %parallel_loop3A_397 = arith.index_cast %parallel_loop3A_396 : i32 to index
      %parallel_loop3A_398 = arith.constant 112 : index
      %parallel_loop3A_399 = tpu.vector_load %arg5[%parallel_loop3A_397, %parallel_loop3A_398] {strides = array<i32>} : memref<256x128xf32, #tpu.memory_space<vmem>>, vector<1x16xf32>,
      %parallel_loop3A_400 = vector.shape_cast %parallel_loop3A_399 : vector<1x16xf32> to vector<16xf32>
      %parallel_loop3A_401 = arith.addf %parallel_loop3A_394, %parallel_loop3A_400 : vector<16xf32>
      %parallel_loop3A_402 = arith.index_cast %parallel_loop3A_278 : i32 to index
      %parallel_loop3A_403 = arith.constant 112 : index
      %parallel_loop3A_404 = tpu.vector_load %arg6[%parallel_loop3A_402, %parallel_loop3A_403] {strides = array<i32>} : memref<128x128xf32, #tpu.memory_space<vmem>>, vector<1x16xf32>,
      %parallel_loop3A_405 = vector.shape_cast %parallel_loop3A_404 : vector<1x16xf32> to vector<16xf32>
      %parallel_loop3A_406 = vector.shape_cast %parallel_loop3A_401 : vector<16xf32> to vector<1x16xf32>
      tpu.vector_store %arg6[%parallel_loop3A_402, %parallel_loop3A_403], %parallel_loop3A_406 {strides = array<i32>} : memref<128x128xf32, #tpu.memory_space<vmem>>, vector<1x16xf32>,
    } {sc.loop_unroll_factor = 4 : i64, sc.parallel_access}
    %add3A_152 = arith.constant 0 : i32
    %add3A_153 = arith.addi %mul3A_2, %add3A_152 : i32
    %dma_start3A_154 = arith.constant 2 : i32
    %dma_start3A_155 = arith.constant 0 : i32
    %dma_start3A_156 = tpu.memref_slice %arg4[%dma_start3A_154, %add3A_153, %dma_start3A_155] : memref<4x8192x128xf32, #tpu.memory_space<hbm>> -> memref<1x128x128xf32, #tpu.memory_space<hbm>>
    %dma_start3A_157 = tpu.memref_squeeze %dma_start3A_156 : memref<1x128x128xf32, #tpu.memory_space<hbm>> -> memref<128x128xf32, #tpu.memory_space<hbm>>
    %dma_start3A_158 = arith.constant 0 : i32
    %dma_start3A_159 = tpu.memref_slice %arg4[%dma_start3A_154, %add3A_153, %dma_start3A_158] : memref<4x8192x128xf32, #tpu.memory_space<hbm>> -> memref<1x128x128xf32, #tpu.memory_space<hbm>>
    %dma_start3A_160 = tpu.memref_squeeze %dma_start3A_159 : memref<1x128x128xf32, #tpu.memory_space<hbm>> -> memref<128x128xf32, #tpu.memory_space<hbm>>
    tpu.enqueue_dma source(%arg6 : memref<128x128xf32, #tpu.memory_space<vmem>>) target(%dma_start3A_160 : memref<128x128xf32, #tpu.memory_space<hbm>>) target_semaphore(%arg14 : memref<!tpu.dma_semaphore, #tpu.memory_space<semaphore_mem>>)
    %dma_wait3A_161 = arith.constant 1 : i32
    %dma_wait3A_162 = arith.constant 0 : i32
    %dma_wait3A_163 = tpu.memref_slice %arg4[%dma_wait3A_161, %add3A_83, %dma_wait3A_162] : memref<4x8192x128xf32, #tpu.memory_space<hbm>> -> memref<1x128x128xf32, #tpu.memory_space<hbm>>
    %dma_wait3A_164 = tpu.memref_squeeze %dma_wait3A_163 : memref<1x128x128xf32, #tpu.memory_space<hbm>> -> memref<128x128xf32, #tpu.memory_space<hbm>>
    %dma_wait3A_165 = arith.constant 0 : i32
    %dma_wait3A_166 = tpu.memref_slice %arg4[%dma_wait3A_161, %add3A_83, %dma_wait3A_165] : memref<4x8192x128xf32, #tpu.memory_space<hbm>> -> memref<1x128x128xf32, #tpu.memory_space<hbm>>
    %dma_wait3A_167 = tpu.memref_squeeze %dma_wait3A_166 : memref<1x128x128xf32, #tpu.memory_space<hbm>> -> memref<128x128xf32, #tpu.memory_space<hbm>>
    tpu.wait_dma2 semaphore(%arg16 : memref<!tpu.dma_semaphore, #tpu.memory_space<semaphore_mem>>) src(%arg8 : memref<128x128xf32, #tpu.memory_space<vmem>>) dst(%dma_wait3A_167 : memref<128x128xf32, #tpu.memory_space<hbm>>)
    %add3A_168 = arith.constant 0 : i32
    %add3A_169 = arith.addi %mul3A_2, %add3A_168 : i32
    %dma_start3A_170 = arith.constant 3 : i32
    %dma_start3A_171 = arith.constant 0 : i32
    %dma_start3A_172 = tpu.memref_slice %arg2[%dma_start3A_170, %add3A_169, %dma_start3A_171] : memref<4x8192x128xf32, #tpu.memory_space<hbm>> -> memref<1x128x128xf32, #tpu.memory_space<hbm>>
    %dma_start3A_173 = tpu.memref_squeeze %dma_start3A_172 : memref<1x128x128xf32, #tpu.memory_space<hbm>> -> memref<128x128xf32, #tpu.memory_space<hbm>>
    %dma_start3A_174 = arith.constant 0 : i32
    %dma_start3A_175 = tpu.memref_slice %arg2[%dma_start3A_170, %add3A_169, %dma_start3A_174] : memref<4x8192x128xf32, #tpu.memory_space<hbm>> -> memref<1x128x128xf32, #tpu.memory_space<hbm>>
    %dma_start3A_176 = tpu.memref_squeeze %dma_start3A_175 : memref<1x128x128xf32, #tpu.memory_space<hbm>> -> memref<128x128xf32, #tpu.memory_space<hbm>>
    tpu.enqueue_dma source(%dma_start3A_176 : memref<128x128xf32, #tpu.memory_space<hbm>>) target(%arg8 : memref<128x128xf32, #tpu.memory_space<vmem>>) target_semaphore(%arg12 : memref<!tpu.dma_semaphore, #tpu.memory_space<semaphore_mem>>)
    %dma_wait3A_177 = arith.constant 2 : i32
    %dma_wait3A_178 = arith.constant 0 : i32
    %dma_wait3A_179 = tpu.memref_slice %arg2[%dma_wait3A_177, %add3A_134, %dma_wait3A_178] : memref<4x8192x128xf32, #tpu.memory_space<hbm>> -> memref<1x128x128xf32, #tpu.memory_space<hbm>>
    %dma_wait3A_180 = tpu.memref_squeeze %dma_wait3A_179 : memref<1x128x128xf32, #tpu.memory_space<hbm>> -> memref<128x128xf32, #tpu.memory_space<hbm>>
    %dma_wait3A_181 = arith.constant 0 : i32
    %dma_wait3A_182 = tpu.memref_slice %arg2[%dma_wait3A_177, %add3A_134, %dma_wait3A_181] : memref<4x8192x128xf32, #tpu.memory_space<hbm>> -> memref<1x128x128xf32, #tpu.memory_space<hbm>>
    %dma_wait3A_183 = tpu.memref_squeeze %dma_wait3A_182 : memref<1x128x128xf32, #tpu.memory_space<hbm>> -> memref<128x128xf32, #tpu.memory_space<hbm>>
    tpu.wait_dma2 semaphore(%arg11 : memref<!tpu.dma_semaphore, #tpu.memory_space<semaphore_mem>>) src(%dma_wait3A_183 : memref<128x128xf32, #tpu.memory_space<hbm>>) dst(%arg7 : memref<128x128xf32, #tpu.memory_space<vmem>>)
    %parallel_loop3A_184 = arith.constant 0 : i32
    %parallel_loop3A_185 = arith.constant 128 : i32
    %parallel_loop3A_186 = arith.constant 1 : i32
    scf.for %parallel_loop3A_278 = %parallel_loop3A_184 to %parallel_loop3A_185 step %parallel_loop3A_186  : i32 {
      %parallel_loop3A_279 = arith.index_cast %parallel_loop3A_278 : i32 to index
      %parallel_loop3A_280 = arith.constant 0 : index
      %parallel_loop3A_281 = tpu.vector_load %arg7[%parallel_loop3A_279, %parallel_loop3A_280] {strides = array<i32>} : memref<128x128xf32, #tpu.memory_space<vmem>>, vector<1x16xf32>,
      %parallel_loop3A_282 = vector.shape_cast %parallel_loop3A_281 : vector<1x16xf32> to vector<16xf32>
      %parallel_loop3A_283 = arith.constant 128 : i32
      %parallel_loop3A_284 = arith.addi %parallel_loop3A_283, %parallel_loop3A_278 : i32
      %parallel_loop3A_285 = arith.index_cast %parallel_loop3A_284 : i32 to index
      %parallel_loop3A_286 = arith.constant 0 : index
      %parallel_loop3A_287 = tpu.vector_load %arg5[%parallel_loop3A_285, %parallel_loop3A_286] {strides = array<i32>} : memref<256x128xf32, #tpu.memory_space<vmem>>, vector<1x16xf32>,
      %parallel_loop3A_288 = vector.shape_cast %parallel_loop3A_287 : vector<1x16xf32> to vector<16xf32>
      %parallel_loop3A_289 = arith.addf %parallel_loop3A_282, %parallel_loop3A_288 : vector<16xf32>
      %parallel_loop3A_290 = arith.index_cast %parallel_loop3A_278 : i32 to index
      %parallel_loop3A_291 = arith.constant 0 : index
      %parallel_loop3A_292 = tpu.vector_load %arg7[%parallel_loop3A_290, %parallel_loop3A_291] {strides = array<i32>} : memref<128x128xf32, #tpu.memory_space<vmem>>, vector<1x16xf32>,
      %parallel_loop3A_293 = vector.shape_cast %parallel_loop3A_292 : vector<1x16xf32> to vector<16xf32>
      %parallel_loop3A_294 = vector.shape_cast %parallel_loop3A_289 : vector<16xf32> to vector<1x16xf32>
      tpu.vector_store %arg7[%parallel_loop3A_290, %parallel_loop3A_291], %parallel_loop3A_294 {strides = array<i32>} : memref<128x128xf32, #tpu.memory_space<vmem>>, vector<1x16xf32>,
      %parallel_loop3A_295 = arith.index_cast %parallel_loop3A_278 : i32 to index
      %parallel_loop3A_296 = arith.constant 16 : index
      %parallel_loop3A_297 = tpu.vector_load %arg7[%parallel_loop3A_295, %parallel_loop3A_296] {strides = array<i32>} : memref<128x128xf32, #tpu.memory_space<vmem>>, vector<1x16xf32>,
      %parallel_loop3A_298 = vector.shape_cast %parallel_loop3A_297 : vector<1x16xf32> to vector<16xf32>
      %parallel_loop3A_299 = arith.constant 128 : i32
      %parallel_loop3A_300 = arith.addi %parallel_loop3A_299, %parallel_loop3A_278 : i32
      %parallel_loop3A_301 = arith.index_cast %parallel_loop3A_300 : i32 to index
      %parallel_loop3A_302 = arith.constant 16 : index
      %parallel_loop3A_303 = tpu.vector_load %arg5[%parallel_loop3A_301, %parallel_loop3A_302] {strides = array<i32>} : memref<256x128xf32, #tpu.memory_space<vmem>>, vector<1x16xf32>,
      %parallel_loop3A_304 = vector.shape_cast %parallel_loop3A_303 : vector<1x16xf32> to vector<16xf32>
      %parallel_loop3A_305 = arith.addf %parallel_loop3A_298, %parallel_loop3A_304 : vector<16xf32>
      %parallel_loop3A_306 = arith.index_cast %parallel_loop3A_278 : i32 to index
      %parallel_loop3A_307 = arith.constant 16 : index
      %parallel_loop3A_308 = tpu.vector_load %arg7[%parallel_loop3A_306, %parallel_loop3A_307] {strides = array<i32>} : memref<128x128xf32, #tpu.memory_space<vmem>>, vector<1x16xf32>,
      %parallel_loop3A_309 = vector.shape_cast %parallel_loop3A_308 : vector<1x16xf32> to vector<16xf32>
      %parallel_loop3A_310 = vector.shape_cast %parallel_loop3A_305 : vector<16xf32> to vector<1x16xf32>
      tpu.vector_store %arg7[%parallel_loop3A_306, %parallel_loop3A_307], %parallel_loop3A_310 {strides = array<i32>} : memref<128x128xf32, #tpu.memory_space<vmem>>, vector<1x16xf32>,
      %parallel_loop3A_311 = arith.index_cast %parallel_loop3A_278 : i32 to index
      %parallel_loop3A_312 = arith.constant 32 : index
      %parallel_loop3A_313 = tpu.vector_load %arg7[%parallel_loop3A_311, %parallel_loop3A_312] {strides = array<i32>} : memref<128x128xf32, #tpu.memory_space<vmem>>, vector<1x16xf32>,
      %parallel_loop3A_314 = vector.shape_cast %parallel_loop3A_313 : vector<1x16xf32> to vector<16xf32>
      %parallel_loop3A_315 = arith.constant 128 : i32
      %parallel_loop3A_316 = arith.addi %parallel_loop3A_315, %parallel_loop3A_278 : i32
      %parallel_loop3A_317 = arith.index_cast %parallel_loop3A_316 : i32 to index
      %parallel_loop3A_318 = arith.constant 32 : index
      %parallel_loop3A_319 = tpu.vector_load %arg5[%parallel_loop3A_317, %parallel_loop3A_318] {strides = array<i32>} : memref<256x128xf32, #tpu.memory_space<vmem>>, vector<1x16xf32>,
      %parallel_loop3A_320 = vector.shape_cast %parallel_loop3A_319 : vector<1x16xf32> to vector<16xf32>
      %parallel_loop3A_321 = arith.addf %parallel_loop3A_314, %parallel_loop3A_320 : vector<16xf32>
      %parallel_loop3A_322 = arith.index_cast %parallel_loop3A_278 : i32 to index
      %parallel_loop3A_323 = arith.constant 32 : index
      %parallel_loop3A_324 = tpu.vector_load %arg7[%parallel_loop3A_322, %parallel_loop3A_323] {strides = array<i32>} : memref<128x128xf32, #tpu.memory_space<vmem>>, vector<1x16xf32>,
      %parallel_loop3A_325 = vector.shape_cast %parallel_loop3A_324 : vector<1x16xf32> to vector<16xf32>
      %parallel_loop3A_326 = vector.shape_cast %parallel_loop3A_321 : vector<16xf32> to vector<1x16xf32>
      tpu.vector_store %arg7[%parallel_loop3A_322, %parallel_loop3A_323], %parallel_loop3A_326 {strides = array<i32>} : memref<128x128xf32, #tpu.memory_space<vmem>>, vector<1x16xf32>,
      %parallel_loop3A_327 = arith.index_cast %parallel_loop3A_278 : i32 to index
      %parallel_loop3A_328 = arith.constant 48 : index
      %parallel_loop3A_329 = tpu.vector_load %arg7[%parallel_loop3A_327, %parallel_loop3A_328] {strides = array<i32>} : memref<128x128xf32, #tpu.memory_space<vmem>>, vector<1x16xf32>,
      %parallel_loop3A_330 = vector.shape_cast %parallel_loop3A_329 : vector<1x16xf32> to vector<16xf32>
      %parallel_loop3A_331 = arith.constant 128 : i32
      %parallel_loop3A_332 = arith.addi %parallel_loop3A_331, %parallel_loop3A_278 : i32
      %parallel_loop3A_333 = arith.index_cast %parallel_loop3A_332 : i32 to index
      %parallel_loop3A_334 = arith.constant 48 : index
      %parallel_loop3A_335 = tpu.vector_load %arg5[%parallel_loop3A_333, %parallel_loop3A_334] {strides = array<i32>} : memref<256x128xf32, #tpu.memory_space<vmem>>, vector<1x16xf32>,
      %parallel_loop3A_336 = vector.shape_cast %parallel_loop3A_335 : vector<1x16xf32> to vector<16xf32>
      %parallel_loop3A_337 = arith.addf %parallel_loop3A_330, %parallel_loop3A_336 : vector<16xf32>
      %parallel_loop3A_338 = arith.index_cast %parallel_loop3A_278 : i32 to index
      %parallel_loop3A_339 = arith.constant 48 : index
      %parallel_loop3A_340 = tpu.vector_load %arg7[%parallel_loop3A_338, %parallel_loop3A_339] {strides = array<i32>} : memref<128x128xf32, #tpu.memory_space<vmem>>, vector<1x16xf32>,
      %parallel_loop3A_341 = vector.shape_cast %parallel_loop3A_340 : vector<1x16xf32> to vector<16xf32>
      %parallel_loop3A_342 = vector.shape_cast %parallel_loop3A_337 : vector<16xf32> to vector<1x16xf32>
      tpu.vector_store %arg7[%parallel_loop3A_338, %parallel_loop3A_339], %parallel_loop3A_342 {strides = array<i32>} : memref<128x128xf32, #tpu.memory_space<vmem>>, vector<1x16xf32>,
      %parallel_loop3A_343 = arith.index_cast %parallel_loop3A_278 : i32 to index
      %parallel_loop3A_344 = arith.constant 64 : index
      %parallel_loop3A_345 = tpu.vector_load %arg7[%parallel_loop3A_343, %parallel_loop3A_344] {strides = array<i32>} : memref<128x128xf32, #tpu.memory_space<vmem>>, vector<1x16xf32>,
      %parallel_loop3A_346 = vector.shape_cast %parallel_loop3A_345 : vector<1x16xf32> to vector<16xf32>
      %parallel_loop3A_347 = arith.constant 128 : i32
      %parallel_loop3A_348 = arith.addi %parallel_loop3A_347, %parallel_loop3A_278 : i32
      %parallel_loop3A_349 = arith.index_cast %parallel_loop3A_348 : i32 to index
      %parallel_loop3A_350 = arith.constant 64 : index
      %parallel_loop3A_351 = tpu.vector_load %arg5[%parallel_loop3A_349, %parallel_loop3A_350] {strides = array<i32>} : memref<256x128xf32, #tpu.memory_space<vmem>>, vector<1x16xf32>,
      %parallel_loop3A_352 = vector.shape_cast %parallel_loop3A_351 : vector<1x16xf32> to vector<16xf32>
      %parallel_loop3A_353 = arith.addf %parallel_loop3A_346, %parallel_loop3A_352 : vector<16xf32>
      %parallel_loop3A_354 = arith.index_cast %parallel_loop3A_278 : i32 to index
      %parallel_loop3A_355 = arith.constant 64 : index
      %parallel_loop3A_356 = tpu.vector_load %arg7[%parallel_loop3A_354, %parallel_loop3A_355] {strides = array<i32>} : memref<128x128xf32, #tpu.memory_space<vmem>>, vector<1x16xf32>,
      %parallel_loop3A_357 = vector.shape_cast %parallel_loop3A_356 : vector<1x16xf32> to vector<16xf32>
      %parallel_loop3A_358 = vector.shape_cast %parallel_loop3A_353 : vector<16xf32> to vector<1x16xf32>
      tpu.vector_store %arg7[%parallel_loop3A_354, %parallel_loop3A_355], %parallel_loop3A_358 {strides = array<i32>} : memref<128x128xf32, #tpu.memory_space<vmem>>, vector<1x16xf32>,
      %parallel_loop3A_359 = arith.index_cast %parallel_loop3A_278 : i32 to index
      %parallel_loop3A_360 = arith.constant 80 : index
      %parallel_loop3A_361 = tpu.vector_load %arg7[%parallel_loop3A_359, %parallel_loop3A_360] {strides = array<i32>} : memref<128x128xf32, #tpu.memory_space<vmem>>, vector<1x16xf32>,
      %parallel_loop3A_362 = vector.shape_cast %parallel_loop3A_361 : vector<1x16xf32> to vector<16xf32>
      %parallel_loop3A_363 = arith.constant 128 : i32
      %parallel_loop3A_364 = arith.addi %parallel_loop3A_363, %parallel_loop3A_278 : i32
      %parallel_loop3A_365 = arith.index_cast %parallel_loop3A_364 : i32 to index
      %parallel_loop3A_366 = arith.constant 80 : index
      %parallel_loop3A_367 = tpu.vector_load %arg5[%parallel_loop3A_365, %parallel_loop3A_366] {strides = array<i32>} : memref<256x128xf32, #tpu.memory_space<vmem>>, vector<1x16xf32>,
      %parallel_loop3A_368 = vector.shape_cast %parallel_loop3A_367 : vector<1x16xf32> to vector<16xf32>
      %parallel_loop3A_369 = arith.addf %parallel_loop3A_362, %parallel_loop3A_368 : vector<16xf32>
      %parallel_loop3A_370 = arith.index_cast %parallel_loop3A_278 : i32 to index
      %parallel_loop3A_371 = arith.constant 80 : index
      %parallel_loop3A_372 = tpu.vector_load %arg7[%parallel_loop3A_370, %parallel_loop3A_371] {strides = array<i32>} : memref<128x128xf32, #tpu.memory_space<vmem>>, vector<1x16xf32>,
      %parallel_loop3A_373 = vector.shape_cast %parallel_loop3A_372 : vector<1x16xf32> to vector<16xf32>
      %parallel_loop3A_374 = vector.shape_cast %parallel_loop3A_369 : vector<16xf32> to vector<1x16xf32>
      tpu.vector_store %arg7[%parallel_loop3A_370, %parallel_loop3A_371], %parallel_loop3A_374 {strides = array<i32>} : memref<128x128xf32, #tpu.memory_space<vmem>>, vector<1x16xf32>,
      %parallel_loop3A_375 = arith.index_cast %parallel_loop3A_278 : i32 to index
      %parallel_loop3A_376 = arith.constant 96 : index
      %parallel_loop3A_377 = tpu.vector_load %arg7[%parallel_loop3A_375, %parallel_loop3A_376] {strides = array<i32>} : memref<128x128xf32, #tpu.memory_space<vmem>>, vector<1x16xf32>,
      %parallel_loop3A_378 = vector.shape_cast %parallel_loop3A_377 : vector<1x16xf32> to vector<16xf32>
      %parallel_loop3A_379 = arith.constant 128 : i32
      %parallel_loop3A_380 = arith.addi %parallel_loop3A_379, %parallel_loop3A_278 : i32
      %parallel_loop3A_381 = arith.index_cast %parallel_loop3A_380 : i32 to index
      %parallel_loop3A_382 = arith.constant 96 : index
      %parallel_loop3A_383 = tpu.vector_load %arg5[%parallel_loop3A_381, %parallel_loop3A_382] {strides = array<i32>} : memref<256x128xf32, #tpu.memory_space<vmem>>, vector<1x16xf32>,
      %parallel_loop3A_384 = vector.shape_cast %parallel_loop3A_383 : vector<1x16xf32> to vector<16xf32>
      %parallel_loop3A_385 = arith.addf %parallel_loop3A_378, %parallel_loop3A_384 : vector<16xf32>
      %parallel_loop3A_386 = arith.index_cast %parallel_loop3A_278 : i32 to index
      %parallel_loop3A_387 = arith.constant 96 : index
      %parallel_loop3A_388 = tpu.vector_load %arg7[%parallel_loop3A_386, %parallel_loop3A_387] {strides = array<i32>} : memref<128x128xf32, #tpu.memory_space<vmem>>, vector<1x16xf32>,
      %parallel_loop3A_389 = vector.shape_cast %parallel_loop3A_388 : vector<1x16xf32> to vector<16xf32>
      %parallel_loop3A_390 = vector.shape_cast %parallel_loop3A_385 : vector<16xf32> to vector<1x16xf32>
      tpu.vector_store %arg7[%parallel_loop3A_386, %parallel_loop3A_387], %parallel_loop3A_390 {strides = array<i32>} : memref<128x128xf32, #tpu.memory_space<vmem>>, vector<1x16xf32>,
      %parallel_loop3A_391 = arith.index_cast %parallel_loop3A_278 : i32 to index
      %parallel_loop3A_392 = arith.constant 112 : index
      %parallel_loop3A_393 = tpu.vector_load %arg7[%parallel_loop3A_391, %parallel_loop3A_392] {strides = array<i32>} : memref<128x128xf32, #tpu.memory_space<vmem>>, vector<1x16xf32>,
      %parallel_loop3A_394 = vector.shape_cast %parallel_loop3A_393 : vector<1x16xf32> to vector<16xf32>
      %parallel_loop3A_395 = arith.constant 128 : i32
      %parallel_loop3A_396 = arith.addi %parallel_loop3A_395, %parallel_loop3A_278 : i32
      %parallel_loop3A_397 = arith.index_cast %parallel_loop3A_396 : i32 to index
      %parallel_loop3A_398 = arith.constant 112 : index
      %parallel_loop3A_399 = tpu.vector_load %arg5[%parallel_loop3A_397, %parallel_loop3A_398] {strides = array<i32>} : memref<256x128xf32, #tpu.memory_space<vmem>>, vector<1x16xf32>,
      %parallel_loop3A_400 = vector.shape_cast %parallel_loop3A_399 : vector<1x16xf32> to vector<16xf32>
      %parallel_loop3A_401 = arith.addf %parallel_loop3A_394, %parallel_loop3A_400 : vector<16xf32>
      %parallel_loop3A_402 = arith.index_cast %parallel_loop3A_278 : i32 to index
      %parallel_loop3A_403 = arith.constant 112 : index
      %parallel_loop3A_404 = tpu.vector_load %arg7[%parallel_loop3A_402, %parallel_loop3A_403] {strides = array<i32>} : memref<128x128xf32, #tpu.memory_space<vmem>>, vector<1x16xf32>,
      %parallel_loop3A_405 = vector.shape_cast %parallel_loop3A_404 : vector<1x16xf32> to vector<16xf32>
      %parallel_loop3A_406 = vector.shape_cast %parallel_loop3A_401 : vector<16xf32> to vector<1x16xf32>
      tpu.vector_store %arg7[%parallel_loop3A_402, %parallel_loop3A_403], %parallel_loop3A_406 {strides = array<i32>} : memref<128x128xf32, #tpu.memory_space<vmem>>, vector<1x16xf32>,
    } {sc.loop_unroll_factor = 4 : i64, sc.parallel_access}
    %add3A_187 = arith.constant 128 : i32
    %add3A_188 = arith.addi %mul3A_2, %add3A_187 : i32
    %dma_start3A_189 = arith.constant 2 : i32
    %dma_start3A_190 = arith.constant 0 : i32
    %dma_start3A_191 = tpu.memref_slice %arg4[%dma_start3A_189, %add3A_188, %dma_start3A_190] : memref<4x8192x128xf32, #tpu.memory_space<hbm>> -> memref<1x128x128xf32, #tpu.memory_space<hbm>>
    %dma_start3A_192 = tpu.memref_squeeze %dma_start3A_191 : memref<1x128x128xf32, #tpu.memory_space<hbm>> -> memref<128x128xf32, #tpu.memory_space<hbm>>
    %dma_start3A_193 = arith.constant 0 : i32
    %dma_start3A_194 = tpu.memref_slice %arg4[%dma_start3A_189, %add3A_188, %dma_start3A_193] : memref<4x8192x128xf32, #tpu.memory_space<hbm>> -> memref<1x128x128xf32, #tpu.memory_space<hbm>>
    %dma_start3A_195 = tpu.memref_squeeze %dma_start3A_194 : memref<1x128x128xf32, #tpu.memory_space<hbm>> -> memref<128x128xf32, #tpu.memory_space<hbm>>
    tpu.enqueue_dma source(%arg7 : memref<128x128xf32, #tpu.memory_space<vmem>>) target(%dma_start3A_195 : memref<128x128xf32, #tpu.memory_space<hbm>>) target_semaphore(%arg15 : memref<!tpu.dma_semaphore, #tpu.memory_space<semaphore_mem>>)
    %dma_wait3A_196 = arith.constant 1 : i32
    %dma_wait3A_197 = arith.constant 0 : i32
    %dma_wait3A_198 = tpu.memref_slice %arg4[%dma_wait3A_196, %add3A_118, %dma_wait3A_197] : memref<4x8192x128xf32, #tpu.memory_space<hbm>> -> memref<1x128x128xf32, #tpu.memory_space<hbm>>
    %dma_wait3A_199 = tpu.memref_squeeze %dma_wait3A_198 : memref<1x128x128xf32, #tpu.memory_space<hbm>> -> memref<128x128xf32, #tpu.memory_space<hbm>>
    %dma_wait3A_200 = arith.constant 0 : i32
    %dma_wait3A_201 = tpu.memref_slice %arg4[%dma_wait3A_196, %add3A_118, %dma_wait3A_200] : memref<4x8192x128xf32, #tpu.memory_space<hbm>> -> memref<1x128x128xf32, #tpu.memory_space<hbm>>
    %dma_wait3A_202 = tpu.memref_squeeze %dma_wait3A_201 : memref<1x128x128xf32, #tpu.memory_space<hbm>> -> memref<128x128xf32, #tpu.memory_space<hbm>>
    tpu.wait_dma2 semaphore(%arg17 : memref<!tpu.dma_semaphore, #tpu.memory_space<semaphore_mem>>) src(%arg9 : memref<128x128xf32, #tpu.memory_space<vmem>>) dst(%dma_wait3A_202 : memref<128x128xf32, #tpu.memory_space<hbm>>)
    %add3A_203 = arith.constant 128 : i32
    %add3A_204 = arith.addi %mul3A_2, %add3A_203 : i32
    %dma_start3A_205 = arith.constant 3 : i32
    %dma_start3A_206 = arith.constant 0 : i32
    %dma_start3A_207 = tpu.memref_slice %arg2[%dma_start3A_205, %add3A_204, %dma_start3A_206] : memref<4x8192x128xf32, #tpu.memory_space<hbm>> -> memref<1x128x128xf32, #tpu.memory_space<hbm>>
    %dma_start3A_208 = tpu.memref_squeeze %dma_start3A_207 : memref<1x128x128xf32, #tpu.memory_space<hbm>> -> memref<128x128xf32, #tpu.memory_space<hbm>>
    %dma_start3A_209 = arith.constant 0 : i32
    %dma_start3A_210 = tpu.memref_slice %arg2[%dma_start3A_205, %add3A_204, %dma_start3A_209] : memref<4x8192x128xf32, #tpu.memory_space<hbm>> -> memref<1x128x128xf32, #tpu.memory_space<hbm>>
    %dma_start3A_211 = tpu.memref_squeeze %dma_start3A_210 : memref<1x128x128xf32, #tpu.memory_space<hbm>> -> memref<128x128xf32, #tpu.memory_space<hbm>>
    tpu.enqueue_dma source(%dma_start3A_211 : memref<128x128xf32, #tpu.memory_space<hbm>>) target(%arg9 : memref<128x128xf32, #tpu.memory_space<vmem>>) target_semaphore(%arg13 : memref<!tpu.dma_semaphore, #tpu.memory_space<semaphore_mem>>)
    %dma_wait3A_212 = arith.constant 3 : i32
    %dma_wait3A_213 = arith.constant 0 : i32
    %dma_wait3A_214 = tpu.memref_slice %arg2[%dma_wait3A_212, %add3A_169, %dma_wait3A_213] : memref<4x8192x128xf32, #tpu.memory_space<hbm>> -> memref<1x128x128xf32, #tpu.memory_space<hbm>>
    %dma_wait3A_215 = tpu.memref_squeeze %dma_wait3A_214 : memref<1x128x128xf32, #tpu.memory_space<hbm>> -> memref<128x128xf32, #tpu.memory_space<hbm>>
    %dma_wait3A_216 = arith.constant 0 : i32
    %dma_wait3A_217 = tpu.memref_slice %arg2[%dma_wait3A_212, %add3A_169, %dma_wait3A_216] : memref<4x8192x128xf32, #tpu.memory_space<hbm>> -> memref<1x128x128xf32, #tpu.memory_space<hbm>>
    %dma_wait3A_218 = tpu.memref_squeeze %dma_wait3A_217 : memref<1x128x128xf32, #tpu.memory_space<hbm>> -> memref<128x128xf32, #tpu.memory_space<hbm>>
    tpu.wait_dma2 semaphore(%arg12 : memref<!tpu.dma_semaphore, #tpu.memory_space<semaphore_mem>>) src(%dma_wait3A_218 : memref<128x128xf32, #tpu.memory_space<hbm>>) dst(%arg8 : memref<128x128xf32, #tpu.memory_space<vmem>>)
    %parallel_loop3A_219 = arith.constant 0 : i32
    %parallel_loop3A_220 = arith.constant 128 : i32
    %parallel_loop3A_221 = arith.constant 1 : i32
    scf.for %parallel_loop3A_278 = %parallel_loop3A_219 to %parallel_loop3A_220 step %parallel_loop3A_221  : i32 {
      %parallel_loop3A_279 = arith.index_cast %parallel_loop3A_278 : i32 to index
      %parallel_loop3A_280 = arith.constant 0 : index
      %parallel_loop3A_281 = tpu.vector_load %arg8[%parallel_loop3A_279, %parallel_loop3A_280] {strides = array<i32>} : memref<128x128xf32, #tpu.memory_space<vmem>>, vector<1x16xf32>,
      %parallel_loop3A_282 = vector.shape_cast %parallel_loop3A_281 : vector<1x16xf32> to vector<16xf32>
      %parallel_loop3A_283 = arith.constant 0 : i32
      %parallel_loop3A_284 = arith.addi %parallel_loop3A_283, %parallel_loop3A_278 : i32
      %parallel_loop3A_285 = arith.index_cast %parallel_loop3A_284 : i32 to index
      %parallel_loop3A_286 = arith.constant 0 : index
      %parallel_loop3A_287 = tpu.vector_load %arg5[%parallel_loop3A_285, %parallel_loop3A_286] {strides = array<i32>} : memref<256x128xf32, #tpu.memory_space<vmem>>, vector<1x16xf32>,
      %parallel_loop3A_288 = vector.shape_cast %parallel_loop3A_287 : vector<1x16xf32> to vector<16xf32>
      %parallel_loop3A_289 = arith.addf %parallel_loop3A_282, %parallel_loop3A_288 : vector<16xf32>
      %parallel_loop3A_290 = arith.index_cast %parallel_loop3A_278 : i32 to index
      %parallel_loop3A_291 = arith.constant 0 : index
      %parallel_loop3A_292 = tpu.vector_load %arg8[%parallel_loop3A_290, %parallel_loop3A_291] {strides = array<i32>} : memref<128x128xf32, #tpu.memory_space<vmem>>, vector<1x16xf32>,
      %parallel_loop3A_293 = vector.shape_cast %parallel_loop3A_292 : vector<1x16xf32> to vector<16xf32>
      %parallel_loop3A_294 = vector.shape_cast %parallel_loop3A_289 : vector<16xf32> to vector<1x16xf32>
      tpu.vector_store %arg8[%parallel_loop3A_290, %parallel_loop3A_291], %parallel_loop3A_294 {strides = array<i32>} : memref<128x128xf32, #tpu.memory_space<vmem>>, vector<1x16xf32>,
      %parallel_loop3A_295 = arith.index_cast %parallel_loop3A_278 : i32 to index
      %parallel_loop3A_296 = arith.constant 16 : index
      %parallel_loop3A_297 = tpu.vector_load %arg8[%parallel_loop3A_295, %parallel_loop3A_296] {strides = array<i32>} : memref<128x128xf32, #tpu.memory_space<vmem>>, vector<1x16xf32>,
      %parallel_loop3A_298 = vector.shape_cast %parallel_loop3A_297 : vector<1x16xf32> to vector<16xf32>
      %parallel_loop3A_299 = arith.constant 0 : i32
      %parallel_loop3A_300 = arith.addi %parallel_loop3A_299, %parallel_loop3A_278 : i32
      %parallel_loop3A_301 = arith.index_cast %parallel_loop3A_300 : i32 to index
      %parallel_loop3A_302 = arith.constant 16 : index
      %parallel_loop3A_303 = tpu.vector_load %arg5[%parallel_loop3A_301, %parallel_loop3A_302] {strides = array<i32>} : memref<256x128xf32, #tpu.memory_space<vmem>>, vector<1x16xf32>,
      %parallel_loop3A_304 = vector.shape_cast %parallel_loop3A_303 : vector<1x16xf32> to vector<16xf32>
      %parallel_loop3A_305 = arith.addf %parallel_loop3A_298, %parallel_loop3A_304 : vector<16xf32>
      %parallel_loop3A_306 = arith.index_cast %parallel_loop3A_278 : i32 to index
      %parallel_loop3A_307 = arith.constant 16 : index
      %parallel_loop3A_308 = tpu.vector_load %arg8[%parallel_loop3A_306, %parallel_loop3A_307] {strides = array<i32>} : memref<128x128xf32, #tpu.memory_space<vmem>>, vector<1x16xf32>,
      %parallel_loop3A_309 = vector.shape_cast %parallel_loop3A_308 : vector<1x16xf32> to vector<16xf32>
      %parallel_loop3A_310 = vector.shape_cast %parallel_loop3A_305 : vector<16xf32> to vector<1x16xf32>
      tpu.vector_store %arg8[%parallel_loop3A_306, %parallel_loop3A_307], %parallel_loop3A_310 {strides = array<i32>} : memref<128x128xf32, #tpu.memory_space<vmem>>, vector<1x16xf32>,
      %parallel_loop3A_311 = arith.index_cast %parallel_loop3A_278 : i32 to index
      %parallel_loop3A_312 = arith.constant 32 : index
      %parallel_loop3A_313 = tpu.vector_load %arg8[%parallel_loop3A_311, %parallel_loop3A_312] {strides = array<i32>} : memref<128x128xf32, #tpu.memory_space<vmem>>, vector<1x16xf32>,
      %parallel_loop3A_314 = vector.shape_cast %parallel_loop3A_313 : vector<1x16xf32> to vector<16xf32>
      %parallel_loop3A_315 = arith.constant 0 : i32
      %parallel_loop3A_316 = arith.addi %parallel_loop3A_315, %parallel_loop3A_278 : i32
      %parallel_loop3A_317 = arith.index_cast %parallel_loop3A_316 : i32 to index
      %parallel_loop3A_318 = arith.constant 32 : index
      %parallel_loop3A_319 = tpu.vector_load %arg5[%parallel_loop3A_317, %parallel_loop3A_318] {strides = array<i32>} : memref<256x128xf32, #tpu.memory_space<vmem>>, vector<1x16xf32>,
      %parallel_loop3A_320 = vector.shape_cast %parallel_loop3A_319 : vector<1x16xf32> to vector<16xf32>
      %parallel_loop3A_321 = arith.addf %parallel_loop3A_314, %parallel_loop3A_320 : vector<16xf32>
      %parallel_loop3A_322 = arith.index_cast %parallel_loop3A_278 : i32 to index
      %parallel_loop3A_323 = arith.constant 32 : index
      %parallel_loop3A_324 = tpu.vector_load %arg8[%parallel_loop3A_322, %parallel_loop3A_323] {strides = array<i32>} : memref<128x128xf32, #tpu.memory_space<vmem>>, vector<1x16xf32>,
      %parallel_loop3A_325 = vector.shape_cast %parallel_loop3A_324 : vector<1x16xf32> to vector<16xf32>
      %parallel_loop3A_326 = vector.shape_cast %parallel_loop3A_321 : vector<16xf32> to vector<1x16xf32>
      tpu.vector_store %arg8[%parallel_loop3A_322, %parallel_loop3A_323], %parallel_loop3A_326 {strides = array<i32>} : memref<128x128xf32, #tpu.memory_space<vmem>>, vector<1x16xf32>,
      %parallel_loop3A_327 = arith.index_cast %parallel_loop3A_278 : i32 to index
      %parallel_loop3A_328 = arith.constant 48 : index
      %parallel_loop3A_329 = tpu.vector_load %arg8[%parallel_loop3A_327, %parallel_loop3A_328] {strides = array<i32>} : memref<128x128xf32, #tpu.memory_space<vmem>>, vector<1x16xf32>,
      %parallel_loop3A_330 = vector.shape_cast %parallel_loop3A_329 : vector<1x16xf32> to vector<16xf32>
      %parallel_loop3A_331 = arith.constant 0 : i32
      %parallel_loop3A_332 = arith.addi %parallel_loop3A_331, %parallel_loop3A_278 : i32
      %parallel_loop3A_333 = arith.index_cast %parallel_loop3A_332 : i32 to index
      %parallel_loop3A_334 = arith.constant 48 : index
      %parallel_loop3A_335 = tpu.vector_load %arg5[%parallel_loop3A_333, %parallel_loop3A_334] {strides = array<i32>} : memref<256x128xf32, #tpu.memory_space<vmem>>, vector<1x16xf32>,
      %parallel_loop3A_336 = vector.shape_cast %parallel_loop3A_335 : vector<1x16xf32> to vector<16xf32>
      %parallel_loop3A_337 = arith.addf %parallel_loop3A_330, %parallel_loop3A_336 : vector<16xf32>
      %parallel_loop3A_338 = arith.index_cast %parallel_loop3A_278 : i32 to index
      %parallel_loop3A_339 = arith.constant 48 : index
      %parallel_loop3A_340 = tpu.vector_load %arg8[%parallel_loop3A_338, %parallel_loop3A_339] {strides = array<i32>} : memref<128x128xf32, #tpu.memory_space<vmem>>, vector<1x16xf32>,
      %parallel_loop3A_341 = vector.shape_cast %parallel_loop3A_340 : vector<1x16xf32> to vector<16xf32>
      %parallel_loop3A_342 = vector.shape_cast %parallel_loop3A_337 : vector<16xf32> to vector<1x16xf32>
      tpu.vector_store %arg8[%parallel_loop3A_338, %parallel_loop3A_339], %parallel_loop3A_342 {strides = array<i32>} : memref<128x128xf32, #tpu.memory_space<vmem>>, vector<1x16xf32>,
      %parallel_loop3A_343 = arith.index_cast %parallel_loop3A_278 : i32 to index
      %parallel_loop3A_344 = arith.constant 64 : index
      %parallel_loop3A_345 = tpu.vector_load %arg8[%parallel_loop3A_343, %parallel_loop3A_344] {strides = array<i32>} : memref<128x128xf32, #tpu.memory_space<vmem>>, vector<1x16xf32>,
      %parallel_loop3A_346 = vector.shape_cast %parallel_loop3A_345 : vector<1x16xf32> to vector<16xf32>
      %parallel_loop3A_347 = arith.constant 0 : i32
      %parallel_loop3A_348 = arith.addi %parallel_loop3A_347, %parallel_loop3A_278 : i32
      %parallel_loop3A_349 = arith.index_cast %parallel_loop3A_348 : i32 to index
      %parallel_loop3A_350 = arith.constant 64 : index
      %parallel_loop3A_351 = tpu.vector_load %arg5[%parallel_loop3A_349, %parallel_loop3A_350] {strides = array<i32>} : memref<256x128xf32, #tpu.memory_space<vmem>>, vector<1x16xf32>,
      %parallel_loop3A_352 = vector.shape_cast %parallel_loop3A_351 : vector<1x16xf32> to vector<16xf32>
      %parallel_loop3A_353 = arith.addf %parallel_loop3A_346, %parallel_loop3A_352 : vector<16xf32>
      %parallel_loop3A_354 = arith.index_cast %parallel_loop3A_278 : i32 to index
      %parallel_loop3A_355 = arith.constant 64 : index
      %parallel_loop3A_356 = tpu.vector_load %arg8[%parallel_loop3A_354, %parallel_loop3A_355] {strides = array<i32>} : memref<128x128xf32, #tpu.memory_space<vmem>>, vector<1x16xf32>,
      %parallel_loop3A_357 = vector.shape_cast %parallel_loop3A_356 : vector<1x16xf32> to vector<16xf32>
      %parallel_loop3A_358 = vector.shape_cast %parallel_loop3A_353 : vector<16xf32> to vector<1x16xf32>
      tpu.vector_store %arg8[%parallel_loop3A_354, %parallel_loop3A_355], %parallel_loop3A_358 {strides = array<i32>} : memref<128x128xf32, #tpu.memory_space<vmem>>, vector<1x16xf32>,
      %parallel_loop3A_359 = arith.index_cast %parallel_loop3A_278 : i32 to index
      %parallel_loop3A_360 = arith.constant 80 : index
      %parallel_loop3A_361 = tpu.vector_load %arg8[%parallel_loop3A_359, %parallel_loop3A_360] {strides = array<i32>} : memref<128x128xf32, #tpu.memory_space<vmem>>, vector<1x16xf32>,
      %parallel_loop3A_362 = vector.shape_cast %parallel_loop3A_361 : vector<1x16xf32> to vector<16xf32>
      %parallel_loop3A_363 = arith.constant 0 : i32
      %parallel_loop3A_364 = arith.addi %parallel_loop3A_363, %parallel_loop3A_278 : i32
      %parallel_loop3A_365 = arith.index_cast %parallel_loop3A_364 : i32 to index
      %parallel_loop3A_366 = arith.constant 80 : index
      %parallel_loop3A_367 = tpu.vector_load %arg5[%parallel_loop3A_365, %parallel_loop3A_366] {strides = array<i32>} : memref<256x128xf32, #tpu.memory_space<vmem>>, vector<1x16xf32>,
      %parallel_loop3A_368 = vector.shape_cast %parallel_loop3A_367 : vector<1x16xf32> to vector<16xf32>
      %parallel_loop3A_369 = arith.addf %parallel_loop3A_362, %parallel_loop3A_368 : vector<16xf32>
      %parallel_loop3A_370 = arith.index_cast %parallel_loop3A_278 : i32 to index
      %parallel_loop3A_371 = arith.constant 80 : index
      %parallel_loop3A_372 = tpu.vector_load %arg8[%parallel_loop3A_370, %parallel_loop3A_371] {strides = array<i32>} : memref<128x128xf32, #tpu.memory_space<vmem>>, vector<1x16xf32>,
      %parallel_loop3A_373 = vector.shape_cast %parallel_loop3A_372 : vector<1x16xf32> to vector<16xf32>
      %parallel_loop3A_374 = vector.shape_cast %parallel_loop3A_369 : vector<16xf32> to vector<1x16xf32>
      tpu.vector_store %arg8[%parallel_loop3A_370, %parallel_loop3A_371], %parallel_loop3A_374 {strides = array<i32>} : memref<128x128xf32, #tpu.memory_space<vmem>>, vector<1x16xf32>,
      %parallel_loop3A_375 = arith.index_cast %parallel_loop3A_278 : i32 to index
      %parallel_loop3A_376 = arith.constant 96 : index
      %parallel_loop3A_377 = tpu.vector_load %arg8[%parallel_loop3A_375, %parallel_loop3A_376] {strides = array<i32>} : memref<128x128xf32, #tpu.memory_space<vmem>>, vector<1x16xf32>,
      %parallel_loop3A_378 = vector.shape_cast %parallel_loop3A_377 : vector<1x16xf32> to vector<16xf32>
      %parallel_loop3A_379 = arith.constant 0 : i32
      %parallel_loop3A_380 = arith.addi %parallel_loop3A_379, %parallel_loop3A_278 : i32
      %parallel_loop3A_381 = arith.index_cast %parallel_loop3A_380 : i32 to index
      %parallel_loop3A_382 = arith.constant 96 : index
      %parallel_loop3A_383 = tpu.vector_load %arg5[%parallel_loop3A_381, %parallel_loop3A_382] {strides = array<i32>} : memref<256x128xf32, #tpu.memory_space<vmem>>, vector<1x16xf32>,
      %parallel_loop3A_384 = vector.shape_cast %parallel_loop3A_383 : vector<1x16xf32> to vector<16xf32>
      %parallel_loop3A_385 = arith.addf %parallel_loop3A_378, %parallel_loop3A_384 : vector<16xf32>
      %parallel_loop3A_386 = arith.index_cast %parallel_loop3A_278 : i32 to index
      %parallel_loop3A_387 = arith.constant 96 : index
      %parallel_loop3A_388 = tpu.vector_load %arg8[%parallel_loop3A_386, %parallel_loop3A_387] {strides = array<i32>} : memref<128x128xf32, #tpu.memory_space<vmem>>, vector<1x16xf32>,
      %parallel_loop3A_389 = vector.shape_cast %parallel_loop3A_388 : vector<1x16xf32> to vector<16xf32>
      %parallel_loop3A_390 = vector.shape_cast %parallel_loop3A_385 : vector<16xf32> to vector<1x16xf32>
      tpu.vector_store %arg8[%parallel_loop3A_386, %parallel_loop3A_387], %parallel_loop3A_390 {strides = array<i32>} : memref<128x128xf32, #tpu.memory_space<vmem>>, vector<1x16xf32>,
      %parallel_loop3A_391 = arith.index_cast %parallel_loop3A_278 : i32 to index
      %parallel_loop3A_392 = arith.constant 112 : index
      %parallel_loop3A_393 = tpu.vector_load %arg8[%parallel_loop3A_391, %parallel_loop3A_392] {strides = array<i32>} : memref<128x128xf32, #tpu.memory_space<vmem>>, vector<1x16xf32>,
      %parallel_loop3A_394 = vector.shape_cast %parallel_loop3A_393 : vector<1x16xf32> to vector<16xf32>
      %parallel_loop3A_395 = arith.constant 0 : i32
      %parallel_loop3A_396 = arith.addi %parallel_loop3A_395, %parallel_loop3A_278 : i32
      %parallel_loop3A_397 = arith.index_cast %parallel_loop3A_396 : i32 to index
      %parallel_loop3A_398 = arith.constant 112 : index
      %parallel_loop3A_399 = tpu.vector_load %arg5[%parallel_loop3A_397, %parallel_loop3A_398] {strides = array<i32>} : memref<256x128xf32, #tpu.memory_space<vmem>>, vector<1x16xf32>,
      %parallel_loop3A_400 = vector.shape_cast %parallel_loop3A_399 : vector<1x16xf32> to vector<16xf32>
      %parallel_loop3A_401 = arith.addf %parallel_loop3A_394, %parallel_loop3A_400 : vector<16xf32>
      %parallel_loop3A_402 = arith.index_cast %parallel_loop3A_278 : i32 to index
      %parallel_loop3A_403 = arith.constant 112 : index
      %parallel_loop3A_404 = tpu.vector_load %arg8[%parallel_loop3A_402, %parallel_loop3A_403] {strides = array<i32>} : memref<128x128xf32, #tpu.memory_space<vmem>>, vector<1x16xf32>,
      %parallel_loop3A_405 = vector.shape_cast %parallel_loop3A_404 : vector<1x16xf32> to vector<16xf32>
      %parallel_loop3A_406 = vector.shape_cast %parallel_loop3A_401 : vector<16xf32> to vector<1x16xf32>
      tpu.vector_store %arg8[%parallel_loop3A_402, %parallel_loop3A_403], %parallel_loop3A_406 {strides = array<i32>} : memref<128x128xf32, #tpu.memory_space<vmem>>, vector<1x16xf32>,
    } {sc.loop_unroll_factor = 4 : i64, sc.parallel_access}
    %add3A_222 = arith.constant 0 : i32
    %add3A_223 = arith.addi %mul3A_2, %add3A_222 : i32
    %dma_start3A_224 = arith.constant 3 : i32
    %dma_start3A_225 = arith.constant 0 : i32
    %dma_start3A_226 = tpu.memref_slice %arg4[%dma_start3A_224, %add3A_223, %dma_start3A_225] : memref<4x8192x128xf32, #tpu.memory_space<hbm>> -> memref<1x128x128xf32, #tpu.memory_space<hbm>>
    %dma_start3A_227 = tpu.memref_squeeze %dma_start3A_226 : memref<1x128x128xf32, #tpu.memory_space<hbm>> -> memref<128x128xf32, #tpu.memory_space<hbm>>
    %dma_start3A_228 = arith.constant 0 : i32
    %dma_start3A_229 = tpu.memref_slice %arg4[%dma_start3A_224, %add3A_223, %dma_start3A_228] : memref<4x8192x128xf32, #tpu.memory_space<hbm>> -> memref<1x128x128xf32, #tpu.memory_space<hbm>>
    %dma_start3A_230 = tpu.memref_squeeze %dma_start3A_229 : memref<1x128x128xf32, #tpu.memory_space<hbm>> -> memref<128x128xf32, #tpu.memory_space<hbm>>
    tpu.enqueue_dma source(%arg8 : memref<128x128xf32, #tpu.memory_space<vmem>>) target(%dma_start3A_230 : memref<128x128xf32, #tpu.memory_space<hbm>>) target_semaphore(%arg16 : memref<!tpu.dma_semaphore, #tpu.memory_space<semaphore_mem>>)
    %dma_wait3A_231 = arith.constant 3 : i32
    %dma_wait3A_232 = arith.constant 0 : i32
    %dma_wait3A_233 = tpu.memref_slice %arg2[%dma_wait3A_231, %add3A_204, %dma_wait3A_232] : memref<4x8192x128xf32, #tpu.memory_space<hbm>> -> memref<1x128x128xf32, #tpu.memory_space<hbm>>
    %dma_wait3A_234 = tpu.memref_squeeze %dma_wait3A_233 : memref<1x128x128xf32, #tpu.memory_space<hbm>> -> memref<128x128xf32, #tpu.memory_space<hbm>>
    %dma_wait3A_235 = arith.constant 0 : i32
    %dma_wait3A_236 = tpu.memref_slice %arg2[%dma_wait3A_231, %add3A_204, %dma_wait3A_235] : memref<4x8192x128xf32, #tpu.memory_space<hbm>> -> memref<1x128x128xf32, #tpu.memory_space<hbm>>
    %dma_wait3A_237 = tpu.memref_squeeze %dma_wait3A_236 : memref<1x128x128xf32, #tpu.memory_space<hbm>> -> memref<128x128xf32, #tpu.memory_space<hbm>>
    tpu.wait_dma2 semaphore(%arg13 : memref<!tpu.dma_semaphore, #tpu.memory_space<semaphore_mem>>) src(%dma_wait3A_237 : memref<128x128xf32, #tpu.memory_space<hbm>>) dst(%arg9 : memref<128x128xf32, #tpu.memory_space<vmem>>)
    %parallel_loop3A_238 = arith.constant 0 : i32
    %parallel_loop3A_239 = arith.constant 128 : i32
    %parallel_loop3A_240 = arith.constant 1 : i32
    scf.for %parallel_loop3A_278 = %parallel_loop3A_238 to %parallel_loop3A_239 step %parallel_loop3A_240  : i32 {
      %parallel_loop3A_279 = arith.index_cast %parallel_loop3A_278 : i32 to index
      %parallel_loop3A_280 = arith.constant 0 : index
      %parallel_loop3A_281 = tpu.vector_load %arg9[%parallel_loop3A_279, %parallel_loop3A_280] {strides = array<i32>} : memref<128x128xf32, #tpu.memory_space<vmem>>, vector<1x16xf32>,
      %parallel_loop3A_282 = vector.shape_cast %parallel_loop3A_281 : vector<1x16xf32> to vector<16xf32>
      %parallel_loop3A_283 = arith.constant 128 : i32
      %parallel_loop3A_284 = arith.addi %parallel_loop3A_283, %parallel_loop3A_278 : i32
      %parallel_loop3A_285 = arith.index_cast %parallel_loop3A_284 : i32 to index
      %parallel_loop3A_286 = arith.constant 0 : index
      %parallel_loop3A_287 = tpu.vector_load %arg5[%parallel_loop3A_285, %parallel_loop3A_286] {strides = array<i32>} : memref<256x128xf32, #tpu.memory_space<vmem>>, vector<1x16xf32>,
      %parallel_loop3A_288 = vector.shape_cast %parallel_loop3A_287 : vector<1x16xf32> to vector<16xf32>
      %parallel_loop3A_289 = arith.addf %parallel_loop3A_282, %parallel_loop3A_288 : vector<16xf32>
      %parallel_loop3A_290 = arith.index_cast %parallel_loop3A_278 : i32 to index
      %parallel_loop3A_291 = arith.constant 0 : index
      %parallel_loop3A_292 = tpu.vector_load %arg9[%parallel_loop3A_290, %parallel_loop3A_291] {strides = array<i32>} : memref<128x128xf32, #tpu.memory_space<vmem>>, vector<1x16xf32>,
      %parallel_loop3A_293 = vector.shape_cast %parallel_loop3A_292 : vector<1x16xf32> to vector<16xf32>
      %parallel_loop3A_294 = vector.shape_cast %parallel_loop3A_289 : vector<16xf32> to vector<1x16xf32>
      tpu.vector_store %arg9[%parallel_loop3A_290, %parallel_loop3A_291], %parallel_loop3A_294 {strides = array<i32>} : memref<128x128xf32, #tpu.memory_space<vmem>>, vector<1x16xf32>,
      %parallel_loop3A_295 = arith.index_cast %parallel_loop3A_278 : i32 to index
      %parallel_loop3A_296 = arith.constant 16 : index
      %parallel_loop3A_297 = tpu.vector_load %arg9[%parallel_loop3A_295, %parallel_loop3A_296] {strides = array<i32>} : memref<128x128xf32, #tpu.memory_space<vmem>>, vector<1x16xf32>,
      %parallel_loop3A_298 = vector.shape_cast %parallel_loop3A_297 : vector<1x16xf32> to vector<16xf32>
      %parallel_loop3A_299 = arith.constant 128 : i32
      %parallel_loop3A_300 = arith.addi %parallel_loop3A_299, %parallel_loop3A_278 : i32
      %parallel_loop3A_301 = arith.index_cast %parallel_loop3A_300 : i32 to index
      %parallel_loop3A_302 = arith.constant 16 : index
      %parallel_loop3A_303 = tpu.vector_load %arg5[%parallel_loop3A_301, %parallel_loop3A_302] {strides = array<i32>} : memref<256x128xf32, #tpu.memory_space<vmem>>, vector<1x16xf32>,
      %parallel_loop3A_304 = vector.shape_cast %parallel_loop3A_303 : vector<1x16xf32> to vector<16xf32>
      %parallel_loop3A_305 = arith.addf %parallel_loop3A_298, %parallel_loop3A_304 : vector<16xf32>
      %parallel_loop3A_306 = arith.index_cast %parallel_loop3A_278 : i32 to index
      %parallel_loop3A_307 = arith.constant 16 : index
      %parallel_loop3A_308 = tpu.vector_load %arg9[%parallel_loop3A_306, %parallel_loop3A_307] {strides = array<i32>} : memref<128x128xf32, #tpu.memory_space<vmem>>, vector<1x16xf32>,
      %parallel_loop3A_309 = vector.shape_cast %parallel_loop3A_308 : vector<1x16xf32> to vector<16xf32>
      %parallel_loop3A_310 = vector.shape_cast %parallel_loop3A_305 : vector<16xf32> to vector<1x16xf32>
      tpu.vector_store %arg9[%parallel_loop3A_306, %parallel_loop3A_307], %parallel_loop3A_310 {strides = array<i32>} : memref<128x128xf32, #tpu.memory_space<vmem>>, vector<1x16xf32>,
      %parallel_loop3A_311 = arith.index_cast %parallel_loop3A_278 : i32 to index
      %parallel_loop3A_312 = arith.constant 32 : index
      %parallel_loop3A_313 = tpu.vector_load %arg9[%parallel_loop3A_311, %parallel_loop3A_312] {strides = array<i32>} : memref<128x128xf32, #tpu.memory_space<vmem>>, vector<1x16xf32>,
      %parallel_loop3A_314 = vector.shape_cast %parallel_loop3A_313 : vector<1x16xf32> to vector<16xf32>
      %parallel_loop3A_315 = arith.constant 128 : i32
      %parallel_loop3A_316 = arith.addi %parallel_loop3A_315, %parallel_loop3A_278 : i32
      %parallel_loop3A_317 = arith.index_cast %parallel_loop3A_316 : i32 to index
      %parallel_loop3A_318 = arith.constant 32 : index
      %parallel_loop3A_319 = tpu.vector_load %arg5[%parallel_loop3A_317, %parallel_loop3A_318] {strides = array<i32>} : memref<256x128xf32, #tpu.memory_space<vmem>>, vector<1x16xf32>,
      %parallel_loop3A_320 = vector.shape_cast %parallel_loop3A_319 : vector<1x16xf32> to vector<16xf32>
      %parallel_loop3A_321 = arith.addf %parallel_loop3A_314, %parallel_loop3A_320 : vector<16xf32>
      %parallel_loop3A_322 = arith.index_cast %parallel_loop3A_278 : i32 to index
      %parallel_loop3A_323 = arith.constant 32 : index
      %parallel_loop3A_324 = tpu.vector_load %arg9[%parallel_loop3A_322, %parallel_loop3A_323] {strides = array<i32>} : memref<128x128xf32, #tpu.memory_space<vmem>>, vector<1x16xf32>,
      %parallel_loop3A_325 = vector.shape_cast %parallel_loop3A_324 : vector<1x16xf32> to vector<16xf32>
      %parallel_loop3A_326 = vector.shape_cast %parallel_loop3A_321 : vector<16xf32> to vector<1x16xf32>
      tpu.vector_store %arg9[%parallel_loop3A_322, %parallel_loop3A_323], %parallel_loop3A_326 {strides = array<i32>} : memref<128x128xf32, #tpu.memory_space<vmem>>, vector<1x16xf32>,
      %parallel_loop3A_327 = arith.index_cast %parallel_loop3A_278 : i32 to index
      %parallel_loop3A_328 = arith.constant 48 : index
      %parallel_loop3A_329 = tpu.vector_load %arg9[%parallel_loop3A_327, %parallel_loop3A_328] {strides = array<i32>} : memref<128x128xf32, #tpu.memory_space<vmem>>, vector<1x16xf32>,
      %parallel_loop3A_330 = vector.shape_cast %parallel_loop3A_329 : vector<1x16xf32> to vector<16xf32>
      %parallel_loop3A_331 = arith.constant 128 : i32
      %parallel_loop3A_332 = arith.addi %parallel_loop3A_331, %parallel_loop3A_278 : i32
      %parallel_loop3A_333 = arith.index_cast %parallel_loop3A_332 : i32 to index
      %parallel_loop3A_334 = arith.constant 48 : index
      %parallel_loop3A_335 = tpu.vector_load %arg5[%parallel_loop3A_333, %parallel_loop3A_334] {strides = array<i32>} : memref<256x128xf32, #tpu.memory_space<vmem>>, vector<1x16xf32>,
      %parallel_loop3A_336 = vector.shape_cast %parallel_loop3A_335 : vector<1x16xf32> to vector<16xf32>
      %parallel_loop3A_337 = arith.addf %parallel_loop3A_330, %parallel_loop3A_336 : vector<16xf32>
      %parallel_loop3A_338 = arith.index_cast %parallel_loop3A_278 : i32 to index
      %parallel_loop3A_339 = arith.constant 48 : index
      %parallel_loop3A_340 = tpu.vector_load %arg9[%parallel_loop3A_338, %parallel_loop3A_339] {strides = array<i32>} : memref<128x128xf32, #tpu.memory_space<vmem>>, vector<1x16xf32>,
      %parallel_loop3A_341 = vector.shape_cast %parallel_loop3A_340 : vector<1x16xf32> to vector<16xf32>
      %parallel_loop3A_342 = vector.shape_cast %parallel_loop3A_337 : vector<16xf32> to vector<1x16xf32>
      tpu.vector_store %arg9[%parallel_loop3A_338, %parallel_loop3A_339], %parallel_loop3A_342 {strides = array<i32>} : memref<128x128xf32, #tpu.memory_space<vmem>>, vector<1x16xf32>,
      %parallel_loop3A_343 = arith.index_cast %parallel_loop3A_278 : i32 to index
      %parallel_loop3A_344 = arith.constant 64 : index
      %parallel_loop3A_345 = tpu.vector_load %arg9[%parallel_loop3A_343, %parallel_loop3A_344] {strides = array<i32>} : memref<128x128xf32, #tpu.memory_space<vmem>>, vector<1x16xf32>,
      %parallel_loop3A_346 = vector.shape_cast %parallel_loop3A_345 : vector<1x16xf32> to vector<16xf32>
      %parallel_loop3A_347 = arith.constant 128 : i32
      %parallel_loop3A_348 = arith.addi %parallel_loop3A_347, %parallel_loop3A_278 : i32
      %parallel_loop3A_349 = arith.index_cast %parallel_loop3A_348 : i32 to index
      %parallel_loop3A_350 = arith.constant 64 : index
      %parallel_loop3A_351 = tpu.vector_load %arg5[%parallel_loop3A_349, %parallel_loop3A_350] {strides = array<i32>} : memref<256x128xf32, #tpu.memory_space<vmem>>, vector<1x16xf32>,
      %parallel_loop3A_352 = vector.shape_cast %parallel_loop3A_351 : vector<1x16xf32> to vector<16xf32>
      %parallel_loop3A_353 = arith.addf %parallel_loop3A_346, %parallel_loop3A_352 : vector<16xf32>
      %parallel_loop3A_354 = arith.index_cast %parallel_loop3A_278 : i32 to index
      %parallel_loop3A_355 = arith.constant 64 : index
      %parallel_loop3A_356 = tpu.vector_load %arg9[%parallel_loop3A_354, %parallel_loop3A_355] {strides = array<i32>} : memref<128x128xf32, #tpu.memory_space<vmem>>, vector<1x16xf32>,
      %parallel_loop3A_357 = vector.shape_cast %parallel_loop3A_356 : vector<1x16xf32> to vector<16xf32>
      %parallel_loop3A_358 = vector.shape_cast %parallel_loop3A_353 : vector<16xf32> to vector<1x16xf32>
      tpu.vector_store %arg9[%parallel_loop3A_354, %parallel_loop3A_355], %parallel_loop3A_358 {strides = array<i32>} : memref<128x128xf32, #tpu.memory_space<vmem>>, vector<1x16xf32>,
      %parallel_loop3A_359 = arith.index_cast %parallel_loop3A_278 : i32 to index
      %parallel_loop3A_360 = arith.constant 80 : index
      %parallel_loop3A_361 = tpu.vector_load %arg9[%parallel_loop3A_359, %parallel_loop3A_360] {strides = array<i32>} : memref<128x128xf32, #tpu.memory_space<vmem>>, vector<1x16xf32>,
      %parallel_loop3A_362 = vector.shape_cast %parallel_loop3A_361 : vector<1x16xf32> to vector<16xf32>
      %parallel_loop3A_363 = arith.constant 128 : i32
      %parallel_loop3A_364 = arith.addi %parallel_loop3A_363, %parallel_loop3A_278 : i32
      %parallel_loop3A_365 = arith.index_cast %parallel_loop3A_364 : i32 to index
      %parallel_loop3A_366 = arith.constant 80 : index
      %parallel_loop3A_367 = tpu.vector_load %arg5[%parallel_loop3A_365, %parallel_loop3A_366] {strides = array<i32>} : memref<256x128xf32, #tpu.memory_space<vmem>>, vector<1x16xf32>,
      %parallel_loop3A_368 = vector.shape_cast %parallel_loop3A_367 : vector<1x16xf32> to vector<16xf32>
      %parallel_loop3A_369 = arith.addf %parallel_loop3A_362, %parallel_loop3A_368 : vector<16xf32>
      %parallel_loop3A_370 = arith.index_cast %parallel_loop3A_278 : i32 to index
      %parallel_loop3A_371 = arith.constant 80 : index
      %parallel_loop3A_372 = tpu.vector_load %arg9[%parallel_loop3A_370, %parallel_loop3A_371] {strides = array<i32>} : memref<128x128xf32, #tpu.memory_space<vmem>>, vector<1x16xf32>,
      %parallel_loop3A_373 = vector.shape_cast %parallel_loop3A_372 : vector<1x16xf32> to vector<16xf32>
      %parallel_loop3A_374 = vector.shape_cast %parallel_loop3A_369 : vector<16xf32> to vector<1x16xf32>
      tpu.vector_store %arg9[%parallel_loop3A_370, %parallel_loop3A_371], %parallel_loop3A_374 {strides = array<i32>} : memref<128x128xf32, #tpu.memory_space<vmem>>, vector<1x16xf32>,
      %parallel_loop3A_375 = arith.index_cast %parallel_loop3A_278 : i32 to index
      %parallel_loop3A_376 = arith.constant 96 : index
      %parallel_loop3A_377 = tpu.vector_load %arg9[%parallel_loop3A_375, %parallel_loop3A_376] {strides = array<i32>} : memref<128x128xf32, #tpu.memory_space<vmem>>, vector<1x16xf32>,
      %parallel_loop3A_378 = vector.shape_cast %parallel_loop3A_377 : vector<1x16xf32> to vector<16xf32>
      %parallel_loop3A_379 = arith.constant 128 : i32
      %parallel_loop3A_380 = arith.addi %parallel_loop3A_379, %parallel_loop3A_278 : i32
      %parallel_loop3A_381 = arith.index_cast %parallel_loop3A_380 : i32 to index
      %parallel_loop3A_382 = arith.constant 96 : index
      %parallel_loop3A_383 = tpu.vector_load %arg5[%parallel_loop3A_381, %parallel_loop3A_382] {strides = array<i32>} : memref<256x128xf32, #tpu.memory_space<vmem>>, vector<1x16xf32>,
      %parallel_loop3A_384 = vector.shape_cast %parallel_loop3A_383 : vector<1x16xf32> to vector<16xf32>
      %parallel_loop3A_385 = arith.addf %parallel_loop3A_378, %parallel_loop3A_384 : vector<16xf32>
      %parallel_loop3A_386 = arith.index_cast %parallel_loop3A_278 : i32 to index
      %parallel_loop3A_387 = arith.constant 96 : index
      %parallel_loop3A_388 = tpu.vector_load %arg9[%parallel_loop3A_386, %parallel_loop3A_387] {strides = array<i32>} : memref<128x128xf32, #tpu.memory_space<vmem>>, vector<1x16xf32>,
      %parallel_loop3A_389 = vector.shape_cast %parallel_loop3A_388 : vector<1x16xf32> to vector<16xf32>
      %parallel_loop3A_390 = vector.shape_cast %parallel_loop3A_385 : vector<16xf32> to vector<1x16xf32>
      tpu.vector_store %arg9[%parallel_loop3A_386, %parallel_loop3A_387], %parallel_loop3A_390 {strides = array<i32>} : memref<128x128xf32, #tpu.memory_space<vmem>>, vector<1x16xf32>,
      %parallel_loop3A_391 = arith.index_cast %parallel_loop3A_278 : i32 to index
      %parallel_loop3A_392 = arith.constant 112 : index
      %parallel_loop3A_393 = tpu.vector_load %arg9[%parallel_loop3A_391, %parallel_loop3A_392] {strides = array<i32>} : memref<128x128xf32, #tpu.memory_space<vmem>>, vector<1x16xf32>,
      %parallel_loop3A_394 = vector.shape_cast %parallel_loop3A_393 : vector<1x16xf32> to vector<16xf32>
      %parallel_loop3A_395 = arith.constant 128 : i32
      %parallel_loop3A_396 = arith.addi %parallel_loop3A_395, %parallel_loop3A_278 : i32
      %parallel_loop3A_397 = arith.index_cast %parallel_loop3A_396 : i32 to index
      %parallel_loop3A_398 = arith.constant 112 : index
      %parallel_loop3A_399 = tpu.vector_load %arg5[%parallel_loop3A_397, %parallel_loop3A_398] {strides = array<i32>} : memref<256x128xf32, #tpu.memory_space<vmem>>, vector<1x16xf32>,
      %parallel_loop3A_400 = vector.shape_cast %parallel_loop3A_399 : vector<1x16xf32> to vector<16xf32>
      %parallel_loop3A_401 = arith.addf %parallel_loop3A_394, %parallel_loop3A_400 : vector<16xf32>
      %parallel_loop3A_402 = arith.index_cast %parallel_loop3A_278 : i32 to index
      %parallel_loop3A_403 = arith.constant 112 : index
      %parallel_loop3A_404 = tpu.vector_load %arg9[%parallel_loop3A_402, %parallel_loop3A_403] {strides = array<i32>} : memref<128x128xf32, #tpu.memory_space<vmem>>, vector<1x16xf32>,
      %parallel_loop3A_405 = vector.shape_cast %parallel_loop3A_404 : vector<1x16xf32> to vector<16xf32>
      %parallel_loop3A_406 = vector.shape_cast %parallel_loop3A_401 : vector<16xf32> to vector<1x16xf32>
      tpu.vector_store %arg9[%parallel_loop3A_402, %parallel_loop3A_403], %parallel_loop3A_406 {strides = array<i32>} : memref<128x128xf32, #tpu.memory_space<vmem>>, vector<1x16xf32>,
    } {sc.loop_unroll_factor = 4 : i64, sc.parallel_access}
    %add3A_241 = arith.constant 128 : i32
    %add3A_242 = arith.addi %mul3A_2, %add3A_241 : i32
    %dma_start3A_243 = arith.constant 3 : i32
    %dma_start3A_244 = arith.constant 0 : i32
    %dma_start3A_245 = tpu.memref_slice %arg4[%dma_start3A_243, %add3A_242, %dma_start3A_244] : memref<4x8192x128xf32, #tpu.memory_space<hbm>> -> memref<1x128x128xf32, #tpu.memory_space<hbm>>
    %dma_start3A_246 = tpu.memref_squeeze %dma_start3A_245 : memref<1x128x128xf32, #tpu.memory_space<hbm>> -> memref<128x128xf32, #tpu.memory_space<hbm>>
    %dma_start3A_247 = arith.constant 0 : i32
    %dma_start3A_248 = tpu.memref_slice %arg4[%dma_start3A_243, %add3A_242, %dma_start3A_247] : memref<4x8192x128xf32, #tpu.memory_space<hbm>> -> memref<1x128x128xf32, #tpu.memory_space<hbm>>
    %dma_start3A_249 = tpu.memref_squeeze %dma_start3A_248 : memref<1x128x128xf32, #tpu.memory_space<hbm>> -> memref<128x128xf32, #tpu.memory_space<hbm>>
    tpu.enqueue_dma source(%arg9 : memref<128x128xf32, #tpu.memory_space<vmem>>) target(%dma_start3A_249 : memref<128x128xf32, #tpu.memory_space<hbm>>) target_semaphore(%arg17 : memref<!tpu.dma_semaphore, #tpu.memory_space<semaphore_mem>>)
    %dma_wait3A_250 = arith.constant 2 : i32
    %dma_wait3A_251 = arith.constant 0 : i32
    %dma_wait3A_252 = tpu.memref_slice %arg4[%dma_wait3A_250, %add3A_153, %dma_wait3A_251] : memref<4x8192x128xf32, #tpu.memory_space<hbm>> -> memref<1x128x128xf32, #tpu.memory_space<hbm>>
    %dma_wait3A_253 = tpu.memref_squeeze %dma_wait3A_252 : memref<1x128x128xf32, #tpu.memory_space<hbm>> -> memref<128x128xf32, #tpu.memory_space<hbm>>
    %dma_wait3A_254 = arith.constant 0 : i32
    %dma_wait3A_255 = tpu.memref_slice %arg4[%dma_wait3A_250, %add3A_153, %dma_wait3A_254] : memref<4x8192x128xf32, #tpu.memory_space<hbm>> -> memref<1x128x128xf32, #tpu.memory_space<hbm>>
    %dma_wait3A_256 = tpu.memref_squeeze %dma_wait3A_255 : memref<1x128x128xf32, #tpu.memory_space<hbm>> -> memref<128x128xf32, #tpu.memory_space<hbm>>
    tpu.wait_dma2 semaphore(%arg14 : memref<!tpu.dma_semaphore, #tpu.memory_space<semaphore_mem>>) src(%arg6 : memref<128x128xf32, #tpu.memory_space<vmem>>) dst(%dma_wait3A_256 : memref<128x128xf32, #tpu.memory_space<hbm>>)
    %dma_wait3A_257 = arith.constant 2 : i32
    %dma_wait3A_258 = arith.constant 0 : i32
    %dma_wait3A_259 = tpu.memref_slice %arg4[%dma_wait3A_257, %add3A_188, %dma_wait3A_258] : memref<4x8192x128xf32, #tpu.memory_space<hbm>> -> memref<1x128x128xf32, #tpu.memory_space<hbm>>
    %dma_wait3A_260 = tpu.memref_squeeze %dma_wait3A_259 : memref<1x128x128xf32, #tpu.memory_space<hbm>> -> memref<128x128xf32, #tpu.memory_space<hbm>>
    %dma_wait3A_261 = arith.constant 0 : i32
    %dma_wait3A_262 = tpu.memref_slice %arg4[%dma_wait3A_257, %add3A_188, %dma_wait3A_261] : memref<4x8192x128xf32, #tpu.memory_space<hbm>> -> memref<1x128x128xf32, #tpu.memory_space<hbm>>
    %dma_wait3A_263 = tpu.memref_squeeze %dma_wait3A_262 : memref<1x128x128xf32, #tpu.memory_space<hbm>> -> memref<128x128xf32, #tpu.memory_space<hbm>>
    tpu.wait_dma2 semaphore(%arg15 : memref<!tpu.dma_semaphore, #tpu.memory_space<semaphore_mem>>) src(%arg7 : memref<128x128xf32, #tpu.memory_space<vmem>>) dst(%dma_wait3A_263 : memref<128x128xf32, #tpu.memory_space<hbm>>)
    %dma_wait3A_264 = arith.constant 3 : i32
    %dma_wait3A_265 = arith.constant 0 : i32
    %dma_wait3A_266 = tpu.memref_slice %arg4[%dma_wait3A_264, %add3A_223, %dma_wait3A_265] : memref<4x8192x128xf32, #tpu.memory_space<hbm>> -> memref<1x128x128xf32, #tpu.memory_space<hbm>>
    %dma_wait3A_267 = tpu.memref_squeeze %dma_wait3A_266 : memref<1x128x128xf32, #tpu.memory_space<hbm>> -> memref<128x128xf32, #tpu.memory_space<hbm>>
    %dma_wait3A_268 = arith.constant 0 : i32
    %dma_wait3A_269 = tpu.memref_slice %arg4[%dma_wait3A_264, %add3A_223, %dma_wait3A_268] : memref<4x8192x128xf32, #tpu.memory_space<hbm>> -> memref<1x128x128xf32, #tpu.memory_space<hbm>>
    %dma_wait3A_270 = tpu.memref_squeeze %dma_wait3A_269 : memref<1x128x128xf32, #tpu.memory_space<hbm>> -> memref<128x128xf32, #tpu.memory_space<hbm>>
    tpu.wait_dma2 semaphore(%arg16 : memref<!tpu.dma_semaphore, #tpu.memory_space<semaphore_mem>>) src(%arg8 : memref<128x128xf32, #tpu.memory_space<vmem>>) dst(%dma_wait3A_270 : memref<128x128xf32, #tpu.memory_space<hbm>>)
    %dma_wait3A_271 = arith.constant 3 : i32
    %dma_wait3A_272 = arith.constant 0 : i32
    %dma_wait3A_273 = tpu.memref_slice %arg4[%dma_wait3A_271, %add3A_242, %dma_wait3A_272] : memref<4x8192x128xf32, #tpu.memory_space<hbm>> -> memref<1x128x128xf32, #tpu.memory_space<hbm>>
    %dma_wait3A_274 = tpu.memref_squeeze %dma_wait3A_273 : memref<1x128x128xf32, #tpu.memory_space<hbm>> -> memref<128x128xf32, #tpu.memory_space<hbm>>
    %dma_wait3A_275 = arith.constant 0 : i32
    %dma_wait3A_276 = tpu.memref_slice %arg4[%dma_wait3A_271, %add3A_242, %dma_wait3A_275] : memref<4x8192x128xf32, #tpu.memory_space<hbm>> -> memref<1x128x128xf32, #tpu.memory_space<hbm>>
    %dma_wait3A_277 = tpu.memref_squeeze %dma_wait3A_276 : memref<1x128x128xf32, #tpu.memory_space<hbm>> -> memref<128x128xf32, #tpu.memory_space<hbm>>
    tpu.wait_dma2 semaphore(%arg17 : memref<!tpu.dma_semaphore, #tpu.memory_space<semaphore_mem>>) src(%arg9 : memref<128x128xf32, #tpu.memory_space<vmem>>) dst(%dma_wait3A_277 : memref<128x128xf32, #tpu.memory_space<hbm>>)
    return
  }
}

</mosaic_0001>

<sc_bundles>
// kernel: kernel.3.cloned.1.call-start
scs
__scs_entry_jumppad:
0x0: {  	(pc) =	sbr.rel $0x88, $3  }
0x1: {  	(tag) =	ssettag $0x0;
	lr =	simm.s32 $0x1  }
0x2: {  	[smem:$0x3F9F] =	sst lr;
	_ =	strace $0xD0000000  }
0x3: {  	_ = 	snop  }
0x4: {  	_ = 	snop  }
0x5: {  	_ = 	snop  }
0x6: {  	_ = 	snop  }
0x7: {  	_ = 	snop  }
__scs_overlays_trampoline_lowered:
0x8: {  	[smem:$0x3FAE] =	sst s0  }
0x9: {  	[smem:$0x3FAF] =	sst s1  }
0xa: {  	[smem:$0x3FB0] =	sst s2  }
0xb: {  	[smem:$0x3FB1] =	sst s3  }
0xc: {  	[smem:$0x3FB2] =	sst s4  }
0xd: {  	[smem:$0x3FB3] =	sst s5  }
0xe: {  	[smem:$0x3FB4] =	sst s6  }
0xf: {  	[smem:$0x3FB5] =	sst s7  }
0x10: {  	[smem:$0x3FB6] =	sst s8  }
0x11: {  	[smem:$0x3FB7] =	sst s9;
	s0 =	simm.s32 @!p0 $0x0  }
0x12: {  	s1 =	sld [smem:$0x3F9D];
	s0 =	simm.s32 @p0 $0x1  }
0x13: {  	[smem:$0x3FB8] =	sst s0;
	s0 =	simm.s32 @!p1 $0x0  }
0x14: {  	s2 =	sld [smem:$0x3F9C];
	s0 =	simm.s32 @p1 $0x1  }
0x15: {  	[smem:$0x3FB9] =	sst s0;
	s0 =	simm.s32 @!p2 $0x0  }
0x16: {  	s3 =	sld [smem:$0x3FDB];
	s0 =	simm.s32 @p2 $0x1  }
0x17: {  	s4 =	simm.s32 $0x1BF5;
	[smem:$0x3FBB] =	sst s0  }
0x18: {  	s0 =	sld [smem:$0x3F9E];
	_ =	swait.ge [sflag:s4], $0x0  }
0x19: {  	s7 =	sld [smem:$0x3F9F]  }
0x1a: {  	s8 =	sadd.s32 $0xFFFFE003, lr  }
0x1b: {  	s9 =	sadd.s32 $0xFFFFFEF7, lr;
	s5 =	simm.s32 $0xFFFFFFFF;
	p2 =	slt.u32 s8, $0xFFFFF086  }
0x1c: {  	p1 =	slt.u32 s9, $0xF7A;
	s5 =	simm.s32 @!p2 $0x0  }
0x1d: {  	s5 =	simm.s32 @p1 $0x1;
	p0 =	seq.s32 s7, s2  }
0x1e: {  	s7 =	smul.u32 @!p0 $0xF7A, s2;
	p2 =	seq.s32 @!p0 s5, $0x0  }
0x1f: {  	s9 =	smul.u32 $0xF7A, s1;
	s8 =	simm.s32 @!p0 $0x1BF5;
	p2 =	por !p2, p0  }
0x20: {  	[sflag:s8] =	ssyncset.s32 @!p0 $0xFFFFF086;
	s6 =	sadd.s32 @!p0 s3, s7;
	s7 =	simm.s32 @!p0 $0x108  }
0x21: {  	s3 =	sadd.s32 s3, s9;
	s6 =	sadd.s32 @!p0 $0x88, s6;
	s7 =	simm.s32 @p2 $0x1082  }
0x22: {  	[simem:s7], [sflag:s8] =	dma.local @!p0 [hbm:s6], $0xF7A  }
0x23: {  	s9 =	sor.u32 $0xD0000000, s2;
	s6 =	simm.s32 $0x108;
	_ =	swait.ge @!p0 [sflag:s8], $0x0  }
0x24: {  	s3 =	sadd.s32 $0x88, s3;
	s6 =	simm.s32 @!p1 $0x1082;
	[sflag:s4] =	ssyncset.s32 $0xFFFFF086  }
0x25: {  	[simem:s6], [sflag:s4] =	dma.local [hbm:s3], $0xF7A  }
0x26: {  	[smem:$0x3F9F] =	sst s1;
	(tag) =	ssettag s2;
	_ =	strace s9  }
0x27: {  	s1 =	sld [smem:$0x3FAF]  }
0x28: {  	s2 =	sld [smem:$0x3FB0]  }
0x29: {  	s4 =	sld [smem:$0x3FB2]  }
0x2a: {  	p0 =	seq.s32 s5, $0x0;
	s5 =	sld [smem:$0x3FB3]  }
0x2b: {  	s6 =	sld [smem:$0x3FB4]  }
0x2c: {  	s7 =	sld [smem:$0x3FB5]  }
0x2d: {  	s3 =	simm.s32 $0x108;
	s8 =	sld [smem:$0x3FB6]  }
0x2e: {  	s3 =	simm.s32 @!p0 $0x1082;
	s9 =	sld [smem:$0x3FB7]  }
0x2f: {  	lr =	sadd.s32 s0, s3;
	s0 =	sld [smem:$0x3FAE]  }
0x30: {  	s3 =	sld [smem:$0x3FB1]  }
0x31: {  	[smem:$0x3FBA] =	sst s10  }
0x32: {  	s10 =	sld [smem:$0x3FB8];
	_ =	sdelay $0x3  }
0x33: {  	p0 =	seq.s32 s10, $0x1;
	s10 =	sld [smem:$0x3FBA];
	_ =	sdelay $0x3  }
0x34: {  	[smem:$0x3FBA] =	sst s10  }
0x35: {  	s10 =	sld [smem:$0x3FB9];
	_ =	sdelay $0x3  }
0x36: {  	p1 =	seq.s32 s10, $0x1;
	s10 =	sld [smem:$0x3FBA];
	_ =	sdelay $0x3  }
0x37: {  	[smem:$0x3FBA] =	sst s10  }
0x38: {  	s10 =	sld [smem:$0x3FBB]  }
0x39: {  	_ = 	snop;
	(pc) =	sbr.ind lr, $3  }
0x3a: {  	_ = 	snop  }
0x3b: {  	_ = 	snop  }
0x3c: {  	p2 =	seq.s32 s10, $0x1;
	s10 =	sld [smem:$0x3FBA]  }
0x3d: {  	_ =	shalt  }
0x3e: {  	_ =	shalt  }
0x3f: {  	_ =	shalt  }
0x40: {  	_ =	shalt  }
0x41: {  	_ =	shalt  }
0x42: {  	_ =	shalt  }
0x43: {  	_ =	shalt  }
0x44: {  	_ =	shalt  }
0x45: {  	_ =	shalt  }
0x46: {  	_ =	shalt  }
0x47: {  	_ =	shalt  }
0x48: {  	_ =	shalt  }
0x49: {  	_ =	shalt  }
0x4a: {  	_ =	shalt  }
0x4b: {  	_ =	shalt  }
0x4c: {  	_ =	shalt  }
0x4d: {  	_ =	shalt  }
0x4e: {  	_ =	shalt  }
0x4f: {  	_ =	shalt  }
0x50: {  	_ =	shalt  }
0x51: {  	_ =	shalt  }
0x52: {  	_ =	shalt  }
0x53: {  	_ =	shalt  }
0x54: {  	_ =	shalt  }
0x55: {  	_ =	shalt  }
0x56: {  	_ =	shalt  }
0x57: {  	_ =	shalt  }
0x58: {  	_ =	shalt  }
0x59: {  	_ =	shalt  }
0x5a: {  	_ =	shalt  }
0x5b: {  	_ =	shalt  }
0x5c: {  	_ =	shalt  }
0x5d: {  	_ =	shalt  }
0x5e: {  	_ =	shalt  }
0x5f: {  	_ =	shalt  }
0x60: {  	_ =	shalt  }
0x61: {  	_ =	shalt  }
0x62: {  	_ =	shalt  }
0x63: {  	_ =	shalt  }
0x64: {  	_ =	shalt  }
0x65: {  	_ =	shalt  }
0x66: {  	_ =	shalt  }
0x67: {  	_ =	shalt  }
0x68: {  	_ =	shalt  }
0x69: {  	_ =	shalt  }
0x6a: {  	_ =	shalt  }
0x6b: {  	_ =	shalt  }
0x6c: {  	_ =	shalt  }
0x6d: {  	_ =	shalt  }
0x6e: {  	_ =	shalt  }
0x6f: {  	_ =	shalt  }
0x70: {  	_ =	shalt  }
0x71: {  	_ =	shalt  }
0x72: {  	_ =	shalt  }
0x73: {  	_ =	shalt  }
0x74: {  	_ =	shalt  }
0x75: {  	_ =	shalt  }
0x76: {  	_ =	shalt  }
0x77: {  	_ =	shalt  }
0x78: {  	_ =	shalt  }
0x79: {  	_ =	shalt  }
0x7a: {  	_ =	shalt  }
0x7b: {  	_ =	shalt  }
0x7c: {  	_ =	shalt  }
0x7d: {  	_ =	shalt  }
0x7e: {  	_ =	shalt  }
0x7f: {  	_ =	shalt  }
0x80: {  	_ =	shalt  }
0x81: {  	_ =	shalt  }
0x82: {  	_ =	shalt  }
0x83: {  	_ =	shalt  }
0x84: {  	_ =	shalt  }
0x85: {  	_ =	shalt  }
0x86: {  	_ =	shalt  }
0x87: {  	_ =	shalt  }
.Lfunc_end0:
.L_simem_size_0:
called_computation_lowered:
.L_overlay_start_0:
0x88: {  	s2 =	sld [smem:$0x3FD9]  }
0x89: {  	s3 =	sld [smem:$0x3FFE];
	_ =	sdelay $0x1  }
0x8a: {  	s1 =	srdreg.scid  }
0x8b: {  	s0 =	sand.u32 $0x1, s1  }
0x8c: {  	s18 =	sshll.u32 s0, $0xA;
	s2 =	sadd.s32 s3, s2  }
0x8d: {  	s2 =	sadd.s32 s2, s18  }
0x8e: {  	[smem:$0x3FC6] =	sst s2  }
0x8f: {  	_ = 	snop  }
0x90: {  	s2 =	sld [smem:$0x3FC9]  }
0x91: {  	s19 =	sld [smem:$0x3FC8]  }
0x92: {  	s4 =	sld [smem:$0x3FD0];
	(tm) =	ssettm $0x1  }
0x93: {  	s5 =	sld [smem:$0x3FFB];
	_ =	sdelay $0x3  }
0x94: {  	_ =	strace s5  }
0x95: {  	s5 =	sld [smem:$0x3FFC];
	_ =	sdelay $0x3  }
0x96: {  	_ =	strace s5  }
0x97: {  	s5 =	sld [smem:$0x3FFD];
	_ =	sdelay $0x3  }
0x98: {  	_ =	strace s5  }
0x99: {  	_ =	strace $0x8FFFFFFF  }
0x9a: {  	s20 =	sld [smem:$0x3FDB];
	_ =	sdelay $0x1  }
0x9b: {  	s6 =	simm.s32 $_scs_section_size  }
0x9c: {  	s7 =	simm.s32 $_size__tile_overlayer_lowered;
	s8 =	simm.s32 $_tile_overlayer_lowered  }
0x9d: {  	s23 =	simm.s32 $0x1BFF;
	s22 =	sshll.u32 s8, $0x1;
	s5 =	sadd.s32 s6, s20  }
0x9e: {  	s9 =	simm.s32 $0x0;
	s21 =	sshll.u32 s7, $0x1;
	s7 =	sadd.s32 s22, s5  }
0x9f: {  	[timem:s9], [sflag:s23] =	dma.local [hbm:s7], s21  }
0xa0: {  	_ =	swait.ge [sflag:s23], s21  }
0xa1: {  	s6 =	ssub.s32 $0x0, s21;
	[sflag:s23] =	ssyncset.done $0x0  }
0xa2: {  	[sflag:s23] =	ssyncadd.s32 s6;
	_ =	sdelay $0x1  }
0xa3: {  	s24 =	simm.s32 $0x1B8B  }
0xa4: {  	_ =	swait.ge [sflag:s24], $0x1  }
0xa5: {  	[sflag:s24] =	ssyncset.done $0x0  }
0xa6: {  	s25 =	simm.s32 $0x1B8E;
	[sflag:s24] =	ssyncadd.s32 $0xFFFFFFFF  }
0xa7: {  	s26 =	simm.s32 $execute0_lowered;
	[smem:$0x3FD2] =	sst s25  }
0xa8: {  	s6 =	sshll.u32 s26, $0x1;
	_ =	strace $0x80000046;
	[dreg:$0x1] =	wrdreg $0xFFFFFFFF  }
0xa9: {  	s28 =	simm.s32 $_size_execute0_lowered;
	s5 =	sadd.s32 s5, s6;
	[dreg:$0x0] =	wrdreg $0x0  }
0xaa: {  	s6 =	sshll.u32 s28, $0x1;
	[dreg:$0x2] =	wrdreg s5  }
0xab: {  	[dreg:$0x3] =	wrdreg s6  }
0xac: {  	[dreg:$0x4] =	wrdreg $0xC0  }
0xad: {  	_ =	task [dreg:s9], $0x5FFFF  }
0xae: {  	[dreg:$0x1] =	wrdreg $0xFFFFFFFF  }
0xaf: {  	[dreg:$0x0] =	wrdreg $0x60  }
0xb0: {  	[dreg:$0x2] =	wrdreg s2  }
0xb1: {  	[dreg:$0x3] =	wrdreg s19  }
0xb2: {  	[dreg:$0x4] =	wrdreg s4  }
0xb3: {  	[dreg:$0x5] =	wrdreg $0x9  }
0xb4: {  	_ =	task.clear_ibuf [dreg:s9], $0x6FFFF;
	_ =	strace $0x90000046  }
0xb5: {  	s29 =	simm.s32 $0x9;
	_ =	strace $0x80000048  }
0xb6: {  	_ =	swait.ge [sflag:s29], $0x1  }
0xb7: {  	[sflag:s29] =	ssyncadd.s32 $0xFFFFFFFF  }
0xb8: {  	_ =	strace $0x90000048  }
0xb9: {  	_ =	sfence  }
0xba: {  	s30 =	sld [smem:$0x0];
	_ =	sdelay $0x2  }
0xbb: {  	s31 =	sshll.u32 s1, $0xD;
	s1 =	sshrl.u32 s1, $0x2  }
0xbc: {  	s3 =	sand.u32 $0x4000, s31;
	s1 =	sadd.s32 s1, s30  }
0xbd: {  	s0 =	sor.u32 s3, s0;
	s1 =	sshll.u32 s1, $0x11  }
0xbe: {  	s0 =	sor.u32 s1, s0  }
0xbf: {  	s0 =	sadd.s32 $0x8F2B, s0  }
0xc0: {  	[sflag:s0] =	ssyncadd.remote.s32 $0x1  }
0xc1: {  	_ =	sfence.sel $0xFFFF  }
0xc2: {  	[dreg:$0x0] =	wrdreg $0xFFFFFFFF;
	(pc) =	sbr.abs _section_cstart, $3  }
0xc3: {  	[dreg:$0x1] =	wrdreg $0xFFFFFFFF  }
0xc4: {  	_ =	task.clear_ibuf [dreg:s9], $0x2FFFF;
	_ =	strace $0x9FFFFFFF  }
0xc5: {  	(tm) =	ssettm $0x7FFFFFFF  }
tec
execute0_lowered:
.L_overlay_start_1:
0x0: {  	(tag) =	ssettag $0x1  }
0x1: {  	s0 =	rddreg [dreg:$0x0]  }
0x2: {  	s1 =	rddreg [dreg:$0x1]  }
0x3: {  	s3 =	rddreg [dreg:$0x2]  }
0x4: {  	s4 =	srdreg.scid;
	s2 =	simm.s32 $0x0;
	s7 =	stileid.u32  }
0x5: {  	s28 =	simm.s32 $0x14000;
	s29 =	simm.s32 $0x3;
	s30 =	simm.s32 $0x5  }
0x6: {  	s31 =	simm.s32 $0x4;
	s4 =	sand.u32 $0x1, s4;
	[smem:$0x7FF] =	sst s2  }
0x7: {  	s7 =	sshll.u32 s7, $0xD;
	s5 =	ssub.s32 $0x2, s4;
	s4 =	sshll.u32 s4, $0xC  }
0x8: {  	_ =	strace $0x80000047;
	s6 =	sshrl.u32 s5, $0x1;
	s4 =	sor.u32 s4, s7  }
0x9: {  	s5 =	ssub.s32 s5, s6;
	s16 =	sadd.s32 s0, s4;
	s1 =	sadd.s32 s1, s4  }
0xa: {  	s17 =	sor.u32 $0x800, s4;
	s19 =	sadd.s32 s3, s4;
	s20 =	sor.u32 $0x20000, s4  }
0xb: {  	s22 =	sor.u32 $0x20800, s4;
	s23 =	sor.u32 $0x40000, s4;
	s24 =	sor.u32 $0x40800, s4  }
0xc: {  	s25 =	sor.u32 $0x60000, s4;
	s26 =	sor.u32 $0x60800, s4;
	[dreg:$0x4] =	wrdreg s16  }
0xd: {  	s4 =	simm.s32 $0x0;
	[dreg:$0x5] =	wrdreg s1;
	s18 =	sadd.s32 s0, s17  }
0xe: {  	[dreg:$0x7] =	wrdreg s19;
	s21 =	sadd.s32 s0, s20;
	s1 =	sadd.s32 s3, s17  }
0xf: {  	s9 =	sadd.s32 s0, s22;
	s10 =	sadd.s32 s3, s20;
	s11 =	sadd.s32 s0, s23  }
0x10: {  	s12 =	sadd.s32 s3, s22;
	s13 =	sadd.s32 s0, s24;
	s14 =	sadd.s32 s3, s23  }
0x11: {  	s15 =	sadd.s32 s0, s25;
	s16 =	sadd.s32 s3, s24;
	s17 =	sadd.s32 s0, s26  }
0x12: {  	s19 =	sadd.s32 s3, s26;
	s20 =	smax.u32 s5, $0x1;
	s22 =	simm.s32 $0x9  }
0x13: {  	s23 =	simm.s32 $0xC000;
	s24 =	simm.s32 $0x1;
	[dreg:$0x6] =	wrdreg s18  }
0x14: {  	s26 =	simm.s32 $0x2;
	s0 =	simm.s32 $0x6;
	[dreg:$0x8] =	wrdreg s21  }
0x15: {  	[dreg:$0x9] =	wrdreg s1;
	s18 =	sadd.s32 s3, s25;
	s21 =	simm.s32 $0x8000  }
0x16: {  	s25 =	simm.s32 $0x10000;
	s1 =	simm.s32 $0x7;
	s3 =	simm.s32 $0x8  }
.LBB2_1:
0x17: {  	s5 =	rddreg [dreg:$0x4]  }
0x18: {  	[tilespmem:s21], [sflag:$0x1] =	stream.linear.gather [hbm4b:s5+s2], $0x4000, $0x38;
	[tilespmem:$0x18000] =	vst v63  }
0x19: {  	s7 =	rddreg [dreg:$0x5]  }
0x1a: {  	[tilespmem:s2], [sflag:$0x9] =	stream.linear.gather [hbm4b:s7+s2], $0x8000, $0x38;
	[tilespmem:$0x18000] =	vst v63  }
0x1b: {  	_ =	swait.ge [sflag:s22], $0x8000  }
0x1c: {  	[sflag:s22] =	ssyncset.done $0x0  }
0x1d: {  	s8 =	rddreg [dreg:$0x6];
	[sflag:s22] =	ssyncadd.s32 $0xFFFF8000  }
0x1e: {  	[tilespmem:s23], [sflag:$0x2] =	stream.linear.gather [hbm4b:s8+s2], $0x4000, $0x38;
	[tilespmem:$0x18000] =	vst v63  }
0x1f: {  	_ =	swait.ge [sflag:s24], $0x4000  }
0x20: {  	[sflag:s24] =	ssyncset.done $0x0  }
0x21: {  	s5 =	simm.s32 $0x8100;
	[sflag:s24] =	ssyncadd.s32 $0xFFFFC000  }
0x22: {  	s6 =	simm.s32 $0x100;
	v0 =	vld [tilespmem:s5+$0x80]  }
0x23: {  	v1 =	vld [tilespmem:s6+$0x80]  }
0x24: {  	v2 =	vld [tilespmem:s5+$0xFFFFFF80]  }
0x25: {  	v3 =	vld [tilespmem:s6+$0xFFFFFF80]  }
0x26: {  	v4 =	vld [tilespmem:s5+$0x0]  }
0x27: {  	v5 =	vld [tilespmem:s6+$0x0]  }
0x28: {  	v6 =	vld [tilespmem:s5+$0xFFFFFF00];
	v0 =	vadd.f32 v1, v0  }
0x29: {  	v1 =	vld [tilespmem:s6+$0xFFFFFF00]  }
0x2a: {  	[tilespmem:s5+$0x80] =	vst v0;
	v0 =	vld [tilespmem:s5+$0x90]  }
0x2b: {  	v2 =	vadd.f32 v3, v2;
	v3 =	vld [tilespmem:s6+$0x90]  }
0x2c: {  	v7 =	vld [tilespmem:s5+$0xFFFFFF10]  }
0x2d: {  	[tilespmem:s5+$0xFFFFFF80] =	vst v2;
	v2 =	vadd.f32 v5, v4;
	v4 =	vld [tilespmem:s5+$0xFFFFFF90]  }
0x2e: {  	v5 =	vld [tilespmem:s6+$0xFFFFFF90];
	v1 =	vadd.f32 v1, v6  }
0x2f: {  	[tilespmem:s5+$0x0] =	vst v2;
	v2 =	vld [tilespmem:s5+$0x10]  }
0x30: {  	v6 =	vld [tilespmem:s6+$0x10];
	[tilespmem:s5+$0xFFFFFF00] =	vst v1;
	v0 =	vadd.f32 v3, v0  }
0x31: {  	v1 =	vld [tilespmem:s6+$0xFFFFFF10]  }
0x32: {  	[tilespmem:s5+$0x90] =	vst v0;
	v0 =	vld [tilespmem:s5+$0xA0]  }
0x33: {  	v3 =	vadd.f32 v5, v4;
	v4 =	vld [tilespmem:s6+$0xA0]  }
0x34: {  	v5 =	vld [tilespmem:s5+$0xFFFFFF20]  }
0x35: {  	[tilespmem:s5+$0xFFFFFF90] =	vst v3;
	v2 =	vadd.f32 v6, v2;
	v3 =	vld [tilespmem:s5+$0xFFFFFFA0]  }
0x36: {  	v6 =	vld [tilespmem:s6+$0xFFFFFFA0];
	v1 =	vadd.f32 v1, v7  }
0x37: {  	[tilespmem:s5+$0x10] =	vst v2;
	v2 =	vld [tilespmem:s5+$0x20]  }
0x38: {  	v7 =	vld [tilespmem:s6+$0x20];
	[tilespmem:s5+$0xFFFFFF10] =	vst v1;
	v0 =	vadd.f32 v4, v0  }
0x39: {  	v1 =	vld [tilespmem:s6+$0xFFFFFF20]  }
0x3a: {  	[tilespmem:s5+$0xA0] =	vst v0;
	v0 =	vld [tilespmem:s5+$0xB0]  }
0x3b: {  	v3 =	vadd.f32 v6, v3;
	v4 =	vld [tilespmem:s6+$0xB0]  }
0x3c: {  	v6 =	vld [tilespmem:s5+$0xFFFFFF30]  }
0x3d: {  	[tilespmem:s5+$0xFFFFFFA0] =	vst v3;
	v2 =	vadd.f32 v7, v2;
	v3 =	vld [tilespmem:s5+$0xFFFFFFB0]  }
0x3e: {  	v7 =	vld [tilespmem:s6+$0xFFFFFFB0];
	v1 =	vadd.f32 v1, v5  }
0x3f: {  	[tilespmem:s5+$0x20] =	vst v2;
	v2 =	vld [tilespmem:s5+$0x30]  }
0x40: {  	v5 =	vld [tilespmem:s6+$0x30];
	[tilespmem:s5+$0xFFFFFF20] =	vst v1;
	v0 =	vadd.f32 v4, v0  }
0x41: {  	v1 =	vld [tilespmem:s6+$0xFFFFFF30]  }
0x42: {  	[tilespmem:s5+$0xB0] =	vst v0;
	v0 =	vld [tilespmem:s5+$0xC0]  }
0x43: {  	v3 =	vadd.f32 v7, v3;
	v4 =	vld [tilespmem:s6+$0xC0]  }
0x44: {  	v7 =	vld [tilespmem:s5+$0xFFFFFF40]  }
0x45: {  	[tilespmem:s5+$0xFFFFFFB0] =	vst v3;
	v2 =	vadd.f32 v5, v2;
	v3 =	vld [tilespmem:s5+$0xFFFFFFC0]  }
0x46: {  	v5 =	vld [tilespmem:s6+$0xFFFFFFC0];
	v1 =	vadd.f32 v1, v6  }
0x47: {  	[tilespmem:s5+$0x30] =	vst v2;
	v2 =	vld [tilespmem:s5+$0x40]  }
0x48: {  	v6 =	vld [tilespmem:s6+$0x40];
	[tilespmem:s5+$0xFFFFFF30] =	vst v1;
	v0 =	vadd.f32 v4, v0  }
0x49: {  	v1 =	vld [tilespmem:s6+$0xFFFFFF40]  }
0x4a: {  	[tilespmem:s5+$0xC0] =	vst v0;
	v0 =	vld [tilespmem:s5+$0xD0]  }
0x4b: {  	v3 =	vadd.f32 v5, v3;
	v4 =	vld [tilespmem:s6+$0xD0]  }
0x4c: {  	v5 =	vld [tilespmem:s5+$0xFFFFFF50]  }
0x4d: {  	[tilespmem:s5+$0xFFFFFFC0] =	vst v3;
	v2 =	vadd.f32 v6, v2;
	v3 =	vld [tilespmem:s5+$0xFFFFFFD0]  }
0x4e: {  	v6 =	vld [tilespmem:s6+$0xFFFFFFD0];
	v1 =	vadd.f32 v1, v7  }
0x4f: {  	[tilespmem:s5+$0x40] =	vst v2;
	v2 =	vld [tilespmem:s5+$0x50]  }
0x50: {  	v7 =	vld [tilespmem:s6+$0x50];
	[tilespmem:s5+$0xFFFFFF40] =	vst v1;
	v0 =	vadd.f32 v4, v0  }
0x51: {  	v1 =	vld [tilespmem:s6+$0xFFFFFF50]  }
0x52: {  	[tilespmem:s5+$0xD0] =	vst v0;
	v0 =	vld [tilespmem:s5+$0xE0]  }
0x53: {  	v3 =	vadd.f32 v6, v3;
	v4 =	vld [tilespmem:s6+$0xE0]  }
0x54: {  	v6 =	vld [tilespmem:s5+$0xFFFFFF60]  }
0x55: {  	[tilespmem:s5+$0xFFFFFFD0] =	vst v3;
	v2 =	vadd.f32 v7, v2;
	v3 =	vld [tilespmem:s5+$0xFFFFFFE0]  }
0x56: {  	v7 =	vld [tilespmem:s6+$0xFFFFFFE0];
	v1 =	vadd.f32 v1, v5  }
0x57: {  	[tilespmem:s5+$0x50] =	vst v2;
	v2 =	vld [tilespmem:s5+$0x60]  }
0x58: {  	v5 =	vld [tilespmem:s6+$0x60];
	[tilespmem:s5+$0xFFFFFF50] =	vst v1;
	v0 =	vadd.f32 v4, v0  }
0x59: {  	v4 =	vld [tilespmem:s6+$0xFFFFFF60]  }
0x5a: {  	v8 =	vld [tilespmem:s5+$0xF0];
	[tilespmem:s5+$0xE0] =	vst v0  }
0x5b: {  	v1 =	vadd.f32 v7, v3;
	v7 =	vld [tilespmem:s6+$0xF0]  }
0x5c: {  	v0 =	vld [tilespmem:s5+$0xFFFFFF70]  }
0x5d: {  	[tilespmem:s5+$0xFFFFFFE0] =	vst v1;
	v2 =	vadd.f32 v5, v2;
	v1 =	vld [tilespmem:s5+$0xFFFFFFF0]  }
0x5e: {  	v3 =	vld [tilespmem:s6+$0xFFFFFFF0];
	v4 =	vadd.f32 v4, v6  }
0x5f: {  	[tilespmem:s5+$0x60] =	vst v2;
	v2 =	vld [tilespmem:s5+$0x70]  }
0x60: {  	[tilespmem:s5+$0xFFFFFF60] =	vst v4;
	v4 =	vld [tilespmem:s6+$0x70];
	v6 =	vadd.f32 v7, v8  }
0x61: {  	s7 =	simm.s32 $0x0;
	s8 =	simm.s32 $0x8300;
	v5 =	vld [tilespmem:s6+$0xFFFFFF70]  }
.LBB2_2:
0x62: {  	v7 =	vld [tilespmem:s8+$0x80];
	[tilespmem:s5+$0xF0] =	vst v6;
	s6 =	sadd.s32 $0x200, s6  }
0x63: {  	s7 =	sadd.s32 $0x4, s7;
	v6 =	vld [tilespmem:s6+$0x80];
	v1 =	vadd.f32 v3, v1  }
0x64: {  	p0 =	slt.u32 s7, $0x7C;
	v3 =	vld [tilespmem:s6+$0xFFFFFF00]  }
0x65: {  	v8 =	vld [tilespmem:s8+$0xFFFFFF80];
	[tilespmem:s5+$0xFFFFFFF0] =	vst v1;
	v1 =	vadd.f32 v4, v2  }
0x66: {  	v2 =	vld [tilespmem:s6+$0xFFFFFF80];
	v0 =	vadd.f32 v5, v0  }
0x67: {  	v4 =	vld [tilespmem:s8+$0x0];
	[tilespmem:s5+$0x70] =	vst v1  }
0x68: {  	v1 =	vld [tilespmem:s6+$0x0];
	v5 =	vadd.f32 v6, v7;
	[tilespmem:s5+$0xFFFFFF70] =	vst v0;
	s5 =	smov.u32 s8  }
0x69: {  	v0 =	vld [tilespmem:s8+$0xFFFFFF00]  }
0x6a: {  	[tilespmem:s8+$0x80] =	vst v5;
	v5 =	vld [tilespmem:s8+$0x90]  }
0x6b: {  	v2 =	vadd.f32 v2, v8;
	v6 =	vld [tilespmem:s6+$0x90]  }
0x6c: {  	v7 =	vld [tilespmem:s8+$0xFFFFFF10]  }
0x6d: {  	[tilespmem:s8+$0xFFFFFF80] =	vst v2;
	v2 =	vld [tilespmem:s8+$0xFFFFFF90];
	v1 =	vadd.f32 v1, v4  }
0x6e: {  	v0 =	vadd.f32 v3, v0;
	v3 =	vld [tilespmem:s6+$0xFFFFFF90]  }
0x6f: {  	[tilespmem:s8+$0x0] =	vst v1;
	v1 =	vld [tilespmem:s8+$0x10]  }
0x70: {  	[tilespmem:s8+$0xFFFFFF00] =	vst v0;
	v0 =	vld [tilespmem:s6+$0x10];
	v4 =	vadd.f32 v6, v5  }
0x71: {  	v5 =	vld [tilespmem:s6+$0xFFFFFF10]  }
0x72: {  	[tilespmem:s8+$0x90] =	vst v4;
	v4 =	vld [tilespmem:s8+$0xA0]  }
0x73: {  	v2 =	vadd.f32 v3, v2;
	v3 =	vld [tilespmem:s6+$0xA0]  }
0x74: {  	v6 =	vld [tilespmem:s8+$0xFFFFFF20]  }
0x75: {  	[tilespmem:s8+$0xFFFFFF90] =	vst v2;
	v2 =	vld [tilespmem:s8+$0xFFFFFFA0];
	v0 =	vadd.f32 v0, v1  }
0x76: {  	v1 =	vadd.f32 v5, v7;
	v5 =	vld [tilespmem:s6+$0xFFFFFFA0]  }
0x77: {  	[tilespmem:s8+$0x10] =	vst v0;
	v0 =	vld [tilespmem:s8+$0x20]  }
0x78: {  	[tilespmem:s8+$0xFFFFFF10] =	vst v1;
	v1 =	vld [tilespmem:s6+$0x20];
	v3 =	vadd.f32 v3, v4  }
0x79: {  	v4 =	vld [tilespmem:s6+$0xFFFFFF20]  }
0x7a: {  	[tilespmem:s8+$0xA0] =	vst v3;
	v3 =	vld [tilespmem:s8+$0xB0]  }
0x7b: {  	v2 =	vadd.f32 v5, v2;
	v5 =	vld [tilespmem:s6+$0xB0]  }
0x7c: {  	v7 =	vld [tilespmem:s8+$0xFFFFFF30]  }
0x7d: {  	[tilespmem:s8+$0xFFFFFFA0] =	vst v2;
	v2 =	vld [tilespmem:s8+$0xFFFFFFB0];
	v0 =	vadd.f32 v1, v0  }
0x7e: {  	v1 =	vadd.f32 v4, v6;
	v4 =	vld [tilespmem:s6+$0xFFFFFFB0]  }
0x7f: {  	[tilespmem:s8+$0x20] =	vst v0;
	v0 =	vld [tilespmem:s8+$0x30]  }
0x80: {  	[tilespmem:s8+$0xFFFFFF20] =	vst v1;
	v1 =	vld [tilespmem:s6+$0x30];
	v3 =	vadd.f32 v5, v3  }
0x81: {  	v5 =	vld [tilespmem:s6+$0xFFFFFF30]  }
0x82: {  	[tilespmem:s8+$0xB0] =	vst v3;
	v3 =	vld [tilespmem:s8+$0xC0]  }
0x83: {  	v2 =	vadd.f32 v4, v2;
	v4 =	vld [tilespmem:s6+$0xC0]  }
0x84: {  	v6 =	vld [tilespmem:s8+$0xFFFFFF40]  }
0x85: {  	[tilespmem:s8+$0xFFFFFFB0] =	vst v2;
	v2 =	vld [tilespmem:s8+$0xFFFFFFC0];
	v0 =	vadd.f32 v1, v0  }
0x86: {  	v1 =	vadd.f32 v5, v7;
	v5 =	vld [tilespmem:s6+$0xFFFFFFC0]  }
0x87: {  	[tilespmem:s8+$0x30] =	vst v0;
	v0 =	vld [tilespmem:s8+$0x40]  }
0x88: {  	[tilespmem:s8+$0xFFFFFF30] =	vst v1;
	v1 =	vld [tilespmem:s6+$0x40];
	v3 =	vadd.f32 v4, v3  }
0x89: {  	v4 =	vld [tilespmem:s6+$0xFFFFFF40]  }
0x8a: {  	[tilespmem:s8+$0xC0] =	vst v3;
	v3 =	vld [tilespmem:s8+$0xD0]  }
0x8b: {  	v2 =	vadd.f32 v5, v2;
	v5 =	vld [tilespmem:s6+$0xD0]  }
0x8c: {  	v7 =	vld [tilespmem:s8+$0xFFFFFF50]  }
0x8d: {  	[tilespmem:s8+$0xFFFFFFC0] =	vst v2;
	v2 =	vld [tilespmem:s8+$0xFFFFFFD0];
	v0 =	vadd.f32 v1, v0  }
0x8e: {  	v1 =	vadd.f32 v4, v6;
	v4 =	vld [tilespmem:s6+$0xFFFFFFD0]  }
0x8f: {  	[tilespmem:s8+$0x40] =	vst v0;
	v0 =	vld [tilespmem:s8+$0x50]  }
0x90: {  	[tilespmem:s8+$0xFFFFFF40] =	vst v1;
	v1 =	vld [tilespmem:s6+$0x50];
	v3 =	vadd.f32 v5, v3  }
0x91: {  	v5 =	vld [tilespmem:s6+$0xFFFFFF50]  }
0x92: {  	[tilespmem:s8+$0xD0] =	vst v3;
	v3 =	vld [tilespmem:s8+$0xE0]  }
0x93: {  	v2 =	vadd.f32 v4, v2;
	v4 =	vld [tilespmem:s6+$0xE0]  }
0x94: {  	v6 =	vld [tilespmem:s8+$0xFFFFFF60]  }
0x95: {  	[tilespmem:s8+$0xFFFFFFD0] =	vst v2;
	v2 =	vld [tilespmem:s8+$0xFFFFFFE0];
	v0 =	vadd.f32 v1, v0  }
0x96: {  	v1 =	vadd.f32 v5, v7;
	v5 =	vld [tilespmem:s6+$0xFFFFFFE0]  }
0x97: {  	[tilespmem:s8+$0x50] =	vst v0;
	v7 =	vld [tilespmem:s8+$0x60]  }
0x98: {  	[tilespmem:s8+$0xFFFFFF50] =	vst v1;
	v8 =	vld [tilespmem:s6+$0x60];
	v0 =	vadd.f32 v4, v3  }
0x99: {  	v3 =	vld [tilespmem:s6+$0xFFFFFF60]  }
0x9a: {  	[tilespmem:s8+$0xE0] =	vst v0;
	v9 =	vld [tilespmem:s8+$0xF0]  }
0x9b: {  	v1 =	vadd.f32 v5, v2;
	v5 =	vld [tilespmem:s6+$0xF0]  }
0x9c: {  	v0 =	vld [tilespmem:s8+$0xFFFFFF70]  }
.Ltmp0:
0x9d: {  	[tilespmem:s8+$0xFFFFFFE0] =	vst v1;
	v1 =	vld [tilespmem:s8+$0xFFFFFFF0];
	v2 =	vadd.f32 v8, v7;
	(pc) =	sbr.rel @p0 .LBB2_2-.Ltmp0, $4  }
0x9e: {  	v4 =	vadd.f32 v3, v6;
	v3 =	vld [tilespmem:s6+$0xFFFFFFF0]  }
0x9f: {  	[tilespmem:s8+$0x60] =	vst v2;
	v2 =	vld [tilespmem:s8+$0x70]  }
0xa0: {  	[tilespmem:s8+$0xFFFFFF60] =	vst v4;
	v4 =	vld [tilespmem:s6+$0x70];
	v6 =	vadd.f32 v5, v9  }
0xa1: {  	s8 =	sadd.s32 $0x200, s8;
	v5 =	vld [tilespmem:s6+$0xFFFFFF70]  }
0xa2: {  	_ =	sdelay $0x1  }
0xa3: {  	v1 =	vadd.f32 v3, v1  }
0xa4: {  	[tilespmem:s5+$0xF0] =	vst v6;
	v2 =	vadd.f32 v4, v2  }
0xa5: {  	[tilespmem:s5+$0xFFFFFFF0] =	vst v1;
	v0 =	vadd.f32 v5, v0  }
0xa6: {  	[tilespmem:s5+$0x70] =	vst v2  }
0xa7: {  	[tilespmem:s5+$0xFFFFFF70] =	vst v0  }
0xa8: {  	s7 =	simm.s32 $0x0;
	s6 =	rddreg [dreg:$0x7]  }
0xa9: {  	[hbm4b:s6+s7] =	stream.linear.scatter [tilespmem:s21], [sflag:$0x5], $0x4000, $0x38;
	[tilespmem:$0x18000] =	vst v63  }
0xaa: {  	s8 =	rddreg [dreg:$0x8]  }
0xab: {  	[tilespmem:s25], [sflag:$0x3] =	stream.linear.gather [hbm4b:s8+s7], $0x4000, $0x38;
	[tilespmem:$0x18000] =	vst v63  }
0xac: {  	_ =	swait.ge [sflag:s26], $0x4000  }
0xad: {  	[sflag:s26] =	ssyncset.done $0x0  }
0xae: {  	s5 =	simm.s32 $0x0;
	[sflag:s26] =	ssyncadd.s32 $0xFFFFC000  }
0xaf: {  	v0 =	vld [tilespmem:s5+$0xC000]  }
0xb0: {  	v1 =	vld [tilespmem:s5+$0x4000]  }
0xb1: {  	v2 =	vld [tilespmem:s5+$0xC010]  }
0xb2: {  	v3 =	vld [tilespmem:s5+$0x4010]  }
0xb3: {  	v4 =	vld [tilespmem:s5+$0xC020]  }
0xb4: {  	v5 =	vld [tilespmem:s5+$0x4020]  }
0xb5: {  	v6 =	vld [tilespmem:s5+$0x4030]  }
0xb6: {  	v7 =	vld [tilespmem:s5+$0xC1F0]  }
0xb7: {  	v8 =	vld [tilespmem:s5+$0x41F0]  }
0xb8: {  	v9 =	vld [tilespmem:s5+$0x4060]  }
0xb9: {  	v10 =	vld [tilespmem:s5+$0xC080]  }
0xba: {  	v11 =	vld [tilespmem:s5+$0x4080]  }
0xbb: {  	v12 =	vld [tilespmem:s5+$0xC090]  }
0xbc: {  	v13 =	vld [tilespmem:s5+$0x4090]  }
0xbd: {  	v14 =	vld [tilespmem:s5+$0xC0A0]  }
0xbe: {  	v45 =	vld [tilespmem:s5+$0xC0B0]  }
0xbf: {  	v15 =	vld [tilespmem:s5+$0xC070]  }
0xc0: {  	v47 =	vld [tilespmem:s5+$0xC0C0]  }
0xc1: {  	v48 =	vld [tilespmem:s5+$0x40C0]  }
0xc2: {  	v16 =	vld [tilespmem:s5+$0x4070]  }
0xc3: {  	v49 =	vld [tilespmem:s5+$0xC0D0]  }
0xc4: {  	v17 =	vld [tilespmem:s5+$0x40D0]  }
0xc5: {  	v18 =	vld [tilespmem:s5+$0xC100]  }
0xc6: {  	v19 =	vld [tilespmem:s5+$0x4100]  }
0xc7: {  	v20 =	vld [tilespmem:s5+$0xC110]  }
0xc8: {  	v21 =	vld [tilespmem:s5+$0x4110]  }
0xc9: {  	v22 =	vld [tilespmem:s5+$0xC120]  }
0xca: {  	v50 =	vld [tilespmem:s5+$0x4120]  }
0xcb: {  	v51 =	vld [tilespmem:s5+$0xC130]  }
0xcc: {  	v23 =	vld [tilespmem:s5+$0xC0E0]  }
0xcd: {  	v53 =	vld [tilespmem:s5+$0xC140]  }
0xce: {  	v0 =	vadd.f32 v1, v0;
	v1 =	vld [tilespmem:s5+$0xC030]  }
0xcf: {  	v54 =	vld [tilespmem:s5+$0x4140]  }
0xd0: {  	v55 =	vld [tilespmem:s5+$0x40E0]  }
0xd1: {  	v56 =	vld [tilespmem:s5+$0xC150];
	v10 =	vadd.f32 v11, v10  }
0xd2: {  	v46 =	vadd.f32 v13, v12;
	[tilespmem:s5+$0xC000] =	vst v0;
	v0 =	vadd.f32 v3, v2;
	v2 =	vld [tilespmem:s5+$0xC040]  }
0xd3: {  	[tilespmem:s5+$0xC080] =	vst v10;
	v1 =	vadd.f32 v6, v1;
	v6 =	vld [tilespmem:s5+$0x40A0]  }
0xd4: {  	v18 =	vadd.f32 v19, v18;
	v3 =	vld [tilespmem:s5+$0x4040];
	[tilespmem:s5+$0xC090] =	vst v46  }
0xd5: {  	v52 =	vadd.f32 v21, v20;
	[tilespmem:s5+$0xC010] =	vst v0;
	v0 =	vadd.f32 v5, v4;
	v4 =	vld [tilespmem:s5+$0xC050]  }
0xd6: {  	[tilespmem:s5+$0xC100] =	vst v18;
	v5 =	vld [tilespmem:s5+$0x4050]  }
0xd7: {  	v57 =	vld [tilespmem:s5+$0xC0F0];
	v7 =	vadd.f32 v8, v7;
	[tilespmem:s5+$0xC110] =	vst v52  }
0xd8: {  	[tilespmem:s5+$0xC020] =	vst v0;
	v0 =	vld [tilespmem:s5+$0xC060];
	v6 =	vadd.f32 v6, v14  }
0xd9: {  	v58 =	vld [tilespmem:s5+$0xC160];
	[tilespmem:s5+$0xC1F0] =	vst v7  }
0xda: {  	v2 =	vadd.f32 v3, v2;
	[tilespmem:s5+$0xC0A0] =	vst v6;
	v6 =	vld [tilespmem:s5+$0x4130]  }
0xdb: {  	[tilespmem:s5+$0xC030] =	vst v1;
	v1 =	vld [tilespmem:s5+$0x40B0];
	v4 =	vadd.f32 v5, v4  }
0xdc: {  	v59 =	vld [tilespmem:s5+$0x4160];
	[tilespmem:s5+$0xC040] =	vst v2;
	v14 =	vadd.f32 v50, v22  }
0xdd: {  	v5 =	vld [tilespmem:s5+$0xC180];
	v0 =	vadd.f32 v9, v0;
	[tilespmem:s5+$0xC050] =	vst v4  }
0xde: {  	v2 =	vld [tilespmem:s5+$0x4180];
	v4 =	vadd.f32 v16, v15;
	[tilespmem:s5+$0xC120] =	vst v14  }
0xdf: {  	v60 =	vld [tilespmem:s5+$0x4190];
	[tilespmem:s5+$0xC060] =	vst v0;
	v6 =	vadd.f32 v6, v51  }
0xe0: {  	v7 =	vld [tilespmem:s5+$0xC190];
	v1 =	vadd.f32 v1, v45;
	[tilespmem:s5+$0xC070] =	vst v4  }
0xe1: {  	v0 =	vadd.f32 v48, v47;
	[tilespmem:s5+$0xC130] =	vst v6;
	v6 =	vld [tilespmem:s5+$0x40F0]  }
0xe2: {  	v61 =	vld [tilespmem:s5+$0xC1A0];
	v4 =	vadd.f32 v17, v49;
	[tilespmem:s5+$0xC0B0] =	vst v1  }
0xe3: {  	v63 =	vld [tilespmem:s5+$0x4170];
	v2 =	vadd.f32 v2, v5;
	[tilespmem:s5+$0xC0C0] =	vst v0  }
0xe4: {  	v1 =	vld [tilespmem:s5+$0x4150];
	v0 =	vadd.f32 v55, v23;
	[tilespmem:s5+$0xC0D0] =	vst v4  }
0xe5: {  	v3 =	vld [tilespmem:s5+$0xC170];
	[tilespmem:s5+$0xC180] =	vst v2;
	v2 =	vadd.f32 v60, v7  }
0xe6: {  	v62 =	vld [tilespmem:s5+$0x41A0];
	[tilespmem:s5+$0xC0E0] =	vst v0;
	v0 =	vadd.f32 v6, v57  }
0xe7: {  	v5 =	vld [tilespmem:s5+$0x41B0];
	[tilespmem:s5+$0xC190] =	vst v2;
	v6 =	vadd.f32 v54, v53  }
0xe8: {  	v4 =	vld [tilespmem:s5+$0xC1B0];
	v7 =	vadd.f32 v59, v58;
	[tilespmem:s5+$0xC0F0] =	vst v0  }
0xe9: {  	v0 =	vld [tilespmem:s5+$0xC1C0];
	[tilespmem:s5+$0xC140] =	vst v6;
	v6 =	vadd.f32 v1, v56  }
0xea: {  	[tilespmem:s5+$0xC160] =	vst v7;
	v7 =	vadd.f32 v63, v3;
	v1 =	vld [tilespmem:s5+$0x41C0]  }
0xeb: {  	v2 =	vld [tilespmem:s5+$0xC1D0];
	[tilespmem:s5+$0xC150] =	vst v6;
	v6 =	vadd.f32 v62, v61  }
0xec: {  	v3 =	vld [tilespmem:s5+$0x41D0];
	[tilespmem:s5+$0xC170] =	vst v7  }
0xed: {  	s6 =	simm.s32 $0x0;
	s7 =	simm.s32 $0x800;
	v5 =	vadd.f32 v5, v4;
	v4 =	vld [tilespmem:s5+$0xC1E0];
	[tilespmem:s5+$0xC1A0] =	vst v6  }
.LBB2_4:
0xee: {  	s8 =	sshra.s32 s7, $0x2;
	v6 =	vld [tilespmem:s5+$0x41E0]  }
0xef: {  	s6 =	sadd.s32 $0x4, s6;
	v7 =	vld [tilespmem:s8+$0xC1F0];
	[tilespmem:s5+$0xC1B0] =	vst v5;
	v0 =	vadd.f32 v1, v0  }
0xf0: {  	p0 =	slt.u32 s6, $0x7C;
	v1 =	vld [tilespmem:s8+$0x41F0]  }
0xf1: {  	v5 =	vld [tilespmem:s8+$0xC000];
	[tilespmem:s5+$0xC1C0] =	vst v0;
	v0 =	vadd.f32 v3, v2  }
0xf2: {  	v2 =	vld [tilespmem:s8+$0x4000]  }
0xf3: {  	v3 =	vld [tilespmem:s8+$0xC010];
	[tilespmem:s5+$0xC1D0] =	vst v0;
	v0 =	vadd.f32 v6, v4  }
0xf4: {  	v4 =	vld [tilespmem:s8+$0x4010]  }
0xf5: {  	v6 =	vld [tilespmem:s8+$0xC020];
	v1 =	vadd.f32 v1, v7;
	[tilespmem:s5+$0xC1E0] =	vst v0;
	s5 =	smov.u32 s8  }
0xf6: {  	v0 =	vld [tilespmem:s5+$0x4020]  }
0xf7: {  	v2 =	vadd.f32 v2, v5;
	v5 =	vld [tilespmem:s5+$0xC030];
	[tilespmem:s5+$0xC1F0] =	vst v1  }
0xf8: {  	v1 =	vld [tilespmem:s5+$0x4030]  }
0xf9: {  	[tilespmem:s5+$0xC000] =	vst v2;
	v2 =	vadd.f32 v4, v3;
	v3 =	vld [tilespmem:s5+$0xC040]  }
0xfa: {  	v4 =	vld [tilespmem:s5+$0x4040]  }
0xfb: {  	[tilespmem:s5+$0xC010] =	vst v2;
	v0 =	vadd.f32 v0, v6;
	v2 =	vld [tilespmem:s5+$0xC050]  }
0xfc: {  	v6 =	vld [tilespmem:s5+$0x4050]  }
0xfd: {  	[tilespmem:s5+$0xC020] =	vst v0;
	v0 =	vadd.f32 v1, v5;
	v1 =	vld [tilespmem:s5+$0xC060]  }
0xfe: {  	v5 =	vld [tilespmem:s5+$0x4060]  }
0xff: {  	[tilespmem:s5+$0xC030] =	vst v0;
	v0 =	vadd.f32 v4, v3;
	v3 =	vld [tilespmem:s5+$0xC070]  }
0x100: {  	v4 =	vld [tilespmem:s5+$0x4070]  }
0x101: {  	[tilespmem:s5+$0xC040] =	vst v0;
	v0 =	vadd.f32 v6, v2;
	v2 =	vld [tilespmem:s5+$0xC080]  }
0x102: {  	v6 =	vld [tilespmem:s5+$0x4080]  }
0x103: {  	[tilespmem:s5+$0xC050] =	vst v0;
	v0 =	vadd.f32 v5, v1;
	v1 =	vld [tilespmem:s5+$0xC090]  }
0x104: {  	v5 =	vld [tilespmem:s5+$0x4090]  }
0x105: {  	[tilespmem:s5+$0xC060] =	vst v0;
	v0 =	vadd.f32 v4, v3;
	v3 =	vld [tilespmem:s5+$0xC0A0]  }
0x106: {  	v4 =	vld [tilespmem:s5+$0x40A0]  }
0x107: {  	[tilespmem:s5+$0xC070] =	vst v0;
	v0 =	vadd.f32 v6, v2;
	v2 =	vld [tilespmem:s5+$0xC0B0]  }
0x108: {  	v6 =	vld [tilespmem:s5+$0x40B0]  }
0x109: {  	[tilespmem:s5+$0xC080] =	vst v0;
	v0 =	vadd.f32 v5, v1;
	v1 =	vld [tilespmem:s5+$0xC0C0]  }
0x10a: {  	v5 =	vld [tilespmem:s5+$0x40C0]  }
0x10b: {  	[tilespmem:s5+$0xC090] =	vst v0;
	v0 =	vadd.f32 v4, v3;
	v3 =	vld [tilespmem:s5+$0xC0D0]  }
0x10c: {  	v4 =	vld [tilespmem:s5+$0x40D0]  }
0x10d: {  	[tilespmem:s5+$0xC0A0] =	vst v0;
	v0 =	vadd.f32 v6, v2;
	v2 =	vld [tilespmem:s5+$0xC0E0]  }
0x10e: {  	v6 =	vld [tilespmem:s5+$0x40E0]  }
0x10f: {  	[tilespmem:s5+$0xC0B0] =	vst v0;
	v0 =	vadd.f32 v5, v1;
	v1 =	vld [tilespmem:s5+$0xC0F0]  }
0x110: {  	v5 =	vld [tilespmem:s5+$0x40F0]  }
0x111: {  	[tilespmem:s5+$0xC0C0] =	vst v0;
	v0 =	vadd.f32 v4, v3;
	v3 =	vld [tilespmem:s5+$0xC100]  }
0x112: {  	v4 =	vld [tilespmem:s5+$0x4100]  }
0x113: {  	[tilespmem:s5+$0xC0D0] =	vst v0;
	v0 =	vadd.f32 v6, v2;
	v2 =	vld [tilespmem:s5+$0xC110]  }
0x114: {  	v6 =	vld [tilespmem:s5+$0x4110]  }
0x115: {  	[tilespmem:s5+$0xC0E0] =	vst v0;
	v0 =	vadd.f32 v5, v1;
	v1 =	vld [tilespmem:s5+$0xC120]  }
0x116: {  	v5 =	vld [tilespmem:s5+$0x4120]  }
0x117: {  	[tilespmem:s5+$0xC0F0] =	vst v0;
	v0 =	vadd.f32 v4, v3;
	v3 =	vld [tilespmem:s5+$0xC130]  }
0x118: {  	v4 =	vld [tilespmem:s5+$0x4130]  }
0x119: {  	[tilespmem:s5+$0xC100] =	vst v0;
	v0 =	vadd.f32 v6, v2;
	v2 =	vld [tilespmem:s5+$0xC140]  }
0x11a: {  	v6 =	vld [tilespmem:s5+$0x4140]  }
0x11b: {  	[tilespmem:s5+$0xC110] =	vst v0;
	v0 =	vadd.f32 v5, v1;
	v1 =	vld [tilespmem:s5+$0xC150]  }
0x11c: {  	v5 =	vld [tilespmem:s5+$0x4150]  }
0x11d: {  	[tilespmem:s5+$0xC120] =	vst v0;
	v0 =	vadd.f32 v4, v3;
	v3 =	vld [tilespmem:s5+$0xC160]  }
0x11e: {  	v4 =	vld [tilespmem:s5+$0x4160]  }
0x11f: {  	[tilespmem:s5+$0xC130] =	vst v0;
	v0 =	vadd.f32 v6, v2;
	v2 =	vld [tilespmem:s5+$0xC170]  }
0x120: {  	v6 =	vld [tilespmem:s5+$0x4170]  }
0x121: {  	[tilespmem:s5+$0xC140] =	vst v0;
	v0 =	vadd.f32 v5, v1;
	v1 =	vld [tilespmem:s5+$0xC180]  }
0x122: {  	v5 =	vld [tilespmem:s5+$0x4180]  }
0x123: {  	[tilespmem:s5+$0xC150] =	vst v0;
	v0 =	vadd.f32 v4, v3;
	v3 =	vld [tilespmem:s5+$0xC190]  }
0x124: {  	v4 =	vld [tilespmem:s5+$0x4190]  }
0x125: {  	[tilespmem:s5+$0xC160] =	vst v0;
	v0 =	vadd.f32 v6, v2;
	v2 =	vld [tilespmem:s5+$0xC1A0]  }
0x126: {  	v6 =	vld [tilespmem:s5+$0x41A0]  }
0x127: {  	[tilespmem:s5+$0xC170] =	vst v0;
	v0 =	vadd.f32 v5, v1;
	v5 =	vld [tilespmem:s5+$0xC1B0]  }
0x128: {  	v7 =	vld [tilespmem:s5+$0x41B0]  }
.Ltmp1:
0x129: {  	[tilespmem:s5+$0xC180] =	vst v0;
	v3 =	vadd.f32 v4, v3;
	v0 =	vld [tilespmem:s5+$0xC1C0];
	(pc) =	sbr.rel @p0 .LBB2_4-.Ltmp1, $4  }
0x12a: {  	v1 =	vld [tilespmem:s5+$0x41C0]  }
0x12b: {  	[tilespmem:s5+$0xC190] =	vst v3;
	v4 =	vadd.f32 v6, v2;
	v2 =	vld [tilespmem:s5+$0xC1D0]  }
0x12c: {  	v3 =	vld [tilespmem:s5+$0x41D0]  }
0x12d: {  	s7 =	sadd.s32 $0x800, s7;
	[tilespmem:s5+$0xC1A0] =	vst v4;
	v5 =	vadd.f32 v7, v5;
	v4 =	vld [tilespmem:s5+$0xC1E0]  }
0x12e: {  	v6 =	vld [tilespmem:s5+$0x41E0];
	_ =	sdelay $0x2  }
0x12f: {  	v0 =	vadd.f32 v1, v0  }
0x130: {  	[tilespmem:s5+$0xC1B0] =	vst v5;
	v1 =	vadd.f32 v3, v2  }
0x131: {  	[tilespmem:s5+$0xC1C0] =	vst v0;
	v0 =	vadd.f32 v6, v4  }
0x132: {  	[tilespmem:s5+$0xC1D0] =	vst v1  }
0x133: {  	[tilespmem:s5+$0xC1E0] =	vst v0  }
0x134: {  	s5 =	rddreg [dreg:$0x9]  }
0x135: {  	[hbm4b:s5+s2] =	stream.linear.scatter [tilespmem:s23], [sflag:$0x6], $0x4000, $0x38;
	[tilespmem:$0x18000] =	vst v63  }
0x136: {  	_ = 	snop  }
0x137: {  	[tilespmem:s28], [sflag:$0x4] =	stream.linear.gather [hbm4b:s9+s2], $0x4000, $0x38;
	[tilespmem:$0x18000] =	vst v63  }
0x138: {  	_ =	swait.ge [sflag:s29], $0x4000  }
0x139: {  	[sflag:s29] =	ssyncset.done $0x0  }
0x13a: {  	s5 =	simm.s32 $0x10100;
	[sflag:s29] =	ssyncadd.s32 $0xFFFFC000  }
0x13b: {  	s6 =	simm.s32 $0x100;
	v0 =	vld [tilespmem:s5+$0x80]  }
0x13c: {  	v1 =	vld [tilespmem:s6+$0x80]  }
0x13d: {  	v2 =	vld [tilespmem:s5+$0xFFFFFF80]  }
0x13e: {  	v3 =	vld [tilespmem:s6+$0xFFFFFF80]  }
0x13f: {  	v4 =	vld [tilespmem:s5+$0x0]  }
0x140: {  	v5 =	vld [tilespmem:s6+$0x0]  }
0x141: {  	v6 =	vld [tilespmem:s5+$0xFFFFFF00];
	v0 =	vadd.f32 v1, v0  }
0x142: {  	v1 =	vld [tilespmem:s6+$0xFFFFFF00]  }
0x143: {  	[tilespmem:s5+$0x80] =	vst v0;
	v0 =	vld [tilespmem:s5+$0x90]  }
0x144: {  	v2 =	vadd.f32 v3, v2;
	v3 =	vld [tilespmem:s6+$0x90]  }
0x145: {  	v7 =	vld [tilespmem:s5+$0xFFFFFF10]  }
0x146: {  	[tilespmem:s5+$0xFFFFFF80] =	vst v2;
	v2 =	vadd.f32 v5, v4;
	v4 =	vld [tilespmem:s5+$0xFFFFFF90]  }
0x147: {  	v5 =	vld [tilespmem:s6+$0xFFFFFF90];
	v1 =	vadd.f32 v1, v6  }
0x148: {  	[tilespmem:s5+$0x0] =	vst v2;
	v2 =	vld [tilespmem:s5+$0x10]  }
0x149: {  	v6 =	vld [tilespmem:s6+$0x10];
	[tilespmem:s5+$0xFFFFFF00] =	vst v1;
	v0 =	vadd.f32 v3, v0  }
0x14a: {  	v1 =	vld [tilespmem:s6+$0xFFFFFF10]  }
0x14b: {  	[tilespmem:s5+$0x90] =	vst v0;
	v0 =	vld [tilespmem:s5+$0xA0]  }
0x14c: {  	v3 =	vadd.f32 v5, v4;
	v4 =	vld [tilespmem:s6+$0xA0]  }
0x14d: {  	v5 =	vld [tilespmem:s5+$0xFFFFFF20]  }
0x14e: {  	[tilespmem:s5+$0xFFFFFF90] =	vst v3;
	v2 =	vadd.f32 v6, v2;
	v3 =	vld [tilespmem:s5+$0xFFFFFFA0]  }
0x14f: {  	v6 =	vld [tilespmem:s6+$0xFFFFFFA0];
	v1 =	vadd.f32 v1, v7  }
0x150: {  	[tilespmem:s5+$0x10] =	vst v2;
	v2 =	vld [tilespmem:s5+$0x20]  }
0x151: {  	v7 =	vld [tilespmem:s6+$0x20];
	[tilespmem:s5+$0xFFFFFF10] =	vst v1;
	v0 =	vadd.f32 v4, v0  }
0x152: {  	v1 =	vld [tilespmem:s6+$0xFFFFFF20]  }
0x153: {  	[tilespmem:s5+$0xA0] =	vst v0;
	v0 =	vld [tilespmem:s5+$0xB0]  }
0x154: {  	v3 =	vadd.f32 v6, v3;
	v4 =	vld [tilespmem:s6+$0xB0]  }
0x155: {  	v6 =	vld [tilespmem:s5+$0xFFFFFF30]  }
0x156: {  	[tilespmem:s5+$0xFFFFFFA0] =	vst v3;
	v2 =	vadd.f32 v7, v2;
	v3 =	vld [tilespmem:s5+$0xFFFFFFB0]  }
0x157: {  	v7 =	vld [tilespmem:s6+$0xFFFFFFB0];
	v1 =	vadd.f32 v1, v5  }
0x158: {  	[tilespmem:s5+$0x20] =	vst v2;
	v2 =	vld [tilespmem:s5+$0x30]  }
0x159: {  	v5 =	vld [tilespmem:s6+$0x30];
	[tilespmem:s5+$0xFFFFFF20] =	vst v1;
	v0 =	vadd.f32 v4, v0  }
0x15a: {  	v1 =	vld [tilespmem:s6+$0xFFFFFF30]  }
0x15b: {  	[tilespmem:s5+$0xB0] =	vst v0;
	v0 =	vld [tilespmem:s5+$0xC0]  }
0x15c: {  	v3 =	vadd.f32 v7, v3;
	v4 =	vld [tilespmem:s6+$0xC0]  }
0x15d: {  	v7 =	vld [tilespmem:s5+$0xFFFFFF40]  }
0x15e: {  	[tilespmem:s5+$0xFFFFFFB0] =	vst v3;
	v2 =	vadd.f32 v5, v2;
	v3 =	vld [tilespmem:s5+$0xFFFFFFC0]  }
0x15f: {  	v5 =	vld [tilespmem:s6+$0xFFFFFFC0];
	v1 =	vadd.f32 v1, v6  }
0x160: {  	[tilespmem:s5+$0x30] =	vst v2;
	v2 =	vld [tilespmem:s5+$0x40]  }
0x161: {  	v6 =	vld [tilespmem:s6+$0x40];
	[tilespmem:s5+$0xFFFFFF30] =	vst v1;
	v0 =	vadd.f32 v4, v0  }
0x162: {  	v1 =	vld [tilespmem:s6+$0xFFFFFF40]  }
0x163: {  	[tilespmem:s5+$0xC0] =	vst v0;
	v0 =	vld [tilespmem:s5+$0xD0]  }
0x164: {  	v3 =	vadd.f32 v5, v3;
	v4 =	vld [tilespmem:s6+$0xD0]  }
0x165: {  	v5 =	vld [tilespmem:s5+$0xFFFFFF50]  }
0x166: {  	[tilespmem:s5+$0xFFFFFFC0] =	vst v3;
	v2 =	vadd.f32 v6, v2;
	v3 =	vld [tilespmem:s5+$0xFFFFFFD0]  }
0x167: {  	v6 =	vld [tilespmem:s6+$0xFFFFFFD0];
	v1 =	vadd.f32 v1, v7  }
0x168: {  	[tilespmem:s5+$0x40] =	vst v2;
	v2 =	vld [tilespmem:s5+$0x50]  }
0x169: {  	v7 =	vld [tilespmem:s6+$0x50];
	[tilespmem:s5+$0xFFFFFF40] =	vst v1;
	v0 =	vadd.f32 v4, v0  }
0x16a: {  	v1 =	vld [tilespmem:s6+$0xFFFFFF50]  }
0x16b: {  	[tilespmem:s5+$0xD0] =	vst v0;
	v0 =	vld [tilespmem:s5+$0xE0]  }
0x16c: {  	v3 =	vadd.f32 v6, v3;
	v4 =	vld [tilespmem:s6+$0xE0]  }
0x16d: {  	v6 =	vld [tilespmem:s5+$0xFFFFFF60]  }
0x16e: {  	[tilespmem:s5+$0xFFFFFFD0] =	vst v3;
	v2 =	vadd.f32 v7, v2;
	v3 =	vld [tilespmem:s5+$0xFFFFFFE0]  }
0x16f: {  	v7 =	vld [tilespmem:s6+$0xFFFFFFE0];
	v1 =	vadd.f32 v1, v5  }
0x170: {  	[tilespmem:s5+$0x50] =	vst v2;
	v2 =	vld [tilespmem:s5+$0x60]  }
0x171: {  	v5 =	vld [tilespmem:s6+$0x60];
	[tilespmem:s5+$0xFFFFFF50] =	vst v1;
	v0 =	vadd.f32 v4, v0  }
0x172: {  	v4 =	vld [tilespmem:s6+$0xFFFFFF60]  }
0x173: {  	v8 =	vld [tilespmem:s5+$0xF0];
	[tilespmem:s5+$0xE0] =	vst v0  }
0x174: {  	v1 =	vadd.f32 v7, v3;
	v7 =	vld [tilespmem:s6+$0xF0]  }
0x175: {  	v0 =	vld [tilespmem:s5+$0xFFFFFF70]  }
0x176: {  	[tilespmem:s5+$0xFFFFFFE0] =	vst v1;
	v2 =	vadd.f32 v5, v2;
	v1 =	vld [tilespmem:s5+$0xFFFFFFF0]  }
0x177: {  	v3 =	vld [tilespmem:s6+$0xFFFFFFF0];
	v4 =	vadd.f32 v4, v6  }
0x178: {  	[tilespmem:s5+$0x60] =	vst v2;
	v2 =	vld [tilespmem:s5+$0x70]  }
0x179: {  	[tilespmem:s5+$0xFFFFFF60] =	vst v4;
	v4 =	vld [tilespmem:s6+$0x70];
	v6 =	vadd.f32 v7, v8  }
0x17a: {  	s7 =	simm.s32 $0x0;
	s8 =	simm.s32 $0x10300;
	v5 =	vld [tilespmem:s6+$0xFFFFFF70]  }
.LBB2_6:
0x17b: {  	v7 =	vld [tilespmem:s8+$0x80];
	[tilespmem:s5+$0xF0] =	vst v6;
	s6 =	sadd.s32 $0x200, s6  }
0x17c: {  	s7 =	sadd.s32 $0x4, s7;
	v6 =	vld [tilespmem:s6+$0x80];
	v1 =	vadd.f32 v3, v1  }
0x17d: {  	p0 =	slt.u32 s7, $0x7C;
	v3 =	vld [tilespmem:s6+$0xFFFFFF00]  }
0x17e: {  	v8 =	vld [tilespmem:s8+$0xFFFFFF80];
	[tilespmem:s5+$0xFFFFFFF0] =	vst v1;
	v1 =	vadd.f32 v4, v2  }
0x17f: {  	v2 =	vld [tilespmem:s6+$0xFFFFFF80];
	v0 =	vadd.f32 v5, v0  }
0x180: {  	v4 =	vld [tilespmem:s8+$0x0];
	[tilespmem:s5+$0x70] =	vst v1  }
0x181: {  	v1 =	vld [tilespmem:s6+$0x0];
	v5 =	vadd.f32 v6, v7;
	[tilespmem:s5+$0xFFFFFF70] =	vst v0;
	s5 =	smov.u32 s8  }
0x182: {  	v0 =	vld [tilespmem:s8+$0xFFFFFF00]  }
0x183: {  	[tilespmem:s8+$0x80] =	vst v5;
	v5 =	vld [tilespmem:s8+$0x90]  }
0x184: {  	v2 =	vadd.f32 v2, v8;
	v6 =	vld [tilespmem:s6+$0x90]  }
0x185: {  	v7 =	vld [tilespmem:s8+$0xFFFFFF10]  }
0x186: {  	[tilespmem:s8+$0xFFFFFF80] =	vst v2;
	v2 =	vld [tilespmem:s8+$0xFFFFFF90];
	v1 =	vadd.f32 v1, v4  }
0x187: {  	v0 =	vadd.f32 v3, v0;
	v3 =	vld [tilespmem:s6+$0xFFFFFF90]  }
0x188: {  	[tilespmem:s8+$0x0] =	vst v1;
	v1 =	vld [tilespmem:s8+$0x10]  }
0x189: {  	[tilespmem:s8+$0xFFFFFF00] =	vst v0;
	v0 =	vld [tilespmem:s6+$0x10];
	v4 =	vadd.f32 v6, v5  }
0x18a: {  	v5 =	vld [tilespmem:s6+$0xFFFFFF10]  }
0x18b: {  	[tilespmem:s8+$0x90] =	vst v4;
	v4 =	vld [tilespmem:s8+$0xA0]  }
0x18c: {  	v2 =	vadd.f32 v3, v2;
	v3 =	vld [tilespmem:s6+$0xA0]  }
0x18d: {  	v6 =	vld [tilespmem:s8+$0xFFFFFF20]  }
0x18e: {  	[tilespmem:s8+$0xFFFFFF90] =	vst v2;
	v2 =	vld [tilespmem:s8+$0xFFFFFFA0];
	v0 =	vadd.f32 v0, v1  }
0x18f: {  	v1 =	vadd.f32 v5, v7;
	v5 =	vld [tilespmem:s6+$0xFFFFFFA0]  }
0x190: {  	[tilespmem:s8+$0x10] =	vst v0;
	v0 =	vld [tilespmem:s8+$0x20]  }
0x191: {  	[tilespmem:s8+$0xFFFFFF10] =	vst v1;
	v1 =	vld [tilespmem:s6+$0x20];
	v3 =	vadd.f32 v3, v4  }
0x192: {  	v4 =	vld [tilespmem:s6+$0xFFFFFF20]  }
0x193: {  	[tilespmem:s8+$0xA0] =	vst v3;
	v3 =	vld [tilespmem:s8+$0xB0]  }
0x194: {  	v2 =	vadd.f32 v5, v2;
	v5 =	vld [tilespmem:s6+$0xB0]  }
0x195: {  	v7 =	vld [tilespmem:s8+$0xFFFFFF30]  }
0x196: {  	[tilespmem:s8+$0xFFFFFFA0] =	vst v2;
	v2 =	vld [tilespmem:s8+$0xFFFFFFB0];
	v0 =	vadd.f32 v1, v0  }
0x197: {  	v1 =	vadd.f32 v4, v6;
	v4 =	vld [tilespmem:s6+$0xFFFFFFB0]  }
0x198: {  	[tilespmem:s8+$0x20] =	vst v0;
	v0 =	vld [tilespmem:s8+$0x30]  }
0x199: {  	[tilespmem:s8+$0xFFFFFF20] =	vst v1;
	v1 =	vld [tilespmem:s6+$0x30];
	v3 =	vadd.f32 v5, v3  }
0x19a: {  	v5 =	vld [tilespmem:s6+$0xFFFFFF30]  }
0x19b: {  	[tilespmem:s8+$0xB0] =	vst v3;
	v3 =	vld [tilespmem:s8+$0xC0]  }
0x19c: {  	v2 =	vadd.f32 v4, v2;
	v4 =	vld [tilespmem:s6+$0xC0]  }
0x19d: {  	v6 =	vld [tilespmem:s8+$0xFFFFFF40]  }
0x19e: {  	[tilespmem:s8+$0xFFFFFFB0] =	vst v2;
	v2 =	vld [tilespmem:s8+$0xFFFFFFC0];
	v0 =	vadd.f32 v1, v0  }
0x19f: {  	v1 =	vadd.f32 v5, v7;
	v5 =	vld [tilespmem:s6+$0xFFFFFFC0]  }
0x1a0: {  	[tilespmem:s8+$0x30] =	vst v0;
	v0 =	vld [tilespmem:s8+$0x40]  }
0x1a1: {  	[tilespmem:s8+$0xFFFFFF30] =	vst v1;
	v1 =	vld [tilespmem:s6+$0x40];
	v3 =	vadd.f32 v4, v3  }
0x1a2: {  	v4 =	vld [tilespmem:s6+$0xFFFFFF40]  }
0x1a3: {  	[tilespmem:s8+$0xC0] =	vst v3;
	v3 =	vld [tilespmem:s8+$0xD0]  }
0x1a4: {  	v2 =	vadd.f32 v5, v2;
	v5 =	vld [tilespmem:s6+$0xD0]  }
0x1a5: {  	v7 =	vld [tilespmem:s8+$0xFFFFFF50]  }
0x1a6: {  	[tilespmem:s8+$0xFFFFFFC0] =	vst v2;
	v2 =	vld [tilespmem:s8+$0xFFFFFFD0];
	v0 =	vadd.f32 v1, v0  }
0x1a7: {  	v1 =	vadd.f32 v4, v6;
	v4 =	vld [tilespmem:s6+$0xFFFFFFD0]  }
0x1a8: {  	[tilespmem:s8+$0x40] =	vst v0;
	v0 =	vld [tilespmem:s8+$0x50]  }
0x1a9: {  	[tilespmem:s8+$0xFFFFFF40] =	vst v1;
	v1 =	vld [tilespmem:s6+$0x50];
	v3 =	vadd.f32 v5, v3  }
0x1aa: {  	v5 =	vld [tilespmem:s6+$0xFFFFFF50]  }
0x1ab: {  	[tilespmem:s8+$0xD0] =	vst v3;
	v3 =	vld [tilespmem:s8+$0xE0]  }
0x1ac: {  	v2 =	vadd.f32 v4, v2;
	v4 =	vld [tilespmem:s6+$0xE0]  }
0x1ad: {  	v6 =	vld [tilespmem:s8+$0xFFFFFF60]  }
0x1ae: {  	[tilespmem:s8+$0xFFFFFFD0] =	vst v2;
	v2 =	vld [tilespmem:s8+$0xFFFFFFE0];
	v0 =	vadd.f32 v1, v0  }
0x1af: {  	v1 =	vadd.f32 v5, v7;
	v5 =	vld [tilespmem:s6+$0xFFFFFFE0]  }
0x1b0: {  	[tilespmem:s8+$0x50] =	vst v0;
	v7 =	vld [tilespmem:s8+$0x60]  }
0x1b1: {  	[tilespmem:s8+$0xFFFFFF50] =	vst v1;
	v8 =	vld [tilespmem:s6+$0x60];
	v0 =	vadd.f32 v4, v3  }
0x1b2: {  	v3 =	vld [tilespmem:s6+$0xFFFFFF60]  }
0x1b3: {  	[tilespmem:s8+$0xE0] =	vst v0;
	v9 =	vld [tilespmem:s8+$0xF0]  }
0x1b4: {  	v1 =	vadd.f32 v5, v2;
	v5 =	vld [tilespmem:s6+$0xF0]  }
0x1b5: {  	v0 =	vld [tilespmem:s8+$0xFFFFFF70]  }
.Ltmp2:
0x1b6: {  	[tilespmem:s8+$0xFFFFFFE0] =	vst v1;
	v1 =	vld [tilespmem:s8+$0xFFFFFFF0];
	v2 =	vadd.f32 v8, v7;
	(pc) =	sbr.rel @p0 .LBB2_6-.Ltmp2, $4  }
0x1b7: {  	v4 =	vadd.f32 v3, v6;
	v3 =	vld [tilespmem:s6+$0xFFFFFFF0]  }
0x1b8: {  	[tilespmem:s8+$0x60] =	vst v2;
	v2 =	vld [tilespmem:s8+$0x70]  }
0x1b9: {  	[tilespmem:s8+$0xFFFFFF60] =	vst v4;
	v4 =	vld [tilespmem:s6+$0x70];
	v6 =	vadd.f32 v5, v9  }
0x1ba: {  	s8 =	sadd.s32 $0x200, s8;
	v5 =	vld [tilespmem:s6+$0xFFFFFF70]  }
0x1bb: {  	_ =	sdelay $0x1  }
0x1bc: {  	v1 =	vadd.f32 v3, v1  }
0x1bd: {  	[tilespmem:s5+$0xF0] =	vst v6;
	v2 =	vadd.f32 v4, v2  }
0x1be: {  	[tilespmem:s5+$0xFFFFFFF0] =	vst v1;
	v0 =	vadd.f32 v5, v0  }
0x1bf: {  	[tilespmem:s5+$0x70] =	vst v2  }
0x1c0: {  	s8 =	simm.s32 $0x0;
	[tilespmem:s5+$0xFFFFFF70] =	vst v0  }
0x1c1: {  	[hbm4b:s10+s8] =	stream.linear.scatter [tilespmem:s25], [sflag:$0x7], $0x4000, $0x38;
	[tilespmem:$0x18000] =	vst v63  }
0x1c2: {  	_ =	swait.ge [sflag:s30], $0x4000  }
0x1c3: {  	[sflag:s30] =	ssyncset.done $0x0  }
0x1c4: {  	[sflag:s30] =	ssyncadd.s32 $0xFFFFC000  }
0x1c5: {  	[tilespmem:s21], [sflag:$0x1] =	stream.linear.gather [hbm4b:s11+s8], $0x4000, $0x38;
	[tilespmem:$0x18000] =	vst v63  }
0x1c6: {  	_ =	swait.ge [sflag:s31], $0x4000  }
0x1c7: {  	[sflag:s31] =	ssyncset.done $0x0  }
0x1c8: {  	s5 =	simm.s32 $0x0;
	[sflag:s31] =	ssyncadd.s32 $0xFFFFC000  }
0x1c9: {  	v0 =	vld [tilespmem:s5+$0x14000]  }
0x1ca: {  	v1 =	vld [tilespmem:s5+$0x4000]  }
0x1cb: {  	v2 =	vld [tilespmem:s5+$0x14010]  }
0x1cc: {  	v3 =	vld [tilespmem:s5+$0x4010]  }
0x1cd: {  	v4 =	vld [tilespmem:s5+$0x14020]  }
0x1ce: {  	v5 =	vld [tilespmem:s5+$0x4020]  }
0x1cf: {  	v6 =	vld [tilespmem:s5+$0x4030]  }
0x1d0: {  	v7 =	vld [tilespmem:s5+$0x141F0]  }
0x1d1: {  	v8 =	vld [tilespmem:s5+$0x41F0]  }
0x1d2: {  	v9 =	vld [tilespmem:s5+$0x4060]  }
0x1d3: {  	v10 =	vld [tilespmem:s5+$0x14080]  }
0x1d4: {  	v11 =	vld [tilespmem:s5+$0x4080]  }
0x1d5: {  	v12 =	vld [tilespmem:s5+$0x14090]  }
0x1d6: {  	v13 =	vld [tilespmem:s5+$0x4090]  }
0x1d7: {  	v14 =	vld [tilespmem:s5+$0x140A0]  }
0x1d8: {  	v45 =	vld [tilespmem:s5+$0x140B0]  }
0x1d9: {  	v15 =	vld [tilespmem:s5+$0x14070]  }
0x1da: {  	v47 =	vld [tilespmem:s5+$0x140C0]  }
0x1db: {  	v48 =	vld [tilespmem:s5+$0x40C0]  }
0x1dc: {  	v16 =	vld [tilespmem:s5+$0x4070]  }
0x1dd: {  	v49 =	vld [tilespmem:s5+$0x140D0]  }
0x1de: {  	v17 =	vld [tilespmem:s5+$0x40D0]  }
0x1df: {  	v18 =	vld [tilespmem:s5+$0x14100]  }
0x1e0: {  	v19 =	vld [tilespmem:s5+$0x4100]  }
0x1e1: {  	v20 =	vld [tilespmem:s5+$0x14110]  }
0x1e2: {  	v21 =	vld [tilespmem:s5+$0x4110]  }
0x1e3: {  	v22 =	vld [tilespmem:s5+$0x14120]  }
0x1e4: {  	v50 =	vld [tilespmem:s5+$0x4120]  }
0x1e5: {  	v51 =	vld [tilespmem:s5+$0x14130]  }
0x1e6: {  	v23 =	vld [tilespmem:s5+$0x140E0]  }
0x1e7: {  	v53 =	vld [tilespmem:s5+$0x14140]  }
0x1e8: {  	v0 =	vadd.f32 v1, v0;
	v1 =	vld [tilespmem:s5+$0x14030]  }
0x1e9: {  	v54 =	vld [tilespmem:s5+$0x4140]  }
0x1ea: {  	v55 =	vld [tilespmem:s5+$0x40E0]  }
0x1eb: {  	v56 =	vld [tilespmem:s5+$0x14150];
	v10 =	vadd.f32 v11, v10  }
0x1ec: {  	v46 =	vadd.f32 v13, v12;
	[tilespmem:s5+$0x14000] =	vst v0;
	v0 =	vadd.f32 v3, v2;
	v2 =	vld [tilespmem:s5+$0x14040]  }
0x1ed: {  	[tilespmem:s5+$0x14080] =	vst v10;
	v1 =	vadd.f32 v6, v1;
	v6 =	vld [tilespmem:s5+$0x40A0]  }
0x1ee: {  	v18 =	vadd.f32 v19, v18;
	v3 =	vld [tilespmem:s5+$0x4040];
	[tilespmem:s5+$0x14090] =	vst v46  }
0x1ef: {  	v52 =	vadd.f32 v21, v20;
	[tilespmem:s5+$0x14010] =	vst v0;
	v0 =	vadd.f32 v5, v4;
	v4 =	vld [tilespmem:s5+$0x14050]  }
0x1f0: {  	[tilespmem:s5+$0x14100] =	vst v18;
	v5 =	vld [tilespmem:s5+$0x4050]  }
0x1f1: {  	v57 =	vld [tilespmem:s5+$0x140F0];
	v7 =	vadd.f32 v8, v7;
	[tilespmem:s5+$0x14110] =	vst v52  }
0x1f2: {  	[tilespmem:s5+$0x14020] =	vst v0;
	v0 =	vld [tilespmem:s5+$0x14060];
	v6 =	vadd.f32 v6, v14  }
0x1f3: {  	v58 =	vld [tilespmem:s5+$0x14160];
	[tilespmem:s5+$0x141F0] =	vst v7  }
0x1f4: {  	v2 =	vadd.f32 v3, v2;
	[tilespmem:s5+$0x140A0] =	vst v6;
	v6 =	vld [tilespmem:s5+$0x4130]  }
0x1f5: {  	[tilespmem:s5+$0x14030] =	vst v1;
	v1 =	vld [tilespmem:s5+$0x40B0];
	v4 =	vadd.f32 v5, v4  }
0x1f6: {  	v59 =	vld [tilespmem:s5+$0x4160];
	[tilespmem:s5+$0x14040] =	vst v2;
	v14 =	vadd.f32 v50, v22  }
0x1f7: {  	v5 =	vld [tilespmem:s5+$0x14180];
	v0 =	vadd.f32 v9, v0;
	[tilespmem:s5+$0x14050] =	vst v4  }
0x1f8: {  	v2 =	vld [tilespmem:s5+$0x4180];
	v4 =	vadd.f32 v16, v15;
	[tilespmem:s5+$0x14120] =	vst v14  }
0x1f9: {  	v60 =	vld [tilespmem:s5+$0x4190];
	[tilespmem:s5+$0x14060] =	vst v0;
	v6 =	vadd.f32 v6, v51  }
0x1fa: {  	v7 =	vld [tilespmem:s5+$0x14190];
	v1 =	vadd.f32 v1, v45;
	[tilespmem:s5+$0x14070] =	vst v4  }
0x1fb: {  	v0 =	vadd.f32 v48, v47;
	[tilespmem:s5+$0x14130] =	vst v6;
	v6 =	vld [tilespmem:s5+$0x40F0]  }
0x1fc: {  	v61 =	vld [tilespmem:s5+$0x141A0];
	v4 =	vadd.f32 v17, v49;
	[tilespmem:s5+$0x140B0] =	vst v1  }
0x1fd: {  	v63 =	vld [tilespmem:s5+$0x4170];
	v2 =	vadd.f32 v2, v5;
	[tilespmem:s5+$0x140C0] =	vst v0  }
0x1fe: {  	v1 =	vld [tilespmem:s5+$0x4150];
	v0 =	vadd.f32 v55, v23;
	[tilespmem:s5+$0x140D0] =	vst v4  }
0x1ff: {  	v3 =	vld [tilespmem:s5+$0x14170];
	[tilespmem:s5+$0x14180] =	vst v2;
	v2 =	vadd.f32 v60, v7  }
0x200: {  	v62 =	vld [tilespmem:s5+$0x41A0];
	[tilespmem:s5+$0x140E0] =	vst v0;
	v0 =	vadd.f32 v6, v57  }
0x201: {  	v5 =	vld [tilespmem:s5+$0x41B0];
	[tilespmem:s5+$0x14190] =	vst v2;
	v6 =	vadd.f32 v54, v53  }
0x202: {  	v4 =	vld [tilespmem:s5+$0x141B0];
	v7 =	vadd.f32 v59, v58;
	[tilespmem:s5+$0x140F0] =	vst v0  }
0x203: {  	v0 =	vld [tilespmem:s5+$0x141C0];
	[tilespmem:s5+$0x14140] =	vst v6;
	v6 =	vadd.f32 v1, v56  }
0x204: {  	[tilespmem:s5+$0x14160] =	vst v7;
	v7 =	vadd.f32 v63, v3;
	v1 =	vld [tilespmem:s5+$0x41C0]  }
0x205: {  	v2 =	vld [tilespmem:s5+$0x141D0];
	[tilespmem:s5+$0x14150] =	vst v6;
	v6 =	vadd.f32 v62, v61  }
0x206: {  	v3 =	vld [tilespmem:s5+$0x41D0];
	[tilespmem:s5+$0x14170] =	vst v7  }
0x207: {  	s6 =	simm.s32 $0x0;
	s7 =	simm.s32 $0x800;
	v5 =	vadd.f32 v5, v4;
	v4 =	vld [tilespmem:s5+$0x141E0];
	[tilespmem:s5+$0x141A0] =	vst v6  }
.LBB2_8:
0x208: {  	s8 =	sshra.s32 s7, $0x2;
	v6 =	vld [tilespmem:s5+$0x41E0]  }
0x209: {  	s6 =	sadd.s32 $0x4, s6;
	v7 =	vld [tilespmem:s8+$0x141F0];
	[tilespmem:s5+$0x141B0] =	vst v5;
	v0 =	vadd.f32 v1, v0  }
0x20a: {  	p0 =	slt.u32 s6, $0x7C;
	v1 =	vld [tilespmem:s8+$0x41F0]  }
0x20b: {  	v5 =	vld [tilespmem:s8+$0x14000];
	[tilespmem:s5+$0x141C0] =	vst v0;
	v0 =	vadd.f32 v3, v2  }
0x20c: {  	v2 =	vld [tilespmem:s8+$0x4000]  }
0x20d: {  	v3 =	vld [tilespmem:s8+$0x14010];
	[tilespmem:s5+$0x141D0] =	vst v0;
	v0 =	vadd.f32 v6, v4  }
0x20e: {  	v4 =	vld [tilespmem:s8+$0x4010]  }
0x20f: {  	v6 =	vld [tilespmem:s8+$0x14020];
	v1 =	vadd.f32 v1, v7;
	[tilespmem:s5+$0x141E0] =	vst v0;
	s5 =	smov.u32 s8  }
0x210: {  	v0 =	vld [tilespmem:s5+$0x4020]  }
0x211: {  	v2 =	vadd.f32 v2, v5;
	v5 =	vld [tilespmem:s5+$0x14030];
	[tilespmem:s5+$0x141F0] =	vst v1  }
0x212: {  	v1 =	vld [tilespmem:s5+$0x4030]  }
0x213: {  	[tilespmem:s5+$0x14000] =	vst v2;
	v2 =	vadd.f32 v4, v3;
	v3 =	vld [tilespmem:s5+$0x14040]  }
0x214: {  	v4 =	vld [tilespmem:s5+$0x4040]  }
0x215: {  	[tilespmem:s5+$0x14010] =	vst v2;
	v0 =	vadd.f32 v0, v6;
	v2 =	vld [tilespmem:s5+$0x14050]  }
0x216: {  	v6 =	vld [tilespmem:s5+$0x4050]  }
0x217: {  	[tilespmem:s5+$0x14020] =	vst v0;
	v0 =	vadd.f32 v1, v5;
	v1 =	vld [tilespmem:s5+$0x14060]  }
0x218: {  	v5 =	vld [tilespmem:s5+$0x4060]  }
0x219: {  	[tilespmem:s5+$0x14030] =	vst v0;
	v0 =	vadd.f32 v4, v3;
	v3 =	vld [tilespmem:s5+$0x14070]  }
0x21a: {  	v4 =	vld [tilespmem:s5+$0x4070]  }
0x21b: {  	[tilespmem:s5+$0x14040] =	vst v0;
	v0 =	vadd.f32 v6, v2;
	v2 =	vld [tilespmem:s5+$0x14080]  }
0x21c: {  	v6 =	vld [tilespmem:s5+$0x4080]  }
0x21d: {  	[tilespmem:s5+$0x14050] =	vst v0;
	v0 =	vadd.f32 v5, v1;
	v1 =	vld [tilespmem:s5+$0x14090]  }
0x21e: {  	v5 =	vld [tilespmem:s5+$0x4090]  }
0x21f: {  	[tilespmem:s5+$0x14060] =	vst v0;
	v0 =	vadd.f32 v4, v3;
	v3 =	vld [tilespmem:s5+$0x140A0]  }
0x220: {  	v4 =	vld [tilespmem:s5+$0x40A0]  }
0x221: {  	[tilespmem:s5+$0x14070] =	vst v0;
	v0 =	vadd.f32 v6, v2;
	v2 =	vld [tilespmem:s5+$0x140B0]  }
0x222: {  	v6 =	vld [tilespmem:s5+$0x40B0]  }
0x223: {  	[tilespmem:s5+$0x14080] =	vst v0;
	v0 =	vadd.f32 v5, v1;
	v1 =	vld [tilespmem:s5+$0x140C0]  }
0x224: {  	v5 =	vld [tilespmem:s5+$0x40C0]  }
0x225: {  	[tilespmem:s5+$0x14090] =	vst v0;
	v0 =	vadd.f32 v4, v3;
	v3 =	vld [tilespmem:s5+$0x140D0]  }
0x226: {  	v4 =	vld [tilespmem:s5+$0x40D0]  }
0x227: {  	[tilespmem:s5+$0x140A0] =	vst v0;
	v0 =	vadd.f32 v6, v2;
	v2 =	vld [tilespmem:s5+$0x140E0]  }
0x228: {  	v6 =	vld [tilespmem:s5+$0x40E0]  }
0x229: {  	[tilespmem:s5+$0x140B0] =	vst v0;
	v0 =	vadd.f32 v5, v1;
	v1 =	vld [tilespmem:s5+$0x140F0]  }
0x22a: {  	v5 =	vld [tilespmem:s5+$0x40F0]  }
0x22b: {  	[tilespmem:s5+$0x140C0] =	vst v0;
	v0 =	vadd.f32 v4, v3;
	v3 =	vld [tilespmem:s5+$0x14100]  }
0x22c: {  	v4 =	vld [tilespmem:s5+$0x4100]  }
0x22d: {  	[tilespmem:s5+$0x140D0] =	vst v0;
	v0 =	vadd.f32 v6, v2;
	v2 =	vld [tilespmem:s5+$0x14110]  }
0x22e: {  	v6 =	vld [tilespmem:s5+$0x4110]  }
0x22f: {  	[tilespmem:s5+$0x140E0] =	vst v0;
	v0 =	vadd.f32 v5, v1;
	v1 =	vld [tilespmem:s5+$0x14120]  }
0x230: {  	v5 =	vld [tilespmem:s5+$0x4120]  }
0x231: {  	[tilespmem:s5+$0x140F0] =	vst v0;
	v0 =	vadd.f32 v4, v3;
	v3 =	vld [tilespmem:s5+$0x14130]  }
0x232: {  	v4 =	vld [tilespmem:s5+$0x4130]  }
0x233: {  	[tilespmem:s5+$0x14100] =	vst v0;
	v0 =	vadd.f32 v6, v2;
	v2 =	vld [tilespmem:s5+$0x14140]  }
0x234: {  	v6 =	vld [tilespmem:s5+$0x4140]  }
0x235: {  	[tilespmem:s5+$0x14110] =	vst v0;
	v0 =	vadd.f32 v5, v1;
	v1 =	vld [tilespmem:s5+$0x14150]  }
0x236: {  	v5 =	vld [tilespmem:s5+$0x4150]  }
0x237: {  	[tilespmem:s5+$0x14120] =	vst v0;
	v0 =	vadd.f32 v4, v3;
	v3 =	vld [tilespmem:s5+$0x14160]  }
0x238: {  	v4 =	vld [tilespmem:s5+$0x4160]  }
0x239: {  	[tilespmem:s5+$0x14130] =	vst v0;
	v0 =	vadd.f32 v6, v2;
	v2 =	vld [tilespmem:s5+$0x14170]  }
0x23a: {  	v6 =	vld [tilespmem:s5+$0x4170]  }
0x23b: {  	[tilespmem:s5+$0x14140] =	vst v0;
	v0 =	vadd.f32 v5, v1;
	v1 =	vld [tilespmem:s5+$0x14180]  }
0x23c: {  	v5 =	vld [tilespmem:s5+$0x4180]  }
0x23d: {  	[tilespmem:s5+$0x14150] =	vst v0;
	v0 =	vadd.f32 v4, v3;
	v3 =	vld [tilespmem:s5+$0x14190]  }
0x23e: {  	v4 =	vld [tilespmem:s5+$0x4190]  }
0x23f: {  	[tilespmem:s5+$0x14160] =	vst v0;
	v0 =	vadd.f32 v6, v2;
	v2 =	vld [tilespmem:s5+$0x141A0]  }
0x240: {  	v6 =	vld [tilespmem:s5+$0x41A0]  }
0x241: {  	[tilespmem:s5+$0x14170] =	vst v0;
	v0 =	vadd.f32 v5, v1;
	v5 =	vld [tilespmem:s5+$0x141B0]  }
0x242: {  	v7 =	vld [tilespmem:s5+$0x41B0]  }
.Ltmp3:
0x243: {  	[tilespmem:s5+$0x14180] =	vst v0;
	v3 =	vadd.f32 v4, v3;
	v0 =	vld [tilespmem:s5+$0x141C0];
	(pc) =	sbr.rel @p0 .LBB2_8-.Ltmp3, $4  }
0x244: {  	v1 =	vld [tilespmem:s5+$0x41C0]  }
0x245: {  	[tilespmem:s5+$0x14190] =	vst v3;
	v4 =	vadd.f32 v6, v2;
	v2 =	vld [tilespmem:s5+$0x141D0]  }
0x246: {  	v3 =	vld [tilespmem:s5+$0x41D0]  }
0x247: {  	s7 =	sadd.s32 $0x800, s7;
	[tilespmem:s5+$0x141A0] =	vst v4;
	v5 =	vadd.f32 v7, v5;
	v4 =	vld [tilespmem:s5+$0x141E0]  }
0x248: {  	v6 =	vld [tilespmem:s5+$0x41E0];
	_ =	sdelay $0x2  }
0x249: {  	v0 =	vadd.f32 v1, v0  }
0x24a: {  	[tilespmem:s5+$0x141B0] =	vst v5;
	v1 =	vadd.f32 v3, v2  }
0x24b: {  	[tilespmem:s5+$0x141C0] =	vst v0;
	v0 =	vadd.f32 v6, v4  }
0x24c: {  	[tilespmem:s5+$0x141D0] =	vst v1  }
0x24d: {  	[tilespmem:s5+$0x141E0] =	vst v0  }
0x24e: {  	[hbm4b:s12+s2] =	stream.linear.scatter [tilespmem:s28], [sflag:$0x8], $0x4000, $0x38;
	[tilespmem:$0x18000] =	vst v63  }
0x24f: {  	_ =	swait.ge [sflag:s0], $0x4000  }
0x250: {  	[sflag:s0] =	ssyncset.done $0x0  }
0x251: {  	[sflag:s0] =	ssyncadd.s32 $0xFFFFC000  }
0x252: {  	[tilespmem:s23], [sflag:$0x2] =	stream.linear.gather [hbm4b:s13+s2], $0x4000, $0x38;
	[tilespmem:$0x18000] =	vst v63  }
0x253: {  	_ =	swait.ge [sflag:s24], $0x4000  }
0x254: {  	[sflag:s24] =	ssyncset.done $0x0  }
0x255: {  	s5 =	simm.s32 $0x8100;
	[sflag:s24] =	ssyncadd.s32 $0xFFFFC000  }
0x256: {  	s6 =	simm.s32 $0x100;
	v0 =	vld [tilespmem:s5+$0x80]  }
0x257: {  	v1 =	vld [tilespmem:s6+$0x80]  }
0x258: {  	v2 =	vld [tilespmem:s5+$0xFFFFFF80]  }
0x259: {  	v3 =	vld [tilespmem:s6+$0xFFFFFF80]  }
0x25a: {  	v4 =	vld [tilespmem:s5+$0x0]  }
0x25b: {  	v5 =	vld [tilespmem:s6+$0x0]  }
0x25c: {  	v6 =	vld [tilespmem:s5+$0xFFFFFF00];
	v0 =	vadd.f32 v1, v0  }
0x25d: {  	v1 =	vld [tilespmem:s6+$0xFFFFFF00]  }
0x25e: {  	[tilespmem:s5+$0x80] =	vst v0;
	v0 =	vld [tilespmem:s5+$0x90]  }
0x25f: {  	v2 =	vadd.f32 v3, v2;
	v3 =	vld [tilespmem:s6+$0x90]  }
0x260: {  	v7 =	vld [tilespmem:s5+$0xFFFFFF10]  }
0x261: {  	[tilespmem:s5+$0xFFFFFF80] =	vst v2;
	v2 =	vadd.f32 v5, v4;
	v4 =	vld [tilespmem:s5+$0xFFFFFF90]  }
0x262: {  	v5 =	vld [tilespmem:s6+$0xFFFFFF90];
	v1 =	vadd.f32 v1, v6  }
0x263: {  	[tilespmem:s5+$0x0] =	vst v2;
	v2 =	vld [tilespmem:s5+$0x10]  }
0x264: {  	v6 =	vld [tilespmem:s6+$0x10];
	[tilespmem:s5+$0xFFFFFF00] =	vst v1;
	v0 =	vadd.f32 v3, v0  }
0x265: {  	v1 =	vld [tilespmem:s6+$0xFFFFFF10]  }
0x266: {  	[tilespmem:s5+$0x90] =	vst v0;
	v0 =	vld [tilespmem:s5+$0xA0]  }
0x267: {  	v3 =	vadd.f32 v5, v4;
	v4 =	vld [tilespmem:s6+$0xA0]  }
0x268: {  	v5 =	vld [tilespmem:s5+$0xFFFFFF20]  }
0x269: {  	[tilespmem:s5+$0xFFFFFF90] =	vst v3;
	v2 =	vadd.f32 v6, v2;
	v3 =	vld [tilespmem:s5+$0xFFFFFFA0]  }
0x26a: {  	v6 =	vld [tilespmem:s6+$0xFFFFFFA0];
	v1 =	vadd.f32 v1, v7  }
0x26b: {  	[tilespmem:s5+$0x10] =	vst v2;
	v2 =	vld [tilespmem:s5+$0x20]  }
0x26c: {  	v7 =	vld [tilespmem:s6+$0x20];
	[tilespmem:s5+$0xFFFFFF10] =	vst v1;
	v0 =	vadd.f32 v4, v0  }
0x26d: {  	v1 =	vld [tilespmem:s6+$0xFFFFFF20]  }
0x26e: {  	[tilespmem:s5+$0xA0] =	vst v0;
	v0 =	vld [tilespmem:s5+$0xB0]  }
0x26f: {  	v3 =	vadd.f32 v6, v3;
	v4 =	vld [tilespmem:s6+$0xB0]  }
0x270: {  	v6 =	vld [tilespmem:s5+$0xFFFFFF30]  }
0x271: {  	[tilespmem:s5+$0xFFFFFFA0] =	vst v3;
	v2 =	vadd.f32 v7, v2;
	v3 =	vld [tilespmem:s5+$0xFFFFFFB0]  }
0x272: {  	v7 =	vld [tilespmem:s6+$0xFFFFFFB0];
	v1 =	vadd.f32 v1, v5  }
0x273: {  	[tilespmem:s5+$0x20] =	vst v2;
	v2 =	vld [tilespmem:s5+$0x30]  }
0x274: {  	v5 =	vld [tilespmem:s6+$0x30];
	[tilespmem:s5+$0xFFFFFF20] =	vst v1;
	v0 =	vadd.f32 v4, v0  }
0x275: {  	v1 =	vld [tilespmem:s6+$0xFFFFFF30]  }
0x276: {  	[tilespmem:s5+$0xB0] =	vst v0;
	v0 =	vld [tilespmem:s5+$0xC0]  }
0x277: {  	v3 =	vadd.f32 v7, v3;
	v4 =	vld [tilespmem:s6+$0xC0]  }
0x278: {  	v7 =	vld [tilespmem:s5+$0xFFFFFF40]  }
0x279: {  	[tilespmem:s5+$0xFFFFFFB0] =	vst v3;
	v2 =	vadd.f32 v5, v2;
	v3 =	vld [tilespmem:s5+$0xFFFFFFC0]  }
0x27a: {  	v5 =	vld [tilespmem:s6+$0xFFFFFFC0];
	v1 =	vadd.f32 v1, v6  }
0x27b: {  	[tilespmem:s5+$0x30] =	vst v2;
	v2 =	vld [tilespmem:s5+$0x40]  }
0x27c: {  	v6 =	vld [tilespmem:s6+$0x40];
	[tilespmem:s5+$0xFFFFFF30] =	vst v1;
	v0 =	vadd.f32 v4, v0  }
0x27d: {  	v1 =	vld [tilespmem:s6+$0xFFFFFF40]  }
0x27e: {  	[tilespmem:s5+$0xC0] =	vst v0;
	v0 =	vld [tilespmem:s5+$0xD0]  }
0x27f: {  	v3 =	vadd.f32 v5, v3;
	v4 =	vld [tilespmem:s6+$0xD0]  }
0x280: {  	v5 =	vld [tilespmem:s5+$0xFFFFFF50]  }
0x281: {  	[tilespmem:s5+$0xFFFFFFC0] =	vst v3;
	v2 =	vadd.f32 v6, v2;
	v3 =	vld [tilespmem:s5+$0xFFFFFFD0]  }
0x282: {  	v6 =	vld [tilespmem:s6+$0xFFFFFFD0];
	v1 =	vadd.f32 v1, v7  }
0x283: {  	[tilespmem:s5+$0x40] =	vst v2;
	v2 =	vld [tilespmem:s5+$0x50]  }
0x284: {  	v7 =	vld [tilespmem:s6+$0x50];
	[tilespmem:s5+$0xFFFFFF40] =	vst v1;
	v0 =	vadd.f32 v4, v0  }
0x285: {  	v1 =	vld [tilespmem:s6+$0xFFFFFF50]  }
0x286: {  	[tilespmem:s5+$0xD0] =	vst v0;
	v0 =	vld [tilespmem:s5+$0xE0]  }
0x287: {  	v3 =	vadd.f32 v6, v3;
	v4 =	vld [tilespmem:s6+$0xE0]  }
0x288: {  	v6 =	vld [tilespmem:s5+$0xFFFFFF60]  }
0x289: {  	[tilespmem:s5+$0xFFFFFFD0] =	vst v3;
	v2 =	vadd.f32 v7, v2;
	v3 =	vld [tilespmem:s5+$0xFFFFFFE0]  }
0x28a: {  	v7 =	vld [tilespmem:s6+$0xFFFFFFE0];
	v1 =	vadd.f32 v1, v5  }
0x28b: {  	[tilespmem:s5+$0x50] =	vst v2;
	v2 =	vld [tilespmem:s5+$0x60]  }
0x28c: {  	v5 =	vld [tilespmem:s6+$0x60];
	[tilespmem:s5+$0xFFFFFF50] =	vst v1;
	v0 =	vadd.f32 v4, v0  }
0x28d: {  	v4 =	vld [tilespmem:s6+$0xFFFFFF60]  }
0x28e: {  	v8 =	vld [tilespmem:s5+$0xF0];
	[tilespmem:s5+$0xE0] =	vst v0  }
0x28f: {  	v1 =	vadd.f32 v7, v3;
	v7 =	vld [tilespmem:s6+$0xF0]  }
0x290: {  	v0 =	vld [tilespmem:s5+$0xFFFFFF70]  }
0x291: {  	[tilespmem:s5+$0xFFFFFFE0] =	vst v1;
	v2 =	vadd.f32 v5, v2;
	v1 =	vld [tilespmem:s5+$0xFFFFFFF0]  }
0x292: {  	v3 =	vld [tilespmem:s6+$0xFFFFFFF0];
	v4 =	vadd.f32 v4, v6  }
0x293: {  	[tilespmem:s5+$0x60] =	vst v2;
	v2 =	vld [tilespmem:s5+$0x70]  }
0x294: {  	[tilespmem:s5+$0xFFFFFF60] =	vst v4;
	v4 =	vld [tilespmem:s6+$0x70];
	v6 =	vadd.f32 v7, v8  }
0x295: {  	s7 =	simm.s32 $0x0;
	s8 =	simm.s32 $0x8300;
	v5 =	vld [tilespmem:s6+$0xFFFFFF70]  }
.LBB2_10:
0x296: {  	v7 =	vld [tilespmem:s8+$0x80];
	[tilespmem:s5+$0xF0] =	vst v6;
	s6 =	sadd.s32 $0x200, s6  }
0x297: {  	s7 =	sadd.s32 $0x4, s7;
	v6 =	vld [tilespmem:s6+$0x80];
	v1 =	vadd.f32 v3, v1  }
0x298: {  	p0 =	slt.u32 s7, $0x7C;
	v3 =	vld [tilespmem:s6+$0xFFFFFF00]  }
0x299: {  	v8 =	vld [tilespmem:s8+$0xFFFFFF80];
	[tilespmem:s5+$0xFFFFFFF0] =	vst v1;
	v1 =	vadd.f32 v4, v2  }
0x29a: {  	v2 =	vld [tilespmem:s6+$0xFFFFFF80];
	v0 =	vadd.f32 v5, v0  }
0x29b: {  	v4 =	vld [tilespmem:s8+$0x0];
	[tilespmem:s5+$0x70] =	vst v1  }
0x29c: {  	v1 =	vld [tilespmem:s6+$0x0];
	v5 =	vadd.f32 v6, v7;
	[tilespmem:s5+$0xFFFFFF70] =	vst v0;
	s5 =	smov.u32 s8  }
0x29d: {  	v0 =	vld [tilespmem:s8+$0xFFFFFF00]  }
0x29e: {  	[tilespmem:s8+$0x80] =	vst v5;
	v5 =	vld [tilespmem:s8+$0x90]  }
0x29f: {  	v2 =	vadd.f32 v2, v8;
	v6 =	vld [tilespmem:s6+$0x90]  }
0x2a0: {  	v7 =	vld [tilespmem:s8+$0xFFFFFF10]  }
0x2a1: {  	[tilespmem:s8+$0xFFFFFF80] =	vst v2;
	v2 =	vld [tilespmem:s8+$0xFFFFFF90];
	v1 =	vadd.f32 v1, v4  }
0x2a2: {  	v0 =	vadd.f32 v3, v0;
	v3 =	vld [tilespmem:s6+$0xFFFFFF90]  }
0x2a3: {  	[tilespmem:s8+$0x0] =	vst v1;
	v1 =	vld [tilespmem:s8+$0x10]  }
0x2a4: {  	[tilespmem:s8+$0xFFFFFF00] =	vst v0;
	v0 =	vld [tilespmem:s6+$0x10];
	v4 =	vadd.f32 v6, v5  }
0x2a5: {  	v5 =	vld [tilespmem:s6+$0xFFFFFF10]  }
0x2a6: {  	[tilespmem:s8+$0x90] =	vst v4;
	v4 =	vld [tilespmem:s8+$0xA0]  }
0x2a7: {  	v2 =	vadd.f32 v3, v2;
	v3 =	vld [tilespmem:s6+$0xA0]  }
0x2a8: {  	v6 =	vld [tilespmem:s8+$0xFFFFFF20]  }
0x2a9: {  	[tilespmem:s8+$0xFFFFFF90] =	vst v2;
	v2 =	vld [tilespmem:s8+$0xFFFFFFA0];
	v0 =	vadd.f32 v0, v1  }
0x2aa: {  	v1 =	vadd.f32 v5, v7;
	v5 =	vld [tilespmem:s6+$0xFFFFFFA0]  }
0x2ab: {  	[tilespmem:s8+$0x10] =	vst v0;
	v0 =	vld [tilespmem:s8+$0x20]  }
0x2ac: {  	[tilespmem:s8+$0xFFFFFF10] =	vst v1;
	v1 =	vld [tilespmem:s6+$0x20];
	v3 =	vadd.f32 v3, v4  }
0x2ad: {  	v4 =	vld [tilespmem:s6+$0xFFFFFF20]  }
0x2ae: {  	[tilespmem:s8+$0xA0] =	vst v3;
	v3 =	vld [tilespmem:s8+$0xB0]  }
0x2af: {  	v2 =	vadd.f32 v5, v2;
	v5 =	vld [tilespmem:s6+$0xB0]  }
0x2b0: {  	v7 =	vld [tilespmem:s8+$0xFFFFFF30]  }
0x2b1: {  	[tilespmem:s8+$0xFFFFFFA0] =	vst v2;
	v2 =	vld [tilespmem:s8+$0xFFFFFFB0];
	v0 =	vadd.f32 v1, v0  }
0x2b2: {  	v1 =	vadd.f32 v4, v6;
	v4 =	vld [tilespmem:s6+$0xFFFFFFB0]  }
0x2b3: {  	[tilespmem:s8+$0x20] =	vst v0;
	v0 =	vld [tilespmem:s8+$0x30]  }
0x2b4: {  	[tilespmem:s8+$0xFFFFFF20] =	vst v1;
	v1 =	vld [tilespmem:s6+$0x30];
	v3 =	vadd.f32 v5, v3  }
0x2b5: {  	v5 =	vld [tilespmem:s6+$0xFFFFFF30]  }
0x2b6: {  	[tilespmem:s8+$0xB0] =	vst v3;
	v3 =	vld [tilespmem:s8+$0xC0]  }
0x2b7: {  	v2 =	vadd.f32 v4, v2;
	v4 =	vld [tilespmem:s6+$0xC0]  }
0x2b8: {  	v6 =	vld [tilespmem:s8+$0xFFFFFF40]  }
0x2b9: {  	[tilespmem:s8+$0xFFFFFFB0] =	vst v2;
	v2 =	vld [tilespmem:s8+$0xFFFFFFC0];
	v0 =	vadd.f32 v1, v0  }
0x2ba: {  	v1 =	vadd.f32 v5, v7;
	v5 =	vld [tilespmem:s6+$0xFFFFFFC0]  }
0x2bb: {  	[tilespmem:s8+$0x30] =	vst v0;
	v0 =	vld [tilespmem:s8+$0x40]  }
0x2bc: {  	[tilespmem:s8+$0xFFFFFF30] =	vst v1;
	v1 =	vld [tilespmem:s6+$0x40];
	v3 =	vadd.f32 v4, v3  }
0x2bd: {  	v4 =	vld [tilespmem:s6+$0xFFFFFF40]  }
0x2be: {  	[tilespmem:s8+$0xC0] =	vst v3;
	v3 =	vld [tilespmem:s8+$0xD0]  }
0x2bf: {  	v2 =	vadd.f32 v5, v2;
	v5 =	vld [tilespmem:s6+$0xD0]  }
0x2c0: {  	v7 =	vld [tilespmem:s8+$0xFFFFFF50]  }
0x2c1: {  	[tilespmem:s8+$0xFFFFFFC0] =	vst v2;
	v2 =	vld [tilespmem:s8+$0xFFFFFFD0];
	v0 =	vadd.f32 v1, v0  }
0x2c2: {  	v1 =	vadd.f32 v4, v6;
	v4 =	vld [tilespmem:s6+$0xFFFFFFD0]  }
0x2c3: {  	[tilespmem:s8+$0x40] =	vst v0;
	v0 =	vld [tilespmem:s8+$0x50]  }
0x2c4: {  	[tilespmem:s8+$0xFFFFFF40] =	vst v1;
	v1 =	vld [tilespmem:s6+$0x50];
	v3 =	vadd.f32 v5, v3  }
0x2c5: {  	v5 =	vld [tilespmem:s6+$0xFFFFFF50]  }
0x2c6: {  	[tilespmem:s8+$0xD0] =	vst v3;
	v3 =	vld [tilespmem:s8+$0xE0]  }
0x2c7: {  	v2 =	vadd.f32 v4, v2;
	v4 =	vld [tilespmem:s6+$0xE0]  }
0x2c8: {  	v6 =	vld [tilespmem:s8+$0xFFFFFF60]  }
0x2c9: {  	[tilespmem:s8+$0xFFFFFFD0] =	vst v2;
	v2 =	vld [tilespmem:s8+$0xFFFFFFE0];
	v0 =	vadd.f32 v1, v0  }
0x2ca: {  	v1 =	vadd.f32 v5, v7;
	v5 =	vld [tilespmem:s6+$0xFFFFFFE0]  }
0x2cb: {  	[tilespmem:s8+$0x50] =	vst v0;
	v7 =	vld [tilespmem:s8+$0x60]  }
0x2cc: {  	[tilespmem:s8+$0xFFFFFF50] =	vst v1;
	v8 =	vld [tilespmem:s6+$0x60];
	v0 =	vadd.f32 v4, v3  }
0x2cd: {  	v3 =	vld [tilespmem:s6+$0xFFFFFF60]  }
0x2ce: {  	[tilespmem:s8+$0xE0] =	vst v0;
	v9 =	vld [tilespmem:s8+$0xF0]  }
0x2cf: {  	v1 =	vadd.f32 v5, v2;
	v5 =	vld [tilespmem:s6+$0xF0]  }
0x2d0: {  	v0 =	vld [tilespmem:s8+$0xFFFFFF70]  }
.Ltmp4:
0x2d1: {  	[tilespmem:s8+$0xFFFFFFE0] =	vst v1;
	v1 =	vld [tilespmem:s8+$0xFFFFFFF0];
	v2 =	vadd.f32 v8, v7;
	(pc) =	sbr.rel @p0 .LBB2_10-.Ltmp4, $4  }
0x2d2: {  	v4 =	vadd.f32 v3, v6;
	v3 =	vld [tilespmem:s6+$0xFFFFFFF0]  }
0x2d3: {  	[tilespmem:s8+$0x60] =	vst v2;
	v2 =	vld [tilespmem:s8+$0x70]  }
0x2d4: {  	[tilespmem:s8+$0xFFFFFF60] =	vst v4;
	v4 =	vld [tilespmem:s6+$0x70];
	v6 =	vadd.f32 v5, v9  }
0x2d5: {  	s8 =	sadd.s32 $0x200, s8;
	v5 =	vld [tilespmem:s6+$0xFFFFFF70]  }
0x2d6: {  	_ =	sdelay $0x1  }
0x2d7: {  	v1 =	vadd.f32 v3, v1  }
0x2d8: {  	[tilespmem:s5+$0xF0] =	vst v6;
	v2 =	vadd.f32 v4, v2  }
0x2d9: {  	[tilespmem:s5+$0xFFFFFFF0] =	vst v1;
	v0 =	vadd.f32 v5, v0  }
0x2da: {  	[tilespmem:s5+$0x70] =	vst v2  }
0x2db: {  	s8 =	simm.s32 $0x0;
	[tilespmem:s5+$0xFFFFFF70] =	vst v0  }
0x2dc: {  	[hbm4b:s14+s8] =	stream.linear.scatter [tilespmem:s21], [sflag:$0x5], $0x4000, $0x38;
	[tilespmem:$0x18000] =	vst v63  }
0x2dd: {  	_ =	swait.ge [sflag:s1], $0x4000  }
0x2de: {  	[sflag:s1] =	ssyncset.done $0x0  }
0x2df: {  	[sflag:s1] =	ssyncadd.s32 $0xFFFFC000  }
0x2e0: {  	[tilespmem:s25], [sflag:$0x3] =	stream.linear.gather [hbm4b:s15+s8], $0x4000, $0x38;
	[tilespmem:$0x18000] =	vst v63  }
0x2e1: {  	_ =	swait.ge [sflag:s26], $0x4000  }
0x2e2: {  	[sflag:s26] =	ssyncset.done $0x0  }
0x2e3: {  	s5 =	simm.s32 $0x0;
	[sflag:s26] =	ssyncadd.s32 $0xFFFFC000  }
0x2e4: {  	v0 =	vld [tilespmem:s5+$0xC000]  }
0x2e5: {  	v1 =	vld [tilespmem:s5+$0x4000]  }
0x2e6: {  	v2 =	vld [tilespmem:s5+$0xC010]  }
0x2e7: {  	v3 =	vld [tilespmem:s5+$0x4010]  }
0x2e8: {  	v4 =	vld [tilespmem:s5+$0xC020]  }
0x2e9: {  	v5 =	vld [tilespmem:s5+$0x4020]  }
0x2ea: {  	v6 =	vld [tilespmem:s5+$0x4030]  }
0x2eb: {  	v7 =	vld [tilespmem:s5+$0xC1F0]  }
0x2ec: {  	v8 =	vld [tilespmem:s5+$0x41F0]  }
0x2ed: {  	v9 =	vld [tilespmem:s5+$0x4060]  }
0x2ee: {  	v10 =	vld [tilespmem:s5+$0xC080]  }
0x2ef: {  	v11 =	vld [tilespmem:s5+$0x4080]  }
0x2f0: {  	v12 =	vld [tilespmem:s5+$0xC090]  }
0x2f1: {  	v13 =	vld [tilespmem:s5+$0x4090]  }
0x2f2: {  	v14 =	vld [tilespmem:s5+$0xC0A0]  }
0x2f3: {  	v45 =	vld [tilespmem:s5+$0xC0B0]  }
0x2f4: {  	v15 =	vld [tilespmem:s5+$0xC070]  }
0x2f5: {  	v47 =	vld [tilespmem:s5+$0xC0C0]  }
0x2f6: {  	v48 =	vld [tilespmem:s5+$0x40C0]  }
0x2f7: {  	v16 =	vld [tilespmem:s5+$0x4070]  }
0x2f8: {  	v49 =	vld [tilespmem:s5+$0xC0D0]  }
0x2f9: {  	v17 =	vld [tilespmem:s5+$0x40D0]  }
0x2fa: {  	v18 =	vld [tilespmem:s5+$0xC100]  }
0x2fb: {  	v19 =	vld [tilespmem:s5+$0x4100]  }
0x2fc: {  	v20 =	vld [tilespmem:s5+$0xC110]  }
0x2fd: {  	v21 =	vld [tilespmem:s5+$0x4110]  }
0x2fe: {  	v22 =	vld [tilespmem:s5+$0xC120]  }
0x2ff: {  	v50 =	vld [tilespmem:s5+$0x4120]  }
0x300: {  	v51 =	vld [tilespmem:s5+$0xC130]  }
0x301: {  	v23 =	vld [tilespmem:s5+$0xC0E0]  }
0x302: {  	v53 =	vld [tilespmem:s5+$0xC140]  }
0x303: {  	v0 =	vadd.f32 v1, v0;
	v1 =	vld [tilespmem:s5+$0xC030]  }
0x304: {  	v54 =	vld [tilespmem:s5+$0x4140]  }
0x305: {  	v55 =	vld [tilespmem:s5+$0x40E0]  }
0x306: {  	v56 =	vld [tilespmem:s5+$0xC150];
	v10 =	vadd.f32 v11, v10  }
0x307: {  	v46 =	vadd.f32 v13, v12;
	[tilespmem:s5+$0xC000] =	vst v0;
	v0 =	vadd.f32 v3, v2;
	v2 =	vld [tilespmem:s5+$0xC040]  }
0x308: {  	[tilespmem:s5+$0xC080] =	vst v10;
	v1 =	vadd.f32 v6, v1;
	v6 =	vld [tilespmem:s5+$0x40A0]  }
0x309: {  	v18 =	vadd.f32 v19, v18;
	v3 =	vld [tilespmem:s5+$0x4040];
	[tilespmem:s5+$0xC090] =	vst v46  }
0x30a: {  	v52 =	vadd.f32 v21, v20;
	[tilespmem:s5+$0xC010] =	vst v0;
	v0 =	vadd.f32 v5, v4;
	v4 =	vld [tilespmem:s5+$0xC050]  }
0x30b: {  	[tilespmem:s5+$0xC100] =	vst v18;
	v5 =	vld [tilespmem:s5+$0x4050]  }
0x30c: {  	v57 =	vld [tilespmem:s5+$0xC0F0];
	v7 =	vadd.f32 v8, v7;
	[tilespmem:s5+$0xC110] =	vst v52  }
0x30d: {  	[tilespmem:s5+$0xC020] =	vst v0;
	v0 =	vld [tilespmem:s5+$0xC060];
	v6 =	vadd.f32 v6, v14  }
0x30e: {  	v58 =	vld [tilespmem:s5+$0xC160];
	[tilespmem:s5+$0xC1F0] =	vst v7  }
0x30f: {  	v2 =	vadd.f32 v3, v2;
	[tilespmem:s5+$0xC0A0] =	vst v6;
	v6 =	vld [tilespmem:s5+$0x4130]  }
0x310: {  	[tilespmem:s5+$0xC030] =	vst v1;
	v1 =	vld [tilespmem:s5+$0x40B0];
	v4 =	vadd.f32 v5, v4  }
0x311: {  	v59 =	vld [tilespmem:s5+$0x4160];
	[tilespmem:s5+$0xC040] =	vst v2;
	v14 =	vadd.f32 v50, v22  }
0x312: {  	v5 =	vld [tilespmem:s5+$0xC180];
	v0 =	vadd.f32 v9, v0;
	[tilespmem:s5+$0xC050] =	vst v4  }
0x313: {  	v2 =	vld [tilespmem:s5+$0x4180];
	v4 =	vadd.f32 v16, v15;
	[tilespmem:s5+$0xC120] =	vst v14  }
0x314: {  	v60 =	vld [tilespmem:s5+$0x4190];
	[tilespmem:s5+$0xC060] =	vst v0;
	v6 =	vadd.f32 v6, v51  }
0x315: {  	v7 =	vld [tilespmem:s5+$0xC190];
	v1 =	vadd.f32 v1, v45;
	[tilespmem:s5+$0xC070] =	vst v4  }
0x316: {  	v0 =	vadd.f32 v48, v47;
	[tilespmem:s5+$0xC130] =	vst v6;
	v6 =	vld [tilespmem:s5+$0x40F0]  }
0x317: {  	v61 =	vld [tilespmem:s5+$0xC1A0];
	v4 =	vadd.f32 v17, v49;
	[tilespmem:s5+$0xC0B0] =	vst v1  }
0x318: {  	v63 =	vld [tilespmem:s5+$0x4170];
	v2 =	vadd.f32 v2, v5;
	[tilespmem:s5+$0xC0C0] =	vst v0  }
0x319: {  	v1 =	vld [tilespmem:s5+$0x4150];
	v0 =	vadd.f32 v55, v23;
	[tilespmem:s5+$0xC0D0] =	vst v4  }
0x31a: {  	v3 =	vld [tilespmem:s5+$0xC170];
	[tilespmem:s5+$0xC180] =	vst v2;
	v2 =	vadd.f32 v60, v7  }
0x31b: {  	v62 =	vld [tilespmem:s5+$0x41A0];
	[tilespmem:s5+$0xC0E0] =	vst v0;
	v0 =	vadd.f32 v6, v57  }
0x31c: {  	v5 =	vld [tilespmem:s5+$0x41B0];
	[tilespmem:s5+$0xC190] =	vst v2;
	v6 =	vadd.f32 v54, v53  }
0x31d: {  	v4 =	vld [tilespmem:s5+$0xC1B0];
	v7 =	vadd.f32 v59, v58;
	[tilespmem:s5+$0xC0F0] =	vst v0  }
0x31e: {  	v0 =	vld [tilespmem:s5+$0xC1C0];
	[tilespmem:s5+$0xC140] =	vst v6;
	v6 =	vadd.f32 v1, v56  }
0x31f: {  	[tilespmem:s5+$0xC160] =	vst v7;
	v7 =	vadd.f32 v63, v3;
	v1 =	vld [tilespmem:s5+$0x41C0]  }
0x320: {  	v2 =	vld [tilespmem:s5+$0xC1D0];
	[tilespmem:s5+$0xC150] =	vst v6;
	v6 =	vadd.f32 v62, v61  }
0x321: {  	v3 =	vld [tilespmem:s5+$0x41D0];
	[tilespmem:s5+$0xC170] =	vst v7  }
0x322: {  	s6 =	simm.s32 $0x0;
	s7 =	simm.s32 $0x800;
	v5 =	vadd.f32 v5, v4;
	v4 =	vld [tilespmem:s5+$0xC1E0];
	[tilespmem:s5+$0xC1A0] =	vst v6  }
.LBB2_12:
0x323: {  	s8 =	sshra.s32 s7, $0x2;
	v6 =	vld [tilespmem:s5+$0x41E0]  }
0x324: {  	s6 =	sadd.s32 $0x4, s6;
	v7 =	vld [tilespmem:s8+$0xC1F0];
	[tilespmem:s5+$0xC1B0] =	vst v5;
	v0 =	vadd.f32 v1, v0  }
0x325: {  	p0 =	slt.u32 s6, $0x7C;
	v1 =	vld [tilespmem:s8+$0x41F0]  }
0x326: {  	v5 =	vld [tilespmem:s8+$0xC000];
	[tilespmem:s5+$0xC1C0] =	vst v0;
	v0 =	vadd.f32 v3, v2  }
0x327: {  	v2 =	vld [tilespmem:s8+$0x4000]  }
0x328: {  	v3 =	vld [tilespmem:s8+$0xC010];
	[tilespmem:s5+$0xC1D0] =	vst v0;
	v0 =	vadd.f32 v6, v4  }
0x329: {  	v4 =	vld [tilespmem:s8+$0x4010]  }
0x32a: {  	v6 =	vld [tilespmem:s8+$0xC020];
	v1 =	vadd.f32 v1, v7;
	[tilespmem:s5+$0xC1E0] =	vst v0;
	s5 =	smov.u32 s8  }
0x32b: {  	v0 =	vld [tilespmem:s5+$0x4020]  }
0x32c: {  	v2 =	vadd.f32 v2, v5;
	v5 =	vld [tilespmem:s5+$0xC030];
	[tilespmem:s5+$0xC1F0] =	vst v1  }
0x32d: {  	v1 =	vld [tilespmem:s5+$0x4030]  }
0x32e: {  	[tilespmem:s5+$0xC000] =	vst v2;
	v2 =	vadd.f32 v4, v3;
	v3 =	vld [tilespmem:s5+$0xC040]  }
0x32f: {  	v4 =	vld [tilespmem:s5+$0x4040]  }
0x330: {  	[tilespmem:s5+$0xC010] =	vst v2;
	v0 =	vadd.f32 v0, v6;
	v2 =	vld [tilespmem:s5+$0xC050]  }
0x331: {  	v6 =	vld [tilespmem:s5+$0x4050]  }
0x332: {  	[tilespmem:s5+$0xC020] =	vst v0;
	v0 =	vadd.f32 v1, v5;
	v1 =	vld [tilespmem:s5+$0xC060]  }
0x333: {  	v5 =	vld [tilespmem:s5+$0x4060]  }
0x334: {  	[tilespmem:s5+$0xC030] =	vst v0;
	v0 =	vadd.f32 v4, v3;
	v3 =	vld [tilespmem:s5+$0xC070]  }
0x335: {  	v4 =	vld [tilespmem:s5+$0x4070]  }
0x336: {  	[tilespmem:s5+$0xC040] =	vst v0;
	v0 =	vadd.f32 v6, v2;
	v2 =	vld [tilespmem:s5+$0xC080]  }
0x337: {  	v6 =	vld [tilespmem:s5+$0x4080]  }
0x338: {  	[tilespmem:s5+$0xC050] =	vst v0;
	v0 =	vadd.f32 v5, v1;
	v1 =	vld [tilespmem:s5+$0xC090]  }
0x339: {  	v5 =	vld [tilespmem:s5+$0x4090]  }
0x33a: {  	[tilespmem:s5+$0xC060] =	vst v0;
	v0 =	vadd.f32 v4, v3;
	v3 =	vld [tilespmem:s5+$0xC0A0]  }
0x33b: {  	v4 =	vld [tilespmem:s5+$0x40A0]  }
0x33c: {  	[tilespmem:s5+$0xC070] =	vst v0;
	v0 =	vadd.f32 v6, v2;
	v2 =	vld [tilespmem:s5+$0xC0B0]  }
0x33d: {  	v6 =	vld [tilespmem:s5+$0x40B0]  }
0x33e: {  	[tilespmem:s5+$0xC080] =	vst v0;
	v0 =	vadd.f32 v5, v1;
	v1 =	vld [tilespmem:s5+$0xC0C0]  }
0x33f: {  	v5 =	vld [tilespmem:s5+$0x40C0]  }
0x340: {  	[tilespmem:s5+$0xC090] =	vst v0;
	v0 =	vadd.f32 v4, v3;
	v3 =	vld [tilespmem:s5+$0xC0D0]  }
0x341: {  	v4 =	vld [tilespmem:s5+$0x40D0]  }
0x342: {  	[tilespmem:s5+$0xC0A0] =	vst v0;
	v0 =	vadd.f32 v6, v2;
	v2 =	vld [tilespmem:s5+$0xC0E0]  }
0x343: {  	v6 =	vld [tilespmem:s5+$0x40E0]  }
0x344: {  	[tilespmem:s5+$0xC0B0] =	vst v0;
	v0 =	vadd.f32 v5, v1;
	v1 =	vld [tilespmem:s5+$0xC0F0]  }
0x345: {  	v5 =	vld [tilespmem:s5+$0x40F0]  }
0x346: {  	[tilespmem:s5+$0xC0C0] =	vst v0;
	v0 =	vadd.f32 v4, v3;
	v3 =	vld [tilespmem:s5+$0xC100]  }
0x347: {  	v4 =	vld [tilespmem:s5+$0x4100]  }
0x348: {  	[tilespmem:s5+$0xC0D0] =	vst v0;
	v0 =	vadd.f32 v6, v2;
	v2 =	vld [tilespmem:s5+$0xC110]  }
0x349: {  	v6 =	vld [tilespmem:s5+$0x4110]  }
0x34a: {  	[tilespmem:s5+$0xC0E0] =	vst v0;
	v0 =	vadd.f32 v5, v1;
	v1 =	vld [tilespmem:s5+$0xC120]  }
0x34b: {  	v5 =	vld [tilespmem:s5+$0x4120]  }
0x34c: {  	[tilespmem:s5+$0xC0F0] =	vst v0;
	v0 =	vadd.f32 v4, v3;
	v3 =	vld [tilespmem:s5+$0xC130]  }
0x34d: {  	v4 =	vld [tilespmem:s5+$0x4130]  }
0x34e: {  	[tilespmem:s5+$0xC100] =	vst v0;
	v0 =	vadd.f32 v6, v2;
	v2 =	vld [tilespmem:s5+$0xC140]  }
0x34f: {  	v6 =	vld [tilespmem:s5+$0x4140]  }
0x350: {  	[tilespmem:s5+$0xC110] =	vst v0;
	v0 =	vadd.f32 v5, v1;
	v1 =	vld [tilespmem:s5+$0xC150]  }
0x351: {  	v5 =	vld [tilespmem:s5+$0x4150]  }
0x352: {  	[tilespmem:s5+$0xC120] =	vst v0;
	v0 =	vadd.f32 v4, v3;
	v3 =	vld [tilespmem:s5+$0xC160]  }
0x353: {  	v4 =	vld [tilespmem:s5+$0x4160]  }
0x354: {  	[tilespmem:s5+$0xC130] =	vst v0;
	v0 =	vadd.f32 v6, v2;
	v2 =	vld [tilespmem:s5+$0xC170]  }
0x355: {  	v6 =	vld [tilespmem:s5+$0x4170]  }
0x356: {  	[tilespmem:s5+$0xC140] =	vst v0;
	v0 =	vadd.f32 v5, v1;
	v1 =	vld [tilespmem:s5+$0xC180]  }
0x357: {  	v5 =	vld [tilespmem:s5+$0x4180]  }
0x358: {  	[tilespmem:s5+$0xC150] =	vst v0;
	v0 =	vadd.f32 v4, v3;
	v3 =	vld [tilespmem:s5+$0xC190]  }
0x359: {  	v4 =	vld [tilespmem:s5+$0x4190]  }
0x35a: {  	[tilespmem:s5+$0xC160] =	vst v0;
	v0 =	vadd.f32 v6, v2;
	v2 =	vld [tilespmem:s5+$0xC1A0]  }
0x35b: {  	v6 =	vld [tilespmem:s5+$0x41A0]  }
0x35c: {  	[tilespmem:s5+$0xC170] =	vst v0;
	v0 =	vadd.f32 v5, v1;
	v5 =	vld [tilespmem:s5+$0xC1B0]  }
0x35d: {  	v7 =	vld [tilespmem:s5+$0x41B0]  }
.Ltmp5:
0x35e: {  	[tilespmem:s5+$0xC180] =	vst v0;
	v3 =	vadd.f32 v4, v3;
	v0 =	vld [tilespmem:s5+$0xC1C0];
	(pc) =	sbr.rel @p0 .LBB2_12-.Ltmp5, $4  }
0x35f: {  	v1 =	vld [tilespmem:s5+$0x41C0]  }
0x360: {  	[tilespmem:s5+$0xC190] =	vst v3;
	v4 =	vadd.f32 v6, v2;
	v2 =	vld [tilespmem:s5+$0xC1D0]  }
0x361: {  	v3 =	vld [tilespmem:s5+$0x41D0]  }
0x362: {  	s7 =	sadd.s32 $0x800, s7;
	[tilespmem:s5+$0xC1A0] =	vst v4;
	v5 =	vadd.f32 v7, v5;
	v4 =	vld [tilespmem:s5+$0xC1E0]  }
0x363: {  	v6 =	vld [tilespmem:s5+$0x41E0];
	_ =	sdelay $0x2  }
0x364: {  	v0 =	vadd.f32 v1, v0  }
0x365: {  	[tilespmem:s5+$0xC1B0] =	vst v5;
	v1 =	vadd.f32 v3, v2  }
0x366: {  	[tilespmem:s5+$0xC1C0] =	vst v0;
	v0 =	vadd.f32 v6, v4  }
0x367: {  	[tilespmem:s5+$0xC1D0] =	vst v1  }
0x368: {  	[tilespmem:s5+$0xC1E0] =	vst v0  }
0x369: {  	[hbm4b:s16+s2] =	stream.linear.scatter [tilespmem:s23], [sflag:$0x6], $0x4000, $0x38;
	[tilespmem:$0x18000] =	vst v63  }
0x36a: {  	_ =	swait.ge [sflag:s3], $0x4000  }
0x36b: {  	[sflag:s3] =	ssyncset.done $0x0  }
0x36c: {  	[sflag:s3] =	ssyncadd.s32 $0xFFFFC000  }
0x36d: {  	[tilespmem:s28], [sflag:$0x4] =	stream.linear.gather [hbm4b:s17+s2], $0x4000, $0x38;
	[tilespmem:$0x18000] =	vst v63  }
0x36e: {  	_ =	swait.ge [sflag:s29], $0x4000  }
0x36f: {  	[sflag:s29] =	ssyncset.done $0x0  }
0x370: {  	s5 =	simm.s32 $0x10100;
	[sflag:s29] =	ssyncadd.s32 $0xFFFFC000  }
0x371: {  	s6 =	simm.s32 $0x100;
	v0 =	vld [tilespmem:s5+$0x80]  }
0x372: {  	v1 =	vld [tilespmem:s6+$0x80]  }
0x373: {  	v2 =	vld [tilespmem:s5+$0xFFFFFF80]  }
0x374: {  	v3 =	vld [tilespmem:s6+$0xFFFFFF80]  }
0x375: {  	v4 =	vld [tilespmem:s5+$0x0]  }
0x376: {  	v5 =	vld [tilespmem:s6+$0x0]  }
0x377: {  	v6 =	vld [tilespmem:s5+$0xFFFFFF00];
	v0 =	vadd.f32 v1, v0  }
0x378: {  	v1 =	vld [tilespmem:s6+$0xFFFFFF00]  }
0x379: {  	[tilespmem:s5+$0x80] =	vst v0;
	v0 =	vld [tilespmem:s5+$0x90]  }
0x37a: {  	v2 =	vadd.f32 v3, v2;
	v3 =	vld [tilespmem:s6+$0x90]  }
0x37b: {  	v7 =	vld [tilespmem:s5+$0xFFFFFF10]  }
0x37c: {  	[tilespmem:s5+$0xFFFFFF80] =	vst v2;
	v2 =	vadd.f32 v5, v4;
	v4 =	vld [tilespmem:s5+$0xFFFFFF90]  }
0x37d: {  	v5 =	vld [tilespmem:s6+$0xFFFFFF90];
	v1 =	vadd.f32 v1, v6  }
0x37e: {  	[tilespmem:s5+$0x0] =	vst v2;
	v2 =	vld [tilespmem:s5+$0x10]  }
0x37f: {  	v6 =	vld [tilespmem:s6+$0x10];
	[tilespmem:s5+$0xFFFFFF00] =	vst v1;
	v0 =	vadd.f32 v3, v0  }
0x380: {  	v1 =	vld [tilespmem:s6+$0xFFFFFF10]  }
0x381: {  	[tilespmem:s5+$0x90] =	vst v0;
	v0 =	vld [tilespmem:s5+$0xA0]  }
0x382: {  	v3 =	vadd.f32 v5, v4;
	v4 =	vld [tilespmem:s6+$0xA0]  }
0x383: {  	v5 =	vld [tilespmem:s5+$0xFFFFFF20]  }
0x384: {  	[tilespmem:s5+$0xFFFFFF90] =	vst v3;
	v2 =	vadd.f32 v6, v2;
	v3 =	vld [tilespmem:s5+$0xFFFFFFA0]  }
0x385: {  	v6 =	vld [tilespmem:s6+$0xFFFFFFA0];
	v1 =	vadd.f32 v1, v7  }
0x386: {  	[tilespmem:s5+$0x10] =	vst v2;
	v2 =	vld [tilespmem:s5+$0x20]  }
0x387: {  	v7 =	vld [tilespmem:s6+$0x20];
	[tilespmem:s5+$0xFFFFFF10] =	vst v1;
	v0 =	vadd.f32 v4, v0  }
0x388: {  	v1 =	vld [tilespmem:s6+$0xFFFFFF20]  }
0x389: {  	[tilespmem:s5+$0xA0] =	vst v0;
	v0 =	vld [tilespmem:s5+$0xB0]  }
0x38a: {  	v3 =	vadd.f32 v6, v3;
	v4 =	vld [tilespmem:s6+$0xB0]  }
0x38b: {  	v6 =	vld [tilespmem:s5+$0xFFFFFF30]  }
0x38c: {  	[tilespmem:s5+$0xFFFFFFA0] =	vst v3;
	v2 =	vadd.f32 v7, v2;
	v3 =	vld [tilespmem:s5+$0xFFFFFFB0]  }
0x38d: {  	v7 =	vld [tilespmem:s6+$0xFFFFFFB0];
	v1 =	vadd.f32 v1, v5  }
0x38e: {  	[tilespmem:s5+$0x20] =	vst v2;
	v2 =	vld [tilespmem:s5+$0x30]  }
0x38f: {  	v5 =	vld [tilespmem:s6+$0x30];
	[tilespmem:s5+$0xFFFFFF20] =	vst v1;
	v0 =	vadd.f32 v4, v0  }
0x390: {  	v1 =	vld [tilespmem:s6+$0xFFFFFF30]  }
0x391: {  	[tilespmem:s5+$0xB0] =	vst v0;
	v0 =	vld [tilespmem:s5+$0xC0]  }
0x392: {  	v3 =	vadd.f32 v7, v3;
	v4 =	vld [tilespmem:s6+$0xC0]  }
0x393: {  	v7 =	vld [tilespmem:s5+$0xFFFFFF40]  }
0x394: {  	[tilespmem:s5+$0xFFFFFFB0] =	vst v3;
	v2 =	vadd.f32 v5, v2;
	v3 =	vld [tilespmem:s5+$0xFFFFFFC0]  }
0x395: {  	v5 =	vld [tilespmem:s6+$0xFFFFFFC0];
	v1 =	vadd.f32 v1, v6  }
0x396: {  	[tilespmem:s5+$0x30] =	vst v2;
	v2 =	vld [tilespmem:s5+$0x40]  }
0x397: {  	v6 =	vld [tilespmem:s6+$0x40];
	[tilespmem:s5+$0xFFFFFF30] =	vst v1;
	v0 =	vadd.f32 v4, v0  }
0x398: {  	v1 =	vld [tilespmem:s6+$0xFFFFFF40]  }
0x399: {  	[tilespmem:s5+$0xC0] =	vst v0;
	v0 =	vld [tilespmem:s5+$0xD0]  }
0x39a: {  	v3 =	vadd.f32 v5, v3;
	v4 =	vld [tilespmem:s6+$0xD0]  }
0x39b: {  	v5 =	vld [tilespmem:s5+$0xFFFFFF50]  }
0x39c: {  	[tilespmem:s5+$0xFFFFFFC0] =	vst v3;
	v2 =	vadd.f32 v6, v2;
	v3 =	vld [tilespmem:s5+$0xFFFFFFD0]  }
0x39d: {  	v6 =	vld [tilespmem:s6+$0xFFFFFFD0];
	v1 =	vadd.f32 v1, v7  }
0x39e: {  	[tilespmem:s5+$0x40] =	vst v2;
	v2 =	vld [tilespmem:s5+$0x50]  }
0x39f: {  	v7 =	vld [tilespmem:s6+$0x50];
	[tilespmem:s5+$0xFFFFFF40] =	vst v1;
	v0 =	vadd.f32 v4, v0  }
0x3a0: {  	v1 =	vld [tilespmem:s6+$0xFFFFFF50]  }
0x3a1: {  	[tilespmem:s5+$0xD0] =	vst v0;
	v0 =	vld [tilespmem:s5+$0xE0]  }
0x3a2: {  	v3 =	vadd.f32 v6, v3;
	v4 =	vld [tilespmem:s6+$0xE0]  }
0x3a3: {  	v6 =	vld [tilespmem:s5+$0xFFFFFF60]  }
0x3a4: {  	[tilespmem:s5+$0xFFFFFFD0] =	vst v3;
	v2 =	vadd.f32 v7, v2;
	v3 =	vld [tilespmem:s5+$0xFFFFFFE0]  }
0x3a5: {  	v7 =	vld [tilespmem:s6+$0xFFFFFFE0];
	v1 =	vadd.f32 v1, v5  }
0x3a6: {  	[tilespmem:s5+$0x50] =	vst v2;
	v2 =	vld [tilespmem:s5+$0x60]  }
0x3a7: {  	v5 =	vld [tilespmem:s6+$0x60];
	[tilespmem:s5+$0xFFFFFF50] =	vst v1;
	v0 =	vadd.f32 v4, v0  }
0x3a8: {  	v4 =	vld [tilespmem:s6+$0xFFFFFF60]  }
0x3a9: {  	v8 =	vld [tilespmem:s5+$0xF0];
	[tilespmem:s5+$0xE0] =	vst v0  }
0x3aa: {  	v1 =	vadd.f32 v7, v3;
	v7 =	vld [tilespmem:s6+$0xF0]  }
0x3ab: {  	v0 =	vld [tilespmem:s5+$0xFFFFFF70]  }
0x3ac: {  	[tilespmem:s5+$0xFFFFFFE0] =	vst v1;
	v2 =	vadd.f32 v5, v2;
	v1 =	vld [tilespmem:s5+$0xFFFFFFF0]  }
0x3ad: {  	v3 =	vld [tilespmem:s6+$0xFFFFFFF0];
	v4 =	vadd.f32 v4, v6  }
0x3ae: {  	[tilespmem:s5+$0x60] =	vst v2;
	v2 =	vld [tilespmem:s5+$0x70]  }
0x3af: {  	[tilespmem:s5+$0xFFFFFF60] =	vst v4;
	v4 =	vld [tilespmem:s6+$0x70];
	v6 =	vadd.f32 v7, v8  }
0x3b0: {  	s7 =	simm.s32 $0x0;
	s8 =	simm.s32 $0x10300;
	v5 =	vld [tilespmem:s6+$0xFFFFFF70]  }
.LBB2_14:
0x3b1: {  	v7 =	vld [tilespmem:s8+$0x80];
	[tilespmem:s5+$0xF0] =	vst v6;
	s6 =	sadd.s32 $0x200, s6  }
0x3b2: {  	s7 =	sadd.s32 $0x4, s7;
	v6 =	vld [tilespmem:s6+$0x80];
	v1 =	vadd.f32 v3, v1  }
0x3b3: {  	p0 =	slt.u32 s7, $0x7C;
	v3 =	vld [tilespmem:s6+$0xFFFFFF00]  }
0x3b4: {  	v8 =	vld [tilespmem:s8+$0xFFFFFF80];
	[tilespmem:s5+$0xFFFFFFF0] =	vst v1;
	v1 =	vadd.f32 v4, v2  }
0x3b5: {  	v2 =	vld [tilespmem:s6+$0xFFFFFF80];
	v0 =	vadd.f32 v5, v0  }
0x3b6: {  	v4 =	vld [tilespmem:s8+$0x0];
	[tilespmem:s5+$0x70] =	vst v1  }
0x3b7: {  	v1 =	vld [tilespmem:s6+$0x0];
	v5 =	vadd.f32 v6, v7;
	[tilespmem:s5+$0xFFFFFF70] =	vst v0;
	s5 =	smov.u32 s8  }
0x3b8: {  	v0 =	vld [tilespmem:s8+$0xFFFFFF00]  }
0x3b9: {  	[tilespmem:s8+$0x80] =	vst v5;
	v5 =	vld [tilespmem:s8+$0x90]  }
0x3ba: {  	v2 =	vadd.f32 v2, v8;
	v6 =	vld [tilespmem:s6+$0x90]  }
0x3bb: {  	v7 =	vld [tilespmem:s8+$0xFFFFFF10]  }
0x3bc: {  	[tilespmem:s8+$0xFFFFFF80] =	vst v2;
	v2 =	vld [tilespmem:s8+$0xFFFFFF90];
	v1 =	vadd.f32 v1, v4  }
0x3bd: {  	v0 =	vadd.f32 v3, v0;
	v3 =	vld [tilespmem:s6+$0xFFFFFF90]  }
0x3be: {  	[tilespmem:s8+$0x0] =	vst v1;
	v1 =	vld [tilespmem:s8+$0x10]  }
0x3bf: {  	[tilespmem:s8+$0xFFFFFF00] =	vst v0;
	v0 =	vld [tilespmem:s6+$0x10];
	v4 =	vadd.f32 v6, v5  }
0x3c0: {  	v5 =	vld [tilespmem:s6+$0xFFFFFF10]  }
0x3c1: {  	[tilespmem:s8+$0x90] =	vst v4;
	v4 =	vld [tilespmem:s8+$0xA0]  }
0x3c2: {  	v2 =	vadd.f32 v3, v2;
	v3 =	vld [tilespmem:s6+$0xA0]  }
0x3c3: {  	v6 =	vld [tilespmem:s8+$0xFFFFFF20]  }
0x3c4: {  	[tilespmem:s8+$0xFFFFFF90] =	vst v2;
	v2 =	vld [tilespmem:s8+$0xFFFFFFA0];
	v0 =	vadd.f32 v0, v1  }
0x3c5: {  	v1 =	vadd.f32 v5, v7;
	v5 =	vld [tilespmem:s6+$0xFFFFFFA0]  }
0x3c6: {  	[tilespmem:s8+$0x10] =	vst v0;
	v0 =	vld [tilespmem:s8+$0x20]  }
0x3c7: {  	[tilespmem:s8+$0xFFFFFF10] =	vst v1;
	v1 =	vld [tilespmem:s6+$0x20];
	v3 =	vadd.f32 v3, v4  }
0x3c8: {  	v4 =	vld [tilespmem:s6+$0xFFFFFF20]  }
0x3c9: {  	[tilespmem:s8+$0xA0] =	vst v3;
	v3 =	vld [tilespmem:s8+$0xB0]  }
0x3ca: {  	v2 =	vadd.f32 v5, v2;
	v5 =	vld [tilespmem:s6+$0xB0]  }
0x3cb: {  	v7 =	vld [tilespmem:s8+$0xFFFFFF30]  }
0x3cc: {  	[tilespmem:s8+$0xFFFFFFA0] =	vst v2;
	v2 =	vld [tilespmem:s8+$0xFFFFFFB0];
	v0 =	vadd.f32 v1, v0  }
0x3cd: {  	v1 =	vadd.f32 v4, v6;
	v4 =	vld [tilespmem:s6+$0xFFFFFFB0]  }
0x3ce: {  	[tilespmem:s8+$0x20] =	vst v0;
	v0 =	vld [tilespmem:s8+$0x30]  }
0x3cf: {  	[tilespmem:s8+$0xFFFFFF20] =	vst v1;
	v1 =	vld [tilespmem:s6+$0x30];
	v3 =	vadd.f32 v5, v3  }
0x3d0: {  	v5 =	vld [tilespmem:s6+$0xFFFFFF30]  }
0x3d1: {  	[tilespmem:s8+$0xB0] =	vst v3;
	v3 =	vld [tilespmem:s8+$0xC0]  }
0x3d2: {  	v2 =	vadd.f32 v4, v2;
	v4 =	vld [tilespmem:s6+$0xC0]  }
0x3d3: {  	v6 =	vld [tilespmem:s8+$0xFFFFFF40]  }
0x3d4: {  	[tilespmem:s8+$0xFFFFFFB0] =	vst v2;
	v2 =	vld [tilespmem:s8+$0xFFFFFFC0];
	v0 =	vadd.f32 v1, v0  }
0x3d5: {  	v1 =	vadd.f32 v5, v7;
	v5 =	vld [tilespmem:s6+$0xFFFFFFC0]  }
0x3d6: {  	[tilespmem:s8+$0x30] =	vst v0;
	v0 =	vld [tilespmem:s8+$0x40]  }
0x3d7: {  	[tilespmem:s8+$0xFFFFFF30] =	vst v1;
	v1 =	vld [tilespmem:s6+$0x40];
	v3 =	vadd.f32 v4, v3  }
0x3d8: {  	v4 =	vld [tilespmem:s6+$0xFFFFFF40]  }
0x3d9: {  	[tilespmem:s8+$0xC0] =	vst v3;
	v3 =	vld [tilespmem:s8+$0xD0]  }
0x3da: {  	v2 =	vadd.f32 v5, v2;
	v5 =	vld [tilespmem:s6+$0xD0]  }
0x3db: {  	v7 =	vld [tilespmem:s8+$0xFFFFFF50]  }
0x3dc: {  	[tilespmem:s8+$0xFFFFFFC0] =	vst v2;
	v2 =	vld [tilespmem:s8+$0xFFFFFFD0];
	v0 =	vadd.f32 v1, v0  }
0x3dd: {  	v1 =	vadd.f32 v4, v6;
	v4 =	vld [tilespmem:s6+$0xFFFFFFD0]  }
0x3de: {  	[tilespmem:s8+$0x40] =	vst v0;
	v0 =	vld [tilespmem:s8+$0x50]  }
0x3df: {  	[tilespmem:s8+$0xFFFFFF40] =	vst v1;
	v1 =	vld [tilespmem:s6+$0x50];
	v3 =	vadd.f32 v5, v3  }
0x3e0: {  	v5 =	vld [tilespmem:s6+$0xFFFFFF50]  }
0x3e1: {  	[tilespmem:s8+$0xD0] =	vst v3;
	v3 =	vld [tilespmem:s8+$0xE0]  }
0x3e2: {  	v2 =	vadd.f32 v4, v2;
	v4 =	vld [tilespmem:s6+$0xE0]  }
0x3e3: {  	v6 =	vld [tilespmem:s8+$0xFFFFFF60]  }
0x3e4: {  	[tilespmem:s8+$0xFFFFFFD0] =	vst v2;
	v2 =	vld [tilespmem:s8+$0xFFFFFFE0];
	v0 =	vadd.f32 v1, v0  }
0x3e5: {  	v1 =	vadd.f32 v5, v7;
	v5 =	vld [tilespmem:s6+$0xFFFFFFE0]  }
0x3e6: {  	[tilespmem:s8+$0x50] =	vst v0;
	v7 =	vld [tilespmem:s8+$0x60]  }
0x3e7: {  	[tilespmem:s8+$0xFFFFFF50] =	vst v1;
	v8 =	vld [tilespmem:s6+$0x60];
	v0 =	vadd.f32 v4, v3  }
0x3e8: {  	v3 =	vld [tilespmem:s6+$0xFFFFFF60]  }
0x3e9: {  	[tilespmem:s8+$0xE0] =	vst v0;
	v9 =	vld [tilespmem:s8+$0xF0]  }
0x3ea: {  	v1 =	vadd.f32 v5, v2;
	v5 =	vld [tilespmem:s6+$0xF0]  }
0x3eb: {  	v0 =	vld [tilespmem:s8+$0xFFFFFF70]  }
.Ltmp6:
0x3ec: {  	[tilespmem:s8+$0xFFFFFFE0] =	vst v1;
	v1 =	vld [tilespmem:s8+$0xFFFFFFF0];
	v2 =	vadd.f32 v8, v7;
	(pc) =	sbr.rel @p0 .LBB2_14-.Ltmp6, $4  }
0x3ed: {  	v4 =	vadd.f32 v3, v6;
	v3 =	vld [tilespmem:s6+$0xFFFFFFF0]  }
0x3ee: {  	[tilespmem:s8+$0x60] =	vst v2;
	v2 =	vld [tilespmem:s8+$0x70]  }
0x3ef: {  	[tilespmem:s8+$0xFFFFFF60] =	vst v4;
	v4 =	vld [tilespmem:s6+$0x70];
	v6 =	vadd.f32 v5, v9  }
0x3f0: {  	s8 =	sadd.s32 $0x200, s8;
	v5 =	vld [tilespmem:s6+$0xFFFFFF70]  }
0x3f1: {  	_ =	sdelay $0x1  }
0x3f2: {  	v1 =	vadd.f32 v3, v1  }
0x3f3: {  	[tilespmem:s5+$0xF0] =	vst v6;
	v2 =	vadd.f32 v4, v2  }
0x3f4: {  	[tilespmem:s5+$0xFFFFFFF0] =	vst v1;
	v0 =	vadd.f32 v5, v0  }
0x3f5: {  	[tilespmem:s5+$0x70] =	vst v2  }
0x3f6: {  	s8 =	simm.s32 $0x0;
	[tilespmem:s5+$0xFFFFFF70] =	vst v0  }
0x3f7: {  	[hbm4b:s18+s8] =	stream.linear.scatter [tilespmem:s25], [sflag:$0x7], $0x4000, $0x38;
	[tilespmem:$0x18000] =	vst v63  }
0x3f8: {  	_ =	swait.ge [sflag:s31], $0x4000  }
0x3f9: {  	[sflag:s31] =	ssyncset.done $0x0  }
0x3fa: {  	s5 =	simm.s32 $0x0;
	[sflag:s31] =	ssyncadd.s32 $0xFFFFC000  }
0x3fb: {  	v0 =	vld [tilespmem:s5+$0x14000]  }
0x3fc: {  	v1 =	vld [tilespmem:s5+$0x4000]  }
0x3fd: {  	v2 =	vld [tilespmem:s5+$0x14010]  }
0x3fe: {  	v3 =	vld [tilespmem:s5+$0x4010]  }
0x3ff: {  	v4 =	vld [tilespmem:s5+$0x14020]  }
0x400: {  	v5 =	vld [tilespmem:s5+$0x4020]  }
0x401: {  	v6 =	vld [tilespmem:s5+$0x4030]  }
0x402: {  	v7 =	vld [tilespmem:s5+$0x141F0]  }
0x403: {  	v8 =	vld [tilespmem:s5+$0x41F0]  }
0x404: {  	v9 =	vld [tilespmem:s5+$0x4060]  }
0x405: {  	v10 =	vld [tilespmem:s5+$0x14080]  }
0x406: {  	v11 =	vld [tilespmem:s5+$0x4080]  }
0x407: {  	v12 =	vld [tilespmem:s5+$0x14090]  }
0x408: {  	v13 =	vld [tilespmem:s5+$0x4090]  }
0x409: {  	v14 =	vld [tilespmem:s5+$0x140A0]  }
0x40a: {  	v45 =	vld [tilespmem:s5+$0x140B0]  }
0x40b: {  	v15 =	vld [tilespmem:s5+$0x14070]  }
0x40c: {  	v47 =	vld [tilespmem:s5+$0x140C0]  }
0x40d: {  	v48 =	vld [tilespmem:s5+$0x40C0]  }
0x40e: {  	v16 =	vld [tilespmem:s5+$0x4070]  }
0x40f: {  	v49 =	vld [tilespmem:s5+$0x140D0]  }
0x410: {  	v17 =	vld [tilespmem:s5+$0x40D0]  }
0x411: {  	v18 =	vld [tilespmem:s5+$0x14100]  }
0x412: {  	v19 =	vld [tilespmem:s5+$0x4100]  }
0x413: {  	v20 =	vld [tilespmem:s5+$0x14110]  }
0x414: {  	v21 =	vld [tilespmem:s5+$0x4110]  }
0x415: {  	v22 =	vld [tilespmem:s5+$0x14120]  }
0x416: {  	v50 =	vld [tilespmem:s5+$0x4120]  }
0x417: {  	v51 =	vld [tilespmem:s5+$0x14130]  }
0x418: {  	v23 =	vld [tilespmem:s5+$0x140E0]  }
0x419: {  	v53 =	vld [tilespmem:s5+$0x14140]  }
0x41a: {  	v0 =	vadd.f32 v1, v0;
	v1 =	vld [tilespmem:s5+$0x14030]  }
0x41b: {  	v54 =	vld [tilespmem:s5+$0x4140]  }
0x41c: {  	v55 =	vld [tilespmem:s5+$0x40E0]  }
0x41d: {  	v56 =	vld [tilespmem:s5+$0x14150];
	v10 =	vadd.f32 v11, v10  }
0x41e: {  	v46 =	vadd.f32 v13, v12;
	[tilespmem:s5+$0x14000] =	vst v0;
	v0 =	vadd.f32 v3, v2;
	v2 =	vld [tilespmem:s5+$0x14040]  }
0x41f: {  	[tilespmem:s5+$0x14080] =	vst v10;
	v1 =	vadd.f32 v6, v1;
	v6 =	vld [tilespmem:s5+$0x40A0]  }
0x420: {  	v18 =	vadd.f32 v19, v18;
	v3 =	vld [tilespmem:s5+$0x4040];
	[tilespmem:s5+$0x14090] =	vst v46  }
0x421: {  	v52 =	vadd.f32 v21, v20;
	[tilespmem:s5+$0x14010] =	vst v0;
	v0 =	vadd.f32 v5, v4;
	v4 =	vld [tilespmem:s5+$0x14050]  }
0x422: {  	[tilespmem:s5+$0x14100] =	vst v18;
	v5 =	vld [tilespmem:s5+$0x4050]  }
0x423: {  	v57 =	vld [tilespmem:s5+$0x140F0];
	v7 =	vadd.f32 v8, v7;
	[tilespmem:s5+$0x14110] =	vst v52  }
0x424: {  	[tilespmem:s5+$0x14020] =	vst v0;
	v0 =	vld [tilespmem:s5+$0x14060];
	v6 =	vadd.f32 v6, v14  }
0x425: {  	v58 =	vld [tilespmem:s5+$0x14160];
	[tilespmem:s5+$0x141F0] =	vst v7  }
0x426: {  	v2 =	vadd.f32 v3, v2;
	[tilespmem:s5+$0x140A0] =	vst v6;
	v6 =	vld [tilespmem:s5+$0x4130]  }
0x427: {  	[tilespmem:s5+$0x14030] =	vst v1;
	v1 =	vld [tilespmem:s5+$0x40B0];
	v4 =	vadd.f32 v5, v4  }
0x428: {  	v59 =	vld [tilespmem:s5+$0x4160];
	[tilespmem:s5+$0x14040] =	vst v2;
	v14 =	vadd.f32 v50, v22  }
0x429: {  	v5 =	vld [tilespmem:s5+$0x14180];
	v0 =	vadd.f32 v9, v0;
	[tilespmem:s5+$0x14050] =	vst v4  }
0x42a: {  	v2 =	vld [tilespmem:s5+$0x4180];
	v4 =	vadd.f32 v16, v15;
	[tilespmem:s5+$0x14120] =	vst v14  }
0x42b: {  	v60 =	vld [tilespmem:s5+$0x4190];
	[tilespmem:s5+$0x14060] =	vst v0;
	v6 =	vadd.f32 v6, v51  }
0x42c: {  	v7 =	vld [tilespmem:s5+$0x14190];
	v1 =	vadd.f32 v1, v45;
	[tilespmem:s5+$0x14070] =	vst v4  }
0x42d: {  	v0 =	vadd.f32 v48, v47;
	[tilespmem:s5+$0x14130] =	vst v6;
	v6 =	vld [tilespmem:s5+$0x40F0]  }
0x42e: {  	v61 =	vld [tilespmem:s5+$0x141A0];
	v4 =	vadd.f32 v17, v49;
	[tilespmem:s5+$0x140B0] =	vst v1  }
0x42f: {  	v63 =	vld [tilespmem:s5+$0x4170];
	v2 =	vadd.f32 v2, v5;
	[tilespmem:s5+$0x140C0] =	vst v0  }
0x430: {  	v1 =	vld [tilespmem:s5+$0x4150];
	v0 =	vadd.f32 v55, v23;
	[tilespmem:s5+$0x140D0] =	vst v4  }
0x431: {  	v3 =	vld [tilespmem:s5+$0x14170];
	[tilespmem:s5+$0x14180] =	vst v2;
	v2 =	vadd.f32 v60, v7  }
0x432: {  	v62 =	vld [tilespmem:s5+$0x41A0];
	[tilespmem:s5+$0x140E0] =	vst v0;
	v0 =	vadd.f32 v6, v57  }
0x433: {  	v5 =	vld [tilespmem:s5+$0x41B0];
	[tilespmem:s5+$0x14190] =	vst v2;
	v6 =	vadd.f32 v54, v53  }
0x434: {  	v4 =	vld [tilespmem:s5+$0x141B0];
	v7 =	vadd.f32 v59, v58;
	[tilespmem:s5+$0x140F0] =	vst v0  }
0x435: {  	v0 =	vld [tilespmem:s5+$0x141C0];
	[tilespmem:s5+$0x14140] =	vst v6;
	v6 =	vadd.f32 v1, v56  }
0x436: {  	[tilespmem:s5+$0x14160] =	vst v7;
	v7 =	vadd.f32 v63, v3;
	v1 =	vld [tilespmem:s5+$0x41C0]  }
0x437: {  	v2 =	vld [tilespmem:s5+$0x141D0];
	[tilespmem:s5+$0x14150] =	vst v6;
	v6 =	vadd.f32 v62, v61  }
0x438: {  	v3 =	vld [tilespmem:s5+$0x41D0];
	[tilespmem:s5+$0x14170] =	vst v7  }
0x439: {  	s6 =	simm.s32 $0x0;
	s7 =	simm.s32 $0x800;
	v5 =	vadd.f32 v5, v4;
	v4 =	vld [tilespmem:s5+$0x141E0];
	[tilespmem:s5+$0x141A0] =	vst v6  }
.LBB2_16:
0x43a: {  	s8 =	sshra.s32 s7, $0x2;
	v6 =	vld [tilespmem:s5+$0x41E0]  }
0x43b: {  	s6 =	sadd.s32 $0x4, s6;
	v7 =	vld [tilespmem:s8+$0x141F0];
	[tilespmem:s5+$0x141B0] =	vst v5;
	v0 =	vadd.f32 v1, v0  }
0x43c: {  	p0 =	slt.u32 s6, $0x7C;
	v1 =	vld [tilespmem:s8+$0x41F0]  }
0x43d: {  	v5 =	vld [tilespmem:s8+$0x14000];
	[tilespmem:s5+$0x141C0] =	vst v0;
	v0 =	vadd.f32 v3, v2  }
0x43e: {  	v2 =	vld [tilespmem:s8+$0x4000]  }
0x43f: {  	v3 =	vld [tilespmem:s8+$0x14010];
	[tilespmem:s5+$0x141D0] =	vst v0;
	v0 =	vadd.f32 v6, v4  }
0x440: {  	v4 =	vld [tilespmem:s8+$0x4010]  }
0x441: {  	v6 =	vld [tilespmem:s8+$0x14020];
	v1 =	vadd.f32 v1, v7;
	[tilespmem:s5+$0x141E0] =	vst v0;
	s5 =	smov.u32 s8  }
0x442: {  	v0 =	vld [tilespmem:s5+$0x4020]  }
0x443: {  	v2 =	vadd.f32 v2, v5;
	v5 =	vld [tilespmem:s5+$0x14030];
	[tilespmem:s5+$0x141F0] =	vst v1  }
0x444: {  	v1 =	vld [tilespmem:s5+$0x4030]  }
0x445: {  	[tilespmem:s5+$0x14000] =	vst v2;
	v2 =	vadd.f32 v4, v3;
	v3 =	vld [tilespmem:s5+$0x14040]  }
0x446: {  	v4 =	vld [tilespmem:s5+$0x4040]  }
0x447: {  	[tilespmem:s5+$0x14010] =	vst v2;
	v0 =	vadd.f32 v0, v6;
	v2 =	vld [tilespmem:s5+$0x14050]  }
0x448: {  	v6 =	vld [tilespmem:s5+$0x4050]  }
0x449: {  	[tilespmem:s5+$0x14020] =	vst v0;
	v0 =	vadd.f32 v1, v5;
	v1 =	vld [tilespmem:s5+$0x14060]  }
0x44a: {  	v5 =	vld [tilespmem:s5+$0x4060]  }
0x44b: {  	[tilespmem:s5+$0x14030] =	vst v0;
	v0 =	vadd.f32 v4, v3;
	v3 =	vld [tilespmem:s5+$0x14070]  }
0x44c: {  	v4 =	vld [tilespmem:s5+$0x4070]  }
0x44d: {  	[tilespmem:s5+$0x14040] =	vst v0;
	v0 =	vadd.f32 v6, v2;
	v2 =	vld [tilespmem:s5+$0x14080]  }
0x44e: {  	v6 =	vld [tilespmem:s5+$0x4080]  }
0x44f: {  	[tilespmem:s5+$0x14050] =	vst v0;
	v0 =	vadd.f32 v5, v1;
	v1 =	vld [tilespmem:s5+$0x14090]  }
0x450: {  	v5 =	vld [tilespmem:s5+$0x4090]  }
0x451: {  	[tilespmem:s5+$0x14060] =	vst v0;
	v0 =	vadd.f32 v4, v3;
	v3 =	vld [tilespmem:s5+$0x140A0]  }
0x452: {  	v4 =	vld [tilespmem:s5+$0x40A0]  }
0x453: {  	[tilespmem:s5+$0x14070] =	vst v0;
	v0 =	vadd.f32 v6, v2;
	v2 =	vld [tilespmem:s5+$0x140B0]  }
0x454: {  	v6 =	vld [tilespmem:s5+$0x40B0]  }
0x455: {  	[tilespmem:s5+$0x14080] =	vst v0;
	v0 =	vadd.f32 v5, v1;
	v1 =	vld [tilespmem:s5+$0x140C0]  }
0x456: {  	v5 =	vld [tilespmem:s5+$0x40C0]  }
0x457: {  	[tilespmem:s5+$0x14090] =	vst v0;
	v0 =	vadd.f32 v4, v3;
	v3 =	vld [tilespmem:s5+$0x140D0]  }
0x458: {  	v4 =	vld [tilespmem:s5+$0x40D0]  }
0x459: {  	[tilespmem:s5+$0x140A0] =	vst v0;
	v0 =	vadd.f32 v6, v2;
	v2 =	vld [tilespmem:s5+$0x140E0]  }
0x45a: {  	v6 =	vld [tilespmem:s5+$0x40E0]  }
0x45b: {  	[tilespmem:s5+$0x140B0] =	vst v0;
	v0 =	vadd.f32 v5, v1;
	v1 =	vld [tilespmem:s5+$0x140F0]  }
0x45c: {  	v5 =	vld [tilespmem:s5+$0x40F0]  }
0x45d: {  	[tilespmem:s5+$0x140C0] =	vst v0;
	v0 =	vadd.f32 v4, v3;
	v3 =	vld [tilespmem:s5+$0x14100]  }
0x45e: {  	v4 =	vld [tilespmem:s5+$0x4100]  }
0x45f: {  	[tilespmem:s5+$0x140D0] =	vst v0;
	v0 =	vadd.f32 v6, v2;
	v2 =	vld [tilespmem:s5+$0x14110]  }
0x460: {  	v6 =	vld [tilespmem:s5+$0x4110]  }
0x461: {  	[tilespmem:s5+$0x140E0] =	vst v0;
	v0 =	vadd.f32 v5, v1;
	v1 =	vld [tilespmem:s5+$0x14120]  }
0x462: {  	v5 =	vld [tilespmem:s5+$0x4120]  }
0x463: {  	[tilespmem:s5+$0x140F0] =	vst v0;
	v0 =	vadd.f32 v4, v3;
	v3 =	vld [tilespmem:s5+$0x14130]  }
0x464: {  	v4 =	vld [tilespmem:s5+$0x4130]  }
0x465: {  	[tilespmem:s5+$0x14100] =	vst v0;
	v0 =	vadd.f32 v6, v2;
	v2 =	vld [tilespmem:s5+$0x14140]  }
0x466: {  	v6 =	vld [tilespmem:s5+$0x4140]  }
0x467: {  	[tilespmem:s5+$0x14110] =	vst v0;
	v0 =	vadd.f32 v5, v1;
	v1 =	vld [tilespmem:s5+$0x14150]  }
0x468: {  	v5 =	vld [tilespmem:s5+$0x4150]  }
0x469: {  	[tilespmem:s5+$0x14120] =	vst v0;
	v0 =	vadd.f32 v4, v3;
	v3 =	vld [tilespmem:s5+$0x14160]  }
0x46a: {  	v4 =	vld [tilespmem:s5+$0x4160]  }
0x46b: {  	[tilespmem:s5+$0x14130] =	vst v0;
	v0 =	vadd.f32 v6, v2;
	v2 =	vld [tilespmem:s5+$0x14170]  }
0x46c: {  	v6 =	vld [tilespmem:s5+$0x4170]  }
0x46d: {  	[tilespmem:s5+$0x14140] =	vst v0;
	v0 =	vadd.f32 v5, v1;
	v1 =	vld [tilespmem:s5+$0x14180]  }
0x46e: {  	v5 =	vld [tilespmem:s5+$0x4180]  }
0x46f: {  	[tilespmem:s5+$0x14150] =	vst v0;
	v0 =	vadd.f32 v4, v3;
	v3 =	vld [tilespmem:s5+$0x14190]  }
0x470: {  	v4 =	vld [tilespmem:s5+$0x4190]  }
0x471: {  	[tilespmem:s5+$0x14160] =	vst v0;
	v0 =	vadd.f32 v6, v2;
	v2 =	vld [tilespmem:s5+$0x141A0]  }
0x472: {  	v6 =	vld [tilespmem:s5+$0x41A0]  }
0x473: {  	[tilespmem:s5+$0x14170] =	vst v0;
	v0 =	vadd.f32 v5, v1;
	v5 =	vld [tilespmem:s5+$0x141B0]  }
0x474: {  	v7 =	vld [tilespmem:s5+$0x41B0]  }
.Ltmp7:
0x475: {  	[tilespmem:s5+$0x14180] =	vst v0;
	v3 =	vadd.f32 v4, v3;
	v0 =	vld [tilespmem:s5+$0x141C0];
	(pc) =	sbr.rel @p0 .LBB2_16-.Ltmp7, $4  }
0x476: {  	v1 =	vld [tilespmem:s5+$0x41C0]  }
0x477: {  	[tilespmem:s5+$0x14190] =	vst v3;
	v4 =	vadd.f32 v6, v2;
	v2 =	vld [tilespmem:s5+$0x141D0]  }
0x478: {  	v3 =	vld [tilespmem:s5+$0x41D0]  }
0x479: {  	s7 =	sadd.s32 $0x800, s7;
	[tilespmem:s5+$0x141A0] =	vst v4;
	v5 =	vadd.f32 v7, v5;
	v4 =	vld [tilespmem:s5+$0x141E0]  }
0x47a: {  	v6 =	vld [tilespmem:s5+$0x41E0];
	_ =	sdelay $0x2  }
0x47b: {  	v0 =	vadd.f32 v1, v0  }
0x47c: {  	[tilespmem:s5+$0x141B0] =	vst v5;
	v62 =	vadd.f32 v3, v2  }
0x47d: {  	[tilespmem:s5+$0x141C0] =	vst v0;
	v63 =	vadd.f32 v6, v4  }
0x47e: {  	[tilespmem:s5+$0x141D0] =	vst v62  }
0x47f: {  	[tilespmem:s5+$0x141E0] =	vst v63  }
0x480: {  	[hbm4b:s19+s2] =	stream.linear.scatter [tilespmem:s28], [sflag:$0x8], $0x4000, $0x38;
	[tilespmem:$0x18000] =	vst v63  }
0x481: {  	_ =	swait.ge [sflag:s30], $0x4000  }
0x482: {  	[sflag:s30] =	ssyncset.done $0x0  }
0x483: {  	[sflag:s30] =	ssyncadd.s32 $0xFFFFC000  }
0x484: {  	_ =	swait.ge [sflag:s0], $0x4000  }
0x485: {  	[sflag:s0] =	ssyncset.done $0x0  }
0x486: {  	s4 =	sadd.s32 $0x1, s4;
	[sflag:s0] =	ssyncadd.s32 $0xFFFFC000  }
0x487: {  	p0 =	sne.s32 s4, s20;
	_ =	swait.ge [sflag:s1], $0x4000  }
.Ltmp8:
0x488: {  	[sflag:s1] =	ssyncset.done $0x0;
	(pc) =	sbr.rel @p0 .LBB2_1-.Ltmp8, $4  }
0x489: {  	[sflag:s1] =	ssyncadd.s32 $0xFFFFC000  }
0x48a: {  	_ =	swait.ge [sflag:s3], $0x4000  }
0x48b: {  	[sflag:s3] =	ssyncset.done $0x0  }
0x48c: {  	[sflag:s3] =	ssyncadd.s32 $0xFFFFC000  }
0x48d: {  	_ =	sfence.sel $0x180000  }
0x48e: {  	[bflag:$0x0] =	sbarrier.arrive $0xFFFF  }
0x48f: {  	_ =	strace $0x90000047  }
0x490: {  	s0 =	stileid.u32;
	[bflag:$0x2] =	sbarrier.arrive $0xFFFF  }
0x491: {  	p0 =	sne.s32 s0, $0x0;
	s0 =	rddreg [dreg:$0x3]  }
0x492: {  	s0 =	sadd.s32 @!p0 $0x100000, s0  }
0x493: {  	[sflag:s0] =	ssyncadd.tile.s32 @!p0 $0x1;
	_ =	shalt  }
.Lfunc_end2:
_tile_overlayer_lowered:
.L_overlay_start_2:
0x494: {  	(tag) =	ssettag $0x2  }
0x495: {  	s0 =	rddreg [dreg:$0x0];
	s2 =	stileid.u32  }
0x496: {  	s1 =	rddreg [dreg:$0x1];
	p0 =	sne.s32 s2, $0x0  }
0x497: {  	s3 =	rddreg [dreg:$0x2];
	[bflag:$0x3] =	sbarrier.arrive $0xFFFF;
	s2 =	simm.s32 @!p0 $0x1C09  }
0x498: {  	[timem:s3], [sflag:s2] =	dma.local @!p0 [hbm:s0], s1  }
0x499: {  	s0 =	simm.s32 @!p0 $0x9  }
0x49a: {  	_ =	swait.ge @!p0 [sflag:s0], s1  }
0x49b: {  	s1 =	ssub.s32 @!p0 $0x0, s1;
	[sflag:s0] =	ssyncset.done @!p0 $0x0  }
0x49c: {  	[sflag:s0] =	ssyncadd.s32 @!p0 s1  }
0x49d: {  	[bflag:$0x3] =	sbarrier.arrive $0xFFFF  }
0x49e: {  	_ =	shalt  }

</sc_bundles>
